<compile_context>
chip_gen: v7x
topology: tpu7x:2x2x1
jax: 0.10.2.dev20260603
libtpu: 0.0.44.dev20260713+nightly
codegen_flags: <defaults>
</compile_context>

<pallas_src>
import functools

import jax
import jax.numpy as jnp
import numpy as np
from jax import lax
from jax.experimental import pallas as pl
from jax.experimental.pallas import tpu as pltpu
from jax.experimental.pallas import tpu_sc as plsc

SMALLEST_FLOAT = float(np.finfo(np.float32).tiny) / 100.0

_SC_C = 2
_SC_D = 4


@jax.jit
def kernel(logits, labels, candidate_ids):
    B, N = logits.shape
    info = plsc.get_sparse_core_info()
    NC, NS, L = info.num_cores, info.num_subcores, info.num_lanes
    NW = NC * NS
    C = _SC_C
    D = _SC_D
    rows_per_w = B // NW
    n_groups = rows_per_w // C
    n_q = N // (4 * L)
    n_t = N // L

    mesh = plsc.VectorSubcoreMesh(core_axis_name="c", subcore_axis_name="s")

    @functools.partial(
        pl.kernel,
        mesh=mesh,
        out_type=jax.ShapeDtypeStruct((B, N), jnp.float32),
        scratch_types=[
            pltpu.VMEM((D, C, N), jnp.float32),
            pltpu.VMEM((D, C, N), jnp.float32),
            pltpu.VMEM((D, C, N), jnp.float32),
            pltpu.VMEM((N,), jnp.int32),
        ] + [pltpu.SemaphoreType.DMA] * (2 * D),
        compiler_params=pltpu.CompilerParams(needs_layout_passes=False),
    )
    def sc_body(logits_hbm, labels_hbm, cids_hbm, out_hbm,
                lab_v, log_v, out_v, cids_v, *sems):
        wid = lax.axis_index("s") * NC + lax.axis_index("c")
        base = wid * rows_per_w
        sin = list(sems[:D])
        sout = list(sems[D:])
        iota = lax.broadcasted_iota(jnp.int32, (L,), 0)
        neg_inf = jnp.full((L,), -jnp.inf, jnp.float32)
        zero_i = jnp.zeros((L,), jnp.int32)
        big_i = jnp.full((L,), N, jnp.int32)
        sf = jnp.full((L,), SMALLEST_FLOAT, jnp.float32)
        zf = jnp.zeros((L,), jnp.float32)

        def start_in(g, p):
            r0 = base + g * C
            pltpu.async_copy(labels_hbm.at[pl.ds(r0, C)], lab_v.at[p], sin[p])
            pltpu.async_copy(logits_hbm.at[pl.ds(r0, C)], log_v.at[p], sin[p])

        def wait_in(g, p):
            r0 = base + g * C
            pltpu.make_async_copy(
                labels_hbm.at[pl.ds(r0, C)], lab_v.at[p], sin[p]).wait()
            pltpu.make_async_copy(
                logits_hbm.at[pl.ds(r0, C)], log_v.at[p], sin[p]).wait()

        def wait_out(g, p):
            r0 = base + g * C
            pltpu.make_async_copy(
                out_v.at[p], out_hbm.at[pl.ds(r0, C)], sout[p]).wait()

        for p0 in range(D):
            start_in(p0, p0)
        pltpu.sync_copy(cids_hbm, cids_v)

        def tick(g, p):
            r0 = base + g * C
            wait_in(g, p)
            pl.when(g >= D)(lambda: wait_out(g - D, p))
            pos = []
            for c in range(C):
                def p1(t, carry):
                    m0, m1, m2, m3, i0, i1, i2, i3 = carry
                    ms = [m0, m1, m2, m3]
                    js = [i0, i1, i2, i3]
                    tL = t * (4 * L)
                    for j in range(4):
                        off = tL + j * L
                        v = lab_v[p, c, pl.ds(off, L)]
                        cond = v > ms[j]
                        js[j] = jnp.where(cond, iota + off, js[j])
                        ms[j] = jnp.maximum(ms[j], v)
                    return tuple(ms) + tuple(js)

                m0, m1, m2, m3, i0, i1, i2, i3 = plsc.parallel_loop(
                    0, n_q, unroll=4,
                    carry=(neg_inf, neg_inf, neg_inf, neg_inf,
                           zero_i, zero_i, zero_i, zero_i))(p1)
                mm = jnp.maximum(jnp.maximum(m0, m1), jnp.maximum(m2, m3))
                rowmax = plsc.cummax(lax.rev(plsc.cummax(mm), (0,)))
                cand = jnp.minimum(
                    jnp.minimum(jnp.where(m0 == rowmax, i0, big_i),
                                jnp.where(m1 == rowmax, i1, big_i)),
                    jnp.minimum(jnp.where(m2 == rowmax, i2, big_i),
                                jnp.where(m3 == rowmax, i3, big_i)))
                idx_vec = -plsc.cummax(lax.rev(plsc.cummax(-cand), (0,)))
                pos.append(plsc.load_gather(cids_v, [idx_vec]))

            def p2(t):
                off = t * L
                cid = cids_v[pl.ds(off, L)]
                for c in range(C):
                    val = jnp.where(cid == pos[c], sf, zf)
                    out_v[p, c, pl.ds(off, L)] = log_v[p, c, pl.ds(off, L)] + val

            plsc.parallel_loop(0, n_t, unroll=4)(p2)
            pltpu.async_copy(out_v.at[p], out_hbm.at[pl.ds(r0, C)], sout[p])
            pl.when(g + D < n_groups)(lambda: start_in(g + D, p))

        def turn(h, _):
            for p0 in range(D):
                tick(D * h + p0, p0)
            return 0

        lax.fori_loop(0, n_groups // D, turn, 0)
        for p0 in range(D):
            wait_out(n_groups - D + p0, p0)

    return sc_body(logits, labels, candidate_ids)

# --- scband reference (transcript-rebuilt; emitter-appended) ---
"""Pipeline reference for scband-remove-accidental-hits-37744172597944 (READ-ONLY COPY).

The authoritative reference and input builder live on the scoring server;
editing this copy changes nothing except your own understanding.
"""

import jax, jax.numpy as jnp
import numpy as np

SMALLEST_FLOAT = float(np.finfo(np.float32).tiny) / 100.0


def setup_inputs(seed: int = 0) -> dict:
    key = jax.random.key(seed)
    k1, k2, k3 = jax.random.split(key, 3)
    B, N = 4096, 4096
    logits = jax.random.normal(k1, (B, N), dtype=jnp.float32)
    labels = jax.random.uniform(k2, (B, N), dtype=jnp.float32)
    candidate_ids = jax.random.randint(k3, (N,), 0, 1000000, dtype=jnp.int32)
    return {"logits": logits, "labels": labels, "candidate_ids": candidate_ids}


def reference(logits, labels, candidate_ids):
    # candidate_ids rank (1) < labels rank (2): expand dims at front, like keras ops.expand_dims
    cids = candidate_ids[None, :]  # [1, N]
    # positive index per row from one-hot/soft labels
    positive_indices = jnp.argmax(labels, axis=-1)[:, None]  # [B, 1]
    # ops.take without axis flattens; cids has leading dim 1 so flat index == candidate index
    positive_candidate_ids = jnp.take(cids, positive_indices)  # [B, 1]
    duplicate = (positive_candidate_ids == cids).astype(labels.dtype)  # [B, N]
    duplicate = duplicate - labels
    return logits + duplicate * SMALLEST_FLOAT

if __name__ == "__main__":
    import jax
    _d = setup_inputs()
    print(jax.jit(kernel)(*tuple(_d.values())))

</pallas_src>

<mosaic_0001>
#map = affine_map<(d0, d1) -> (0, 0)>
#map1 = affine_map<(d0, d1) -> (0)>
module attributes {stable_mosaic.version = 14 : i64} {
  func.func @sc_body(%arg0: i32, %arg1: i32, %arg2: memref<4096x4096xf32, #tpu.memory_space<hbm>>, %arg3: memref<4096x4096xf32, #tpu.memory_space<hbm>>, %arg4: memref<4096xi32, #tpu.memory_space<hbm>>, %arg5: memref<4096x4096xf32, #tpu.memory_space<hbm>>, %arg6: memref<4x2x4096xf32, #tpu.memory_space<vmem>>, %arg7: memref<4x2x4096xf32, #tpu.memory_space<vmem>>, %arg8: memref<4x2x4096xf32, #tpu.memory_space<vmem>>, %arg9: memref<4096xi32, #tpu.memory_space<vmem>>, %arg10: memref<!tpu.dma_semaphore, #tpu.memory_space<semaphore_mem>>, %arg11: memref<!tpu.dma_semaphore, #tpu.memory_space<semaphore_mem>>, %arg12: memref<!tpu.dma_semaphore, #tpu.memory_space<semaphore_mem>>, %arg13: memref<!tpu.dma_semaphore, #tpu.memory_space<semaphore_mem>>, %arg14: memref<!tpu.dma_semaphore, #tpu.memory_space<semaphore_mem>>, %arg15: memref<!tpu.dma_semaphore, #tpu.memory_space<semaphore_mem>>, %arg16: memref<!tpu.dma_semaphore, #tpu.memory_space<semaphore_mem>>, %arg17: memref<!tpu.dma_semaphore, #tpu.memory_space<semaphore_mem>>) attributes {dimension_semantics = [#tpu.dimension_semantics<core_parallel>, #tpu.dimension_semantics<subcore_parallel>], iteration_bounds = array<i64: 2, 16>, scalar_prefetch = 0 : i64, scratch_operands = 12 : i64, tpu.core_type = #tpu.core_type<sc_vector_subcore>, window_params = [{transform_indices = #map}, {transform_indices = #map}, {transform_indices = #map1}, {transform_indices = #map}]} {
    %mul3A = arith.constant 2 : i32
    %mul3A_0 = arith.muli %arg1, %mul3A : i32
    %add3A = arith.addi %mul3A_0, %arg0 : i32
    %mul3A_1 = arith.constant 128 : i32
    %mul3A_2 = arith.muli %add3A, %mul3A_1 : i32
    %iota3A = tpu.iota {dimensions = array<i32: 0>} : vector<16xi32>
    %broadcast_in_dim3A = arith.constant 0xFF800000 : f32
    %broadcast_in_dim3A_3 = vector.broadcast %broadcast_in_dim3A : f32 to vector<16xf32>
    %broadcast_in_dim3A_4 = arith.constant 0 : i32
    %broadcast_in_dim3A_5 = vector.broadcast %broadcast_in_dim3A_4 : i32 to vector<16xi32>
    %broadcast_in_dim3A_6 = arith.constant 4096 : i32
    %broadcast_in_dim3A_7 = vector.broadcast %broadcast_in_dim3A_6 : i32 to vector<16xi32>
    %broadcast_in_dim3A_8 = arith.constant 1.175490e-40 : f32
    %broadcast_in_dim3A_9 = vector.broadcast %broadcast_in_dim3A_8 : f32 to vector<16xf32>
    %broadcast_in_dim3A_10 = arith.constant 0.000000e+00 : f32
    %broadcast_in_dim3A_11 = vector.broadcast %broadcast_in_dim3A_10 : f32 to vector<16xf32>
    %add3A_12 = arith.constant 0 : i32
    %add3A_13 = arith.addi %mul3A_2, %add3A_12 : i32
    %dma_start3A = arith.constant 0 : i32
    %dma_start3A_14 = arith.constant 0 : i32
    %dma_start3A_15 = arith.constant 0 : i32
    %dma_start3A_16 = tpu.memref_slice %arg6[%dma_start3A, %dma_start3A_14, %dma_start3A_15] : memref<4x2x4096xf32, #tpu.memory_space<vmem>> -> memref<1x2x4096xf32, #tpu.memory_space<vmem>>
    %dma_start3A_17 = tpu.memref_squeeze %dma_start3A_16 : memref<1x2x4096xf32, #tpu.memory_space<vmem>> -> memref<2x4096xf32, #tpu.memory_space<vmem>>
    %dma_start3A_18 = arith.constant 0 : i32
    %dma_start3A_19 = tpu.memref_slice %arg3[%add3A_13, %dma_start3A_18] : memref<4096x4096xf32, #tpu.memory_space<hbm>> -> memref<2x4096xf32, #tpu.memory_space<hbm>>
    %dma_start3A_20 = arith.constant 0 : i32
    %dma_start3A_21 = arith.constant 0 : i32
    %dma_start3A_22 = tpu.memref_slice %arg6[%dma_start3A, %dma_start3A_20, %dma_start3A_21] : memref<4x2x4096xf32, #tpu.memory_space<vmem>> -> memref<1x2x4096xf32, #tpu.memory_space<vmem>>
    %dma_start3A_23 = tpu.memref_squeeze %dma_start3A_22 : memref<1x2x4096xf32, #tpu.memory_space<vmem>> -> memref<2x4096xf32, #tpu.memory_space<vmem>>
    %dma_start3A_24 = arith.constant 0 : i32
    %dma_start3A_25 = tpu.memref_slice %arg3[%add3A_13, %dma_start3A_24] : memref<4096x4096xf32, #tpu.memory_space<hbm>> -> memref<2x4096xf32, #tpu.memory_space<hbm>>
    tpu.enqueue_dma source(%dma_start3A_25 : memref<2x4096xf32, #tpu.memory_space<hbm>>) target(%dma_start3A_23 : memref<2x4096xf32, #tpu.memory_space<vmem>>) target_semaphore(%arg10 : memref<!tpu.dma_semaphore, #tpu.memory_space<semaphore_mem>>)
    %dma_start3A_26 = arith.constant 0 : i32
    %dma_start3A_27 = arith.constant 0 : i32
    %dma_start3A_28 = arith.constant 0 : i32
    %dma_start3A_29 = tpu.memref_slice %arg7[%dma_start3A_26, %dma_start3A_27, %dma_start3A_28] : memref<4x2x4096xf32, #tpu.memory_space<vmem>> -> memref<1x2x4096xf32, #tpu.memory_space<vmem>>
    %dma_start3A_30 = tpu.memref_squeeze %dma_start3A_29 : memref<1x2x4096xf32, #tpu.memory_space<vmem>> -> memref<2x4096xf32, #tpu.memory_space<vmem>>
    %dma_start3A_31 = arith.constant 0 : i32
    %dma_start3A_32 = tpu.memref_slice %arg2[%add3A_13, %dma_start3A_31] : memref<4096x4096xf32, #tpu.memory_space<hbm>> -> memref<2x4096xf32, #tpu.memory_space<hbm>>
    %dma_start3A_33 = arith.constant 0 : i32
    %dma_start3A_34 = arith.constant 0 : i32
    %dma_start3A_35 = tpu.memref_slice %arg7[%dma_start3A_26, %dma_start3A_33, %dma_start3A_34] : memref<4x2x4096xf32, #tpu.memory_space<vmem>> -> memref<1x2x4096xf32, #tpu.memory_space<vmem>>
    %dma_start3A_36 = tpu.memref_squeeze %dma_start3A_35 : memref<1x2x4096xf32, #tpu.memory_space<vmem>> -> memref<2x4096xf32, #tpu.memory_space<vmem>>
    %dma_start3A_37 = arith.constant 0 : i32
    %dma_start3A_38 = tpu.memref_slice %arg2[%add3A_13, %dma_start3A_37] : memref<4096x4096xf32, #tpu.memory_space<hbm>> -> memref<2x4096xf32, #tpu.memory_space<hbm>>
    tpu.enqueue_dma source(%dma_start3A_38 : memref<2x4096xf32, #tpu.memory_space<hbm>>) target(%dma_start3A_36 : memref<2x4096xf32, #tpu.memory_space<vmem>>) target_semaphore(%arg10 : memref<!tpu.dma_semaphore, #tpu.memory_space<semaphore_mem>>)
    %add3A_39 = arith.constant 2 : i32
    %add3A_40 = arith.addi %mul3A_2, %add3A_39 : i32
    %dma_start3A_41 = arith.constant 1 : i32
    %dma_start3A_42 = arith.constant 0 : i32
    %dma_start3A_43 = arith.constant 0 : i32
    %dma_start3A_44 = tpu.memref_slice %arg6[%dma_start3A_41, %dma_start3A_42, %dma_start3A_43] : memref<4x2x4096xf32, #tpu.memory_space<vmem>> -> memref<1x2x4096xf32, #tpu.memory_space<vmem>>
    %dma_start3A_45 = tpu.memref_squeeze %dma_start3A_44 : memref<1x2x4096xf32, #tpu.memory_space<vmem>> -> memref<2x4096xf32, #tpu.memory_space<vmem>>
    %dma_start3A_46 = arith.constant 0 : i32
    %dma_start3A_47 = tpu.memref_slice %arg3[%add3A_40, %dma_start3A_46] : memref<4096x4096xf32, #tpu.memory_space<hbm>> -> memref<2x4096xf32, #tpu.memory_space<hbm>>
    %dma_start3A_48 = arith.constant 0 : i32
    %dma_start3A_49 = arith.constant 0 : i32
    %dma_start3A_50 = tpu.memref_slice %arg6[%dma_start3A_41, %dma_start3A_48, %dma_start3A_49] : memref<4x2x4096xf32, #tpu.memory_space<vmem>> -> memref<1x2x4096xf32, #tpu.memory_space<vmem>>
    %dma_start3A_51 = tpu.memref_squeeze %dma_start3A_50 : memref<1x2x4096xf32, #tpu.memory_space<vmem>> -> memref<2x4096xf32, #tpu.memory_space<vmem>>
    %dma_start3A_52 = arith.constant 0 : i32
    %dma_start3A_53 = tpu.memref_slice %arg3[%add3A_40, %dma_start3A_52] : memref<4096x4096xf32, #tpu.memory_space<hbm>> -> memref<2x4096xf32, #tpu.memory_space<hbm>>
    tpu.enqueue_dma source(%dma_start3A_53 : memref<2x4096xf32, #tpu.memory_space<hbm>>) target(%dma_start3A_51 : memref<2x4096xf32, #tpu.memory_space<vmem>>) target_semaphore(%arg11 : memref<!tpu.dma_semaphore, #tpu.memory_space<semaphore_mem>>)
    %dma_start3A_54 = arith.constant 1 : i32
    %dma_start3A_55 = arith.constant 0 : i32
    %dma_start3A_56 = arith.constant 0 : i32
    %dma_start3A_57 = tpu.memref_slice %arg7[%dma_start3A_54, %dma_start3A_55, %dma_start3A_56] : memref<4x2x4096xf32, #tpu.memory_space<vmem>> -> memref<1x2x4096xf32, #tpu.memory_space<vmem>>
    %dma_start3A_58 = tpu.memref_squeeze %dma_start3A_57 : memref<1x2x4096xf32, #tpu.memory_space<vmem>> -> memref<2x4096xf32, #tpu.memory_space<vmem>>
    %dma_start3A_59 = arith.constant 0 : i32
    %dma_start3A_60 = tpu.memref_slice %arg2[%add3A_40, %dma_start3A_59] : memref<4096x4096xf32, #tpu.memory_space<hbm>> -> memref<2x4096xf32, #tpu.memory_space<hbm>>
    %dma_start3A_61 = arith.constant 0 : i32
    %dma_start3A_62 = arith.constant 0 : i32
    %dma_start3A_63 = tpu.memref_slice %arg7[%dma_start3A_54, %dma_start3A_61, %dma_start3A_62] : memref<4x2x4096xf32, #tpu.memory_space<vmem>> -> memref<1x2x4096xf32, #tpu.memory_space<vmem>>
    %dma_start3A_64 = tpu.memref_squeeze %dma_start3A_63 : memref<1x2x4096xf32, #tpu.memory_space<vmem>> -> memref<2x4096xf32, #tpu.memory_space<vmem>>
    %dma_start3A_65 = arith.constant 0 : i32
    %dma_start3A_66 = tpu.memref_slice %arg2[%add3A_40, %dma_start3A_65] : memref<4096x4096xf32, #tpu.memory_space<hbm>> -> memref<2x4096xf32, #tpu.memory_space<hbm>>
    tpu.enqueue_dma source(%dma_start3A_66 : memref<2x4096xf32, #tpu.memory_space<hbm>>) target(%dma_start3A_64 : memref<2x4096xf32, #tpu.memory_space<vmem>>) target_semaphore(%arg11 : memref<!tpu.dma_semaphore, #tpu.memory_space<semaphore_mem>>)
    %add3A_67 = arith.constant 4 : i32
    %add3A_68 = arith.addi %mul3A_2, %add3A_67 : i32
    %dma_start3A_69 = arith.constant 2 : i32
    %dma_start3A_70 = arith.constant 0 : i32
    %dma_start3A_71 = arith.constant 0 : i32
    %dma_start3A_72 = tpu.memref_slice %arg6[%dma_start3A_69, %dma_start3A_70, %dma_start3A_71] : memref<4x2x4096xf32, #tpu.memory_space<vmem>> -> memref<1x2x4096xf32, #tpu.memory_space<vmem>>
    %dma_start3A_73 = tpu.memref_squeeze %dma_start3A_72 : memref<1x2x4096xf32, #tpu.memory_space<vmem>> -> memref<2x4096xf32, #tpu.memory_space<vmem>>
    %dma_start3A_74 = arith.constant 0 : i32
    %dma_start3A_75 = tpu.memref_slice %arg3[%add3A_68, %dma_start3A_74] : memref<4096x4096xf32, #tpu.memory_space<hbm>> -> memref<2x4096xf32, #tpu.memory_space<hbm>>
    %dma_start3A_76 = arith.constant 0 : i32
    %dma_start3A_77 = arith.constant 0 : i32
    %dma_start3A_78 = tpu.memref_slice %arg6[%dma_start3A_69, %dma_start3A_76, %dma_start3A_77] : memref<4x2x4096xf32, #tpu.memory_space<vmem>> -> memref<1x2x4096xf32, #tpu.memory_space<vmem>>
    %dma_start3A_79 = tpu.memref_squeeze %dma_start3A_78 : memref<1x2x4096xf32, #tpu.memory_space<vmem>> -> memref<2x4096xf32, #tpu.memory_space<vmem>>
    %dma_start3A_80 = arith.constant 0 : i32
    %dma_start3A_81 = tpu.memref_slice %arg3[%add3A_68, %dma_start3A_80] : memref<4096x4096xf32, #tpu.memory_space<hbm>> -> memref<2x4096xf32, #tpu.memory_space<hbm>>
    tpu.enqueue_dma source(%dma_start3A_81 : memref<2x4096xf32, #tpu.memory_space<hbm>>) target(%dma_start3A_79 : memref<2x4096xf32, #tpu.memory_space<vmem>>) target_semaphore(%arg12 : memref<!tpu.dma_semaphore, #tpu.memory_space<semaphore_mem>>)
    %dma_start3A_82 = arith.constant 2 : i32
    %dma_start3A_83 = arith.constant 0 : i32
    %dma_start3A_84 = arith.constant 0 : i32
    %dma_start3A_85 = tpu.memref_slice %arg7[%dma_start3A_82, %dma_start3A_83, %dma_start3A_84] : memref<4x2x4096xf32, #tpu.memory_space<vmem>> -> memref<1x2x4096xf32, #tpu.memory_space<vmem>>
    %dma_start3A_86 = tpu.memref_squeeze %dma_start3A_85 : memref<1x2x4096xf32, #tpu.memory_space<vmem>> -> memref<2x4096xf32, #tpu.memory_space<vmem>>
    %dma_start3A_87 = arith.constant 0 : i32
    %dma_start3A_88 = tpu.memref_slice %arg2[%add3A_68, %dma_start3A_87] : memref<4096x4096xf32, #tpu.memory_space<hbm>> -> memref<2x4096xf32, #tpu.memory_space<hbm>>
    %dma_start3A_89 = arith.constant 0 : i32
    %dma_start3A_90 = arith.constant 0 : i32
    %dma_start3A_91 = tpu.memref_slice %arg7[%dma_start3A_82, %dma_start3A_89, %dma_start3A_90] : memref<4x2x4096xf32, #tpu.memory_space<vmem>> -> memref<1x2x4096xf32, #tpu.memory_space<vmem>>
    %dma_start3A_92 = tpu.memref_squeeze %dma_start3A_91 : memref<1x2x4096xf32, #tpu.memory_space<vmem>> -> memref<2x4096xf32, #tpu.memory_space<vmem>>
    %dma_start3A_93 = arith.constant 0 : i32
    %dma_start3A_94 = tpu.memref_slice %arg2[%add3A_68, %dma_start3A_93] : memref<4096x4096xf32, #tpu.memory_space<hbm>> -> memref<2x4096xf32, #tpu.memory_space<hbm>>
    tpu.enqueue_dma source(%dma_start3A_94 : memref<2x4096xf32, #tpu.memory_space<hbm>>) target(%dma_start3A_92 : memref<2x4096xf32, #tpu.memory_space<vmem>>) target_semaphore(%arg12 : memref<!tpu.dma_semaphore, #tpu.memory_space<semaphore_mem>>)
    %add3A_95 = arith.constant 6 : i32
    %add3A_96 = arith.addi %mul3A_2, %add3A_95 : i32
    %dma_start3A_97 = arith.constant 3 : i32
    %dma_start3A_98 = arith.constant 0 : i32
    %dma_start3A_99 = arith.constant 0 : i32
    %dma_start3A_100 = tpu.memref_slice %arg6[%dma_start3A_97, %dma_start3A_98, %dma_start3A_99] : memref<4x2x4096xf32, #tpu.memory_space<vmem>> -> memref<1x2x4096xf32, #tpu.memory_space<vmem>>
    %dma_start3A_101 = tpu.memref_squeeze %dma_start3A_100 : memref<1x2x4096xf32, #tpu.memory_space<vmem>> -> memref<2x4096xf32, #tpu.memory_space<vmem>>
    %dma_start3A_102 = arith.constant 0 : i32
    %dma_start3A_103 = tpu.memref_slice %arg3[%add3A_96, %dma_start3A_102] : memref<4096x4096xf32, #tpu.memory_space<hbm>> -> memref<2x4096xf32, #tpu.memory_space<hbm>>
    %dma_start3A_104 = arith.constant 0 : i32
    %dma_start3A_105 = arith.constant 0 : i32
    %dma_start3A_106 = tpu.memref_slice %arg6[%dma_start3A_97, %dma_start3A_104, %dma_start3A_105] : memref<4x2x4096xf32, #tpu.memory_space<vmem>> -> memref<1x2x4096xf32, #tpu.memory_space<vmem>>
    %dma_start3A_107 = tpu.memref_squeeze %dma_start3A_106 : memref<1x2x4096xf32, #tpu.memory_space<vmem>> -> memref<2x4096xf32, #tpu.memory_space<vmem>>
    %dma_start3A_108 = arith.constant 0 : i32
    %dma_start3A_109 = tpu.memref_slice %arg3[%add3A_96, %dma_start3A_108] : memref<4096x4096xf32, #tpu.memory_space<hbm>> -> memref<2x4096xf32, #tpu.memory_space<hbm>>
    tpu.enqueue_dma source(%dma_start3A_109 : memref<2x4096xf32, #tpu.memory_space<hbm>>) target(%dma_start3A_107 : memref<2x4096xf32, #tpu.memory_space<vmem>>) target_semaphore(%arg13 : memref<!tpu.dma_semaphore, #tpu.memory_space<semaphore_mem>>)
    %dma_start3A_110 = arith.constant 3 : i32
    %dma_start3A_111 = arith.constant 0 : i32
    %dma_start3A_112 = arith.constant 0 : i32
    %dma_start3A_113 = tpu.memref_slice %arg7[%dma_start3A_110, %dma_start3A_111, %dma_start3A_112] : memref<4x2x4096xf32, #tpu.memory_space<vmem>> -> memref<1x2x4096xf32, #tpu.memory_space<vmem>>
    %dma_start3A_114 = tpu.memref_squeeze %dma_start3A_113 : memref<1x2x4096xf32, #tpu.memory_space<vmem>> -> memref<2x4096xf32, #tpu.memory_space<vmem>>
    %dma_start3A_115 = arith.constant 0 : i32
    %dma_start3A_116 = tpu.memref_slice %arg2[%add3A_96, %dma_start3A_115] : memref<4096x4096xf32, #tpu.memory_space<hbm>> -> memref<2x4096xf32, #tpu.memory_space<hbm>>
    %dma_start3A_117 = arith.constant 0 : i32
    %dma_start3A_118 = arith.constant 0 : i32
    %dma_start3A_119 = tpu.memref_slice %arg7[%dma_start3A_110, %dma_start3A_117, %dma_start3A_118] : memref<4x2x4096xf32, #tpu.memory_space<vmem>> -> memref<1x2x4096xf32, #tpu.memory_space<vmem>>
    %dma_start3A_120 = tpu.memref_squeeze %dma_start3A_119 : memref<1x2x4096xf32, #tpu.memory_space<vmem>> -> memref<2x4096xf32, #tpu.memory_space<vmem>>
    %dma_start3A_121 = arith.constant 0 : i32
    %dma_start3A_122 = tpu.memref_slice %arg2[%add3A_96, %dma_start3A_121] : memref<4096x4096xf32, #tpu.memory_space<hbm>> -> memref<2x4096xf32, #tpu.memory_space<hbm>>
    tpu.enqueue_dma source(%dma_start3A_122 : memref<2x4096xf32, #tpu.memory_space<hbm>>) target(%dma_start3A_120 : memref<2x4096xf32, #tpu.memory_space<vmem>>) target_semaphore(%arg13 : memref<!tpu.dma_semaphore, #tpu.memory_space<semaphore_mem>>)
    "tpu.region"() ({
      %run_scoped3A = tpu.sem_alloc : memref<!tpu.dma_semaphore, #tpu.memory_space<semaphore_mem>>
      tpu.enqueue_dma source(%arg4 : memref<4096xi32, #tpu.memory_space<hbm>>) target(%arg9 : memref<4096xi32, #tpu.memory_space<vmem>>) target_semaphore(%run_scoped3A : memref<!tpu.dma_semaphore, #tpu.memory_space<semaphore_mem>>)
      tpu.wait_dma2 semaphore(%run_scoped3A : memref<!tpu.dma_semaphore, #tpu.memory_space<semaphore_mem>>) src(%arg4 : memref<4096xi32, #tpu.memory_space<hbm>>) dst(%arg9 : memref<4096xi32, #tpu.memory_space<vmem>>)
      tpu.yield
    }) : () -> ()
    %scan3A = arith.constant 0 : i32
    %scan3A_123 = arith.constant 0 : i32
    %scan3A_124 = arith.constant 16 : i32
    %scan3A_125 = arith.addi %scan3A_123, %scan3A_124 : i32
    %scan3A_126 = arith.constant 1 : i32
    %scan3A_127 = scf.for %scan3A_188 = %scan3A_123 to %scan3A_125 step %scan3A_126 iter_args(%scan3A_189 = %scan3A) -> (i32)  : i32 {
      %mul3A_190 = arith.constant 4 : i32
      %mul3A_191 = arith.muli %mul3A_190, %scan3A_188 : i32
      %add3A_192 = arith.constant 0 : i32
      %add3A_193 = arith.addi %mul3A_191, %add3A_192 : i32
      %mul3A_194 = arith.constant 2 : i32
      %mul3A_195 = arith.muli %add3A_193, %mul3A_194 : i32
      %add3A_196 = arith.addi %mul3A_2, %mul3A_195 : i32
      %mul3A_197 = arith.constant 2 : i32
      %mul3A_198 = arith.muli %add3A_193, %mul3A_197 : i32
      %add3A_199 = arith.addi %mul3A_2, %mul3A_198 : i32
      %dma_wait3A_200 = arith.constant 0 : i32
      %dma_wait3A_201 = arith.constant 0 : i32
      %dma_wait3A_202 = arith.constant 0 : i32
      %dma_wait3A_203 = tpu.memref_slice %arg6[%dma_wait3A_200, %dma_wait3A_201, %dma_wait3A_202] : memref<4x2x4096xf32, #tpu.memory_space<vmem>> -> memref<1x2x4096xf32, #tpu.memory_space<vmem>>
      %dma_wait3A_204 = tpu.memref_squeeze %dma_wait3A_203 : memref<1x2x4096xf32, #tpu.memory_space<vmem>> -> memref<2x4096xf32, #tpu.memory_space<vmem>>
      %dma_wait3A_205 = arith.constant 0 : i32
      %dma_wait3A_206 = tpu.memref_slice %arg3[%add3A_199, %dma_wait3A_205] : memref<4096x4096xf32, #tpu.memory_space<hbm>> -> memref<2x4096xf32, #tpu.memory_space<hbm>>
      %dma_wait3A_207 = arith.constant 0 : i32
      %dma_wait3A_208 = arith.constant 0 : i32
      %dma_wait3A_209 = tpu.memref_slice %arg6[%dma_wait3A_200, %dma_wait3A_207, %dma_wait3A_208] : memref<4x2x4096xf32, #tpu.memory_space<vmem>> -> memref<1x2x4096xf32, #tpu.memory_space<vmem>>
      %dma_wait3A_210 = tpu.memref_squeeze %dma_wait3A_209 : memref<1x2x4096xf32, #tpu.memory_space<vmem>> -> memref<2x4096xf32, #tpu.memory_space<vmem>>
      %dma_wait3A_211 = arith.constant 0 : i32
      %dma_wait3A_212 = tpu.memref_slice %arg3[%add3A_199, %dma_wait3A_211] : memref<4096x4096xf32, #tpu.memory_space<hbm>> -> memref<2x4096xf32, #tpu.memory_space<hbm>>
      tpu.wait_dma2 semaphore(%arg10 : memref<!tpu.dma_semaphore, #tpu.memory_space<semaphore_mem>>) src(%dma_wait3A_212 : memref<2x4096xf32, #tpu.memory_space<hbm>>) dst(%dma_wait3A_210 : memref<2x4096xf32, #tpu.memory_space<vmem>>)
      %dma_wait3A_213 = arith.constant 0 : i32
      %dma_wait3A_214 = arith.constant 0 : i32
      %dma_wait3A_215 = arith.constant 0 : i32
      %dma_wait3A_216 = tpu.memref_slice %arg7[%dma_wait3A_213, %dma_wait3A_214, %dma_wait3A_215] : memref<4x2x4096xf32, #tpu.memory_space<vmem>> -> memref<1x2x4096xf32, #tpu.memory_space<vmem>>
      %dma_wait3A_217 = tpu.memref_squeeze %dma_wait3A_216 : memref<1x2x4096xf32, #tpu.memory_space<vmem>> -> memref<2x4096xf32, #tpu.memory_space<vmem>>
      %dma_wait3A_218 = arith.constant 0 : i32
      %dma_wait3A_219 = tpu.memref_slice %arg2[%add3A_199, %dma_wait3A_218] : memref<4096x4096xf32, #tpu.memory_space<hbm>> -> memref<2x4096xf32, #tpu.memory_space<hbm>>
      %dma_wait3A_220 = arith.constant 0 : i32
      %dma_wait3A_221 = arith.constant 0 : i32
      %dma_wait3A_222 = tpu.memref_slice %arg7[%dma_wait3A_213, %dma_wait3A_220, %dma_wait3A_221] : memref<4x2x4096xf32, #tpu.memory_space<vmem>> -> memref<1x2x4096xf32, #tpu.memory_space<vmem>>
      %dma_wait3A_223 = tpu.memref_squeeze %dma_wait3A_222 : memref<1x2x4096xf32, #tpu.memory_space<vmem>> -> memref<2x4096xf32, #tpu.memory_space<vmem>>
      %dma_wait3A_224 = arith.constant 0 : i32
      %dma_wait3A_225 = tpu.memref_slice %arg2[%add3A_199, %dma_wait3A_224] : memref<4096x4096xf32, #tpu.memory_space<hbm>> -> memref<2x4096xf32, #tpu.memory_space<hbm>>
      tpu.wait_dma2 semaphore(%arg10 : memref<!tpu.dma_semaphore, #tpu.memory_space<semaphore_mem>>) src(%dma_wait3A_225 : memref<2x4096xf32, #tpu.memory_space<hbm>>) dst(%dma_wait3A_223 : memref<2x4096xf32, #tpu.memory_space<vmem>>)
      %ge3A = arith.constant 4 : i32
      %ge3A_226 = arith.cmpi sge, %add3A_193, %ge3A : i32
      %convert_element_type3A = arith.extui %ge3A_226 : i1 to i32
      %cond3A = arith.constant 0 : i32
      %cond3A_227 = arith.cmpi ne, %convert_element_type3A, %cond3A : i32
      scf.if %cond3A_227 {
        %sub3A = arith.constant 4 : i32
        %sub3A_874 = arith.subi %add3A_193, %sub3A : i32
        %mul3A_875 = arith.constant 2 : i32
        %mul3A_876 = arith.muli %sub3A_874, %mul3A_875 : i32
        %add3A_877 = arith.addi %mul3A_2, %mul3A_876 : i32
        %dma_wait3A_878 = arith.constant 0 : i32
        %dma_wait3A_879 = arith.constant 0 : i32
        %dma_wait3A_880 = arith.constant 0 : i32
        %dma_wait3A_881 = tpu.memref_slice %arg8[%dma_wait3A_878, %dma_wait3A_879, %dma_wait3A_880] : memref<4x2x4096xf32, #tpu.memory_space<vmem>> -> memref<1x2x4096xf32, #tpu.memory_space<vmem>>
        %dma_wait3A_882 = tpu.memref_squeeze %dma_wait3A_881 : memref<1x2x4096xf32, #tpu.memory_space<vmem>> -> memref<2x4096xf32, #tpu.memory_space<vmem>>
        %dma_wait3A_883 = arith.constant 0 : i32
        %dma_wait3A_884 = tpu.memref_slice %arg5[%add3A_877, %dma_wait3A_883] : memref<4096x4096xf32, #tpu.memory_space<hbm>> -> memref<2x4096xf32, #tpu.memory_space<hbm>>
        %dma_wait3A_885 = arith.constant 0 : i32
        %dma_wait3A_886 = tpu.memref_slice %arg5[%add3A_877, %dma_wait3A_885] : memref<4096x4096xf32, #tpu.memory_space<hbm>> -> memref<2x4096xf32, #tpu.memory_space<hbm>>
        %dma_wait3A_887 = arith.constant 0 : i32
        %dma_wait3A_888 = arith.constant 0 : i32
        %dma_wait3A_889 = tpu.memref_slice %arg8[%dma_wait3A_878, %dma_wait3A_887, %dma_wait3A_888] : memref<4x2x4096xf32, #tpu.memory_space<vmem>> -> memref<1x2x4096xf32, #tpu.memory_space<vmem>>
        %dma_wait3A_890 = tpu.memref_squeeze %dma_wait3A_889 : memref<1x2x4096xf32, #tpu.memory_space<vmem>> -> memref<2x4096xf32, #tpu.memory_space<vmem>>
        tpu.wait_dma2 semaphore(%arg14 : memref<!tpu.dma_semaphore, #tpu.memory_space<semaphore_mem>>) src(%dma_wait3A_890 : memref<2x4096xf32, #tpu.memory_space<vmem>>) dst(%dma_wait3A_886 : memref<2x4096xf32, #tpu.memory_space<hbm>>)
      } else {
      }
      %parallel_loop3A = arith.constant 0 : i32
      %parallel_loop3A_228 = arith.constant 64 : i32
      %parallel_loop3A_229 = arith.constant 1 : i32
      %parallel_loop3A_230:8 = scf.for %parallel_loop3A_874 = %parallel_loop3A to %parallel_loop3A_228 step %parallel_loop3A_229 iter_args(%parallel_loop3A_875 = %broadcast_in_dim3A_3, %parallel_loop3A_876 = %broadcast_in_dim3A_3, %parallel_loop3A_877 = %broadcast_in_dim3A_3, %parallel_loop3A_878 = %broadcast_in_dim3A_3, %parallel_loop3A_879 = %broadcast_in_dim3A_5, %parallel_loop3A_880 = %broadcast_in_dim3A_5, %parallel_loop3A_881 = %broadcast_in_dim3A_5, %parallel_loop3A_882 = %broadcast_in_dim3A_5) -> (vector<16xf32>, vector<16xf32>, vector<16xf32>, vector<16xf32>, vector<16xi32>, vector<16xi32>, vector<16xi32>, vector<16xi32>)  : i32 {
        %parallel_loop3A_883 = arith.constant 64 : i32
        %parallel_loop3A_884 = arith.muli %parallel_loop3A_874, %parallel_loop3A_883 : i32
        %parallel_loop3A_885 = arith.constant 0 : i32
        %parallel_loop3A_886 = arith.addi %parallel_loop3A_884, %parallel_loop3A_885 : i32
        %parallel_loop3A_887 = arith.constant 0 : i32
        %parallel_loop3A_888 = arith.constant 0 : i32
        %parallel_loop3A_889 = arith.index_cast %parallel_loop3A_887 : i32 to index
        %parallel_loop3A_890 = arith.index_cast %parallel_loop3A_888 : i32 to index
        %parallel_loop3A_891 = arith.index_cast %parallel_loop3A_886 : i32 to index
        %parallel_loop3A_892 = tpu.vector_load %arg6[%parallel_loop3A_889, %parallel_loop3A_890, %parallel_loop3A_891] {strides = array<i32>} : memref<4x2x4096xf32, #tpu.memory_space<vmem>>, vector<16xf32>,
        %parallel_loop3A_893 = arith.cmpf ogt, %parallel_loop3A_892, %parallel_loop3A_875 : vector<16xf32>
        %parallel_loop3A_894 = vector.broadcast %parallel_loop3A_886 : i32 to vector<16xi32>
        %parallel_loop3A_895 = arith.addi %iota3A, %parallel_loop3A_894 : vector<16xi32>
        %parallel_loop3A_896 = arith.select %parallel_loop3A_893, %parallel_loop3A_895, %parallel_loop3A_879 : vector<16xi1>, vector<16xi32>
        %parallel_loop3A_897 = arith.maximumf %parallel_loop3A_875, %parallel_loop3A_892 : vector<16xf32>
        %parallel_loop3A_898 = arith.constant 16 : i32
        %parallel_loop3A_899 = arith.addi %parallel_loop3A_884, %parallel_loop3A_898 : i32
        %parallel_loop3A_900 = arith.constant 0 : i32
        %parallel_loop3A_901 = arith.constant 0 : i32
        %parallel_loop3A_902 = arith.index_cast %parallel_loop3A_900 : i32 to index
        %parallel_loop3A_903 = arith.index_cast %parallel_loop3A_901 : i32 to index
        %parallel_loop3A_904 = arith.index_cast %parallel_loop3A_899 : i32 to index
        %parallel_loop3A_905 = tpu.vector_load %arg6[%parallel_loop3A_902, %parallel_loop3A_903, %parallel_loop3A_904] {strides = array<i32>} : memref<4x2x4096xf32, #tpu.memory_space<vmem>>, vector<16xf32>,
        %parallel_loop3A_906 = arith.cmpf ogt, %parallel_loop3A_905, %parallel_loop3A_876 : vector<16xf32>
        %parallel_loop3A_907 = vector.broadcast %parallel_loop3A_899 : i32 to vector<16xi32>
        %parallel_loop3A_908 = arith.addi %iota3A, %parallel_loop3A_907 : vector<16xi32>
        %parallel_loop3A_909 = arith.select %parallel_loop3A_906, %parallel_loop3A_908, %parallel_loop3A_880 : vector<16xi1>, vector<16xi32>
        %parallel_loop3A_910 = arith.maximumf %parallel_loop3A_876, %parallel_loop3A_905 : vector<16xf32>
        %parallel_loop3A_911 = arith.constant 32 : i32
        %parallel_loop3A_912 = arith.addi %parallel_loop3A_884, %parallel_loop3A_911 : i32
        %parallel_loop3A_913 = arith.constant 0 : i32
        %parallel_loop3A_914 = arith.constant 0 : i32
        %parallel_loop3A_915 = arith.index_cast %parallel_loop3A_913 : i32 to index
        %parallel_loop3A_916 = arith.index_cast %parallel_loop3A_914 : i32 to index
        %parallel_loop3A_917 = arith.index_cast %parallel_loop3A_912 : i32 to index
        %parallel_loop3A_918 = tpu.vector_load %arg6[%parallel_loop3A_915, %parallel_loop3A_916, %parallel_loop3A_917] {strides = array<i32>} : memref<4x2x4096xf32, #tpu.memory_space<vmem>>, vector<16xf32>,
        %parallel_loop3A_919 = arith.cmpf ogt, %parallel_loop3A_918, %parallel_loop3A_877 : vector<16xf32>
        %parallel_loop3A_920 = vector.broadcast %parallel_loop3A_912 : i32 to vector<16xi32>
        %parallel_loop3A_921 = arith.addi %iota3A, %parallel_loop3A_920 : vector<16xi32>
        %parallel_loop3A_922 = arith.select %parallel_loop3A_919, %parallel_loop3A_921, %parallel_loop3A_881 : vector<16xi1>, vector<16xi32>
        %parallel_loop3A_923 = arith.maximumf %parallel_loop3A_877, %parallel_loop3A_918 : vector<16xf32>
        %parallel_loop3A_924 = arith.constant 48 : i32
        %parallel_loop3A_925 = arith.addi %parallel_loop3A_884, %parallel_loop3A_924 : i32
        %parallel_loop3A_926 = arith.constant 0 : i32
        %parallel_loop3A_927 = arith.constant 0 : i32
        %parallel_loop3A_928 = arith.index_cast %parallel_loop3A_926 : i32 to index
        %parallel_loop3A_929 = arith.index_cast %parallel_loop3A_927 : i32 to index
        %parallel_loop3A_930 = arith.index_cast %parallel_loop3A_925 : i32 to index
        %parallel_loop3A_931 = tpu.vector_load %arg6[%parallel_loop3A_928, %parallel_loop3A_929, %parallel_loop3A_930] {strides = array<i32>} : memref<4x2x4096xf32, #tpu.memory_space<vmem>>, vector<16xf32>,
        %parallel_loop3A_932 = arith.cmpf ogt, %parallel_loop3A_931, %parallel_loop3A_878 : vector<16xf32>
        %parallel_loop3A_933 = vector.broadcast %parallel_loop3A_925 : i32 to vector<16xi32>
        %parallel_loop3A_934 = arith.addi %iota3A, %parallel_loop3A_933 : vector<16xi32>
        %parallel_loop3A_935 = arith.select %parallel_loop3A_932, %parallel_loop3A_934, %parallel_loop3A_882 : vector<16xi1>, vector<16xi32>
        %parallel_loop3A_936 = arith.maximumf %parallel_loop3A_878, %parallel_loop3A_931 : vector<16xf32>
        scf.yield %parallel_loop3A_897, %parallel_loop3A_910, %parallel_loop3A_923, %parallel_loop3A_936, %parallel_loop3A_896, %parallel_loop3A_909, %parallel_loop3A_922, %parallel_loop3A_935 : vector<16xf32>, vector<16xf32>, vector<16xf32>, vector<16xf32>, vector<16xi32>, vector<16xi32>, vector<16xi32>, vector<16xi32>
      } {sc.loop_unroll_factor = 4 : i64, sc.parallel_access}
      %max3A = arith.maximumf %parallel_loop3A_230#0, %parallel_loop3A_230#1 : vector<16xf32>
      %max3A_231 = arith.maximumf %parallel_loop3A_230#2, %parallel_loop3A_230#3 : vector<16xf32>
      %max3A_232 = arith.maximumf %max3A, %max3A_231 : vector<16xf32>
      %broadcast_in_dim3A_233 = arith.constant true
      %broadcast_in_dim3A_234 = vector.broadcast %broadcast_in_dim3A_233 : i1 to vector<16xi1>
      %masked_cummax3A = tpu.scan <max>, %max3A_232 masked %broadcast_in_dim3A_234 : vector<16xf32>, vector<16xi1> -> vector<16xf32>
      %rev3A = arith.constant 15 : i32
      %rev3A_235 = vector.broadcast %rev3A : i32 to vector<16xi32>
      %rev3A_236 = tpu.iota {dimensions = array<i32: 0>} : vector<16xi32>
      %rev3A_237 = arith.subi %rev3A_235, %rev3A_236 : vector<16xi32>
      %rev3A_238 = tpu.dynamic_gather %masked_cummax3A[%rev3A_237] in [0] : vector<16xf32>, vector<16xi32> -> vector<16xf32>
      %broadcast_in_dim3A_239 = arith.constant true
      %broadcast_in_dim3A_240 = vector.broadcast %broadcast_in_dim3A_239 : i1 to vector<16xi1>
      %masked_cummax3A_241 = tpu.scan <max>, %rev3A_238 masked %broadcast_in_dim3A_240 : vector<16xf32>, vector<16xi1> -> vector<16xf32>
      %eq3A = arith.cmpf oeq, %parallel_loop3A_230#0, %masked_cummax3A_241 : vector<16xf32>
      %select_n3A = arith.select %eq3A, %parallel_loop3A_230#4, %broadcast_in_dim3A_7 : vector<16xi1>, vector<16xi32>
      %eq3A_242 = arith.cmpf oeq, %parallel_loop3A_230#1, %masked_cummax3A_241 : vector<16xf32>
      %select_n3A_243 = arith.select %eq3A_242, %parallel_loop3A_230#5, %broadcast_in_dim3A_7 : vector<16xi1>, vector<16xi32>
      %min3A = arith.minsi %select_n3A, %select_n3A_243 : vector<16xi32>
      %eq3A_244 = arith.cmpf oeq, %parallel_loop3A_230#2, %masked_cummax3A_241 : vector<16xf32>
      %select_n3A_245 = arith.select %eq3A_244, %parallel_loop3A_230#6, %broadcast_in_dim3A_7 : vector<16xi1>, vector<16xi32>
      %eq3A_246 = arith.cmpf oeq, %parallel_loop3A_230#3, %masked_cummax3A_241 : vector<16xf32>
      %select_n3A_247 = arith.select %eq3A_246, %parallel_loop3A_230#7, %broadcast_in_dim3A_7 : vector<16xi1>, vector<16xi32>
      %min3A_248 = arith.minsi %select_n3A_245, %select_n3A_247 : vector<16xi32>
      %min3A_249 = arith.minsi %min3A, %min3A_248 : vector<16xi32>
      %neg3A = arith.constant 0 : i32
      %neg3A_250 = vector.broadcast %neg3A : i32 to vector<16xi32>
      %neg3A_251 = arith.subi %neg3A_250, %min3A_249 : vector<16xi32>
      %broadcast_in_dim3A_252 = arith.constant true
      %broadcast_in_dim3A_253 = vector.broadcast %broadcast_in_dim3A_252 : i1 to vector<16xi1>
      %masked_cummax3A_254 = arith.constant -2147483648 : i32
      %masked_cummax3A_255 = vector.broadcast %masked_cummax3A_254 : i32 to vector<16xi32>
      %masked_cummax3A_256 = arith.xori %neg3A_251, %masked_cummax3A_255 : vector<16xi32>
      %masked_cummax3A_257 = tpu.scan <max>, %masked_cummax3A_256 masked %broadcast_in_dim3A_253 : vector<16xi32>, vector<16xi1> -> vector<16xi32>
      %masked_cummax3A_258 = arith.xori %masked_cummax3A_257, %masked_cummax3A_255 : vector<16xi32>
      %rev3A_259 = arith.constant 15 : i32
      %rev3A_260 = vector.broadcast %rev3A_259 : i32 to vector<16xi32>
      %rev3A_261 = tpu.iota {dimensions = array<i32: 0>} : vector<16xi32>
      %rev3A_262 = arith.subi %rev3A_260, %rev3A_261 : vector<16xi32>
      %rev3A_263 = tpu.dynamic_gather %masked_cummax3A_258[%rev3A_262] in [0] : vector<16xi32>, vector<16xi32> -> vector<16xi32>
      %broadcast_in_dim3A_264 = arith.constant true
      %broadcast_in_dim3A_265 = vector.broadcast %broadcast_in_dim3A_264 : i1 to vector<16xi1>
      %masked_cummax3A_266 = arith.constant -2147483648 : i32
      %masked_cummax3A_267 = vector.broadcast %masked_cummax3A_266 : i32 to vector<16xi32>
      %masked_cummax3A_268 = arith.xori %rev3A_263, %masked_cummax3A_267 : vector<16xi32>
      %masked_cummax3A_269 = tpu.scan <max>, %masked_cummax3A_268 masked %broadcast_in_dim3A_265 : vector<16xi32>, vector<16xi1> -> vector<16xi32>
      %masked_cummax3A_270 = arith.xori %masked_cummax3A_269, %masked_cummax3A_267 : vector<16xi32>
      %neg3A_271 = arith.constant 0 : i32
      %neg3A_272 = vector.broadcast %neg3A_271 : i32 to vector<16xi32>
      %neg3A_273 = arith.subi %neg3A_272, %masked_cummax3A_270 : vector<16xi32>
      %gather3A = tpu.vector_load_idx %arg9[%neg3A_273] : memref<4096xi32, #tpu.memory_space<vmem>>[vector<16xi32>], vector<16xi32>,
      %parallel_loop3A_274 = arith.constant 0 : i32
      %parallel_loop3A_275 = arith.constant 64 : i32
      %parallel_loop3A_276 = arith.constant 1 : i32
      %parallel_loop3A_277:8 = scf.for %parallel_loop3A_874 = %parallel_loop3A_274 to %parallel_loop3A_275 step %parallel_loop3A_276 iter_args(%parallel_loop3A_875 = %broadcast_in_dim3A_3, %parallel_loop3A_876 = %broadcast_in_dim3A_3, %parallel_loop3A_877 = %broadcast_in_dim3A_3, %parallel_loop3A_878 = %broadcast_in_dim3A_3, %parallel_loop3A_879 = %broadcast_in_dim3A_5, %parallel_loop3A_880 = %broadcast_in_dim3A_5, %parallel_loop3A_881 = %broadcast_in_dim3A_5, %parallel_loop3A_882 = %broadcast_in_dim3A_5) -> (vector<16xf32>, vector<16xf32>, vector<16xf32>, vector<16xf32>, vector<16xi32>, vector<16xi32>, vector<16xi32>, vector<16xi32>)  : i32 {
        %parallel_loop3A_883 = arith.constant 64 : i32
        %parallel_loop3A_884 = arith.muli %parallel_loop3A_874, %parallel_loop3A_883 : i32
        %parallel_loop3A_885 = arith.constant 0 : i32
        %parallel_loop3A_886 = arith.addi %parallel_loop3A_884, %parallel_loop3A_885 : i32
        %parallel_loop3A_887 = arith.constant 0 : i32
        %parallel_loop3A_888 = arith.constant 1 : i32
        %parallel_loop3A_889 = arith.index_cast %parallel_loop3A_887 : i32 to index
        %parallel_loop3A_890 = arith.index_cast %parallel_loop3A_888 : i32 to index
        %parallel_loop3A_891 = arith.index_cast %parallel_loop3A_886 : i32 to index
        %parallel_loop3A_892 = tpu.vector_load %arg6[%parallel_loop3A_889, %parallel_loop3A_890, %parallel_loop3A_891] {strides = array<i32>} : memref<4x2x4096xf32, #tpu.memory_space<vmem>>, vector<16xf32>,
        %parallel_loop3A_893 = arith.cmpf ogt, %parallel_loop3A_892, %parallel_loop3A_875 : vector<16xf32>
        %parallel_loop3A_894 = vector.broadcast %parallel_loop3A_886 : i32 to vector<16xi32>
        %parallel_loop3A_895 = arith.addi %iota3A, %parallel_loop3A_894 : vector<16xi32>
        %parallel_loop3A_896 = arith.select %parallel_loop3A_893, %parallel_loop3A_895, %parallel_loop3A_879 : vector<16xi1>, vector<16xi32>
        %parallel_loop3A_897 = arith.maximumf %parallel_loop3A_875, %parallel_loop3A_892 : vector<16xf32>
        %parallel_loop3A_898 = arith.constant 16 : i32
        %parallel_loop3A_899 = arith.addi %parallel_loop3A_884, %parallel_loop3A_898 : i32
        %parallel_loop3A_900 = arith.constant 0 : i32
        %parallel_loop3A_901 = arith.constant 1 : i32
        %parallel_loop3A_902 = arith.index_cast %parallel_loop3A_900 : i32 to index
        %parallel_loop3A_903 = arith.index_cast %parallel_loop3A_901 : i32 to index
        %parallel_loop3A_904 = arith.index_cast %parallel_loop3A_899 : i32 to index
        %parallel_loop3A_905 = tpu.vector_load %arg6[%parallel_loop3A_902, %parallel_loop3A_903, %parallel_loop3A_904] {strides = array<i32>} : memref<4x2x4096xf32, #tpu.memory_space<vmem>>, vector<16xf32>,
        %parallel_loop3A_906 = arith.cmpf ogt, %parallel_loop3A_905, %parallel_loop3A_876 : vector<16xf32>
        %parallel_loop3A_907 = vector.broadcast %parallel_loop3A_899 : i32 to vector<16xi32>
        %parallel_loop3A_908 = arith.addi %iota3A, %parallel_loop3A_907 : vector<16xi32>
        %parallel_loop3A_909 = arith.select %parallel_loop3A_906, %parallel_loop3A_908, %parallel_loop3A_880 : vector<16xi1>, vector<16xi32>
        %parallel_loop3A_910 = arith.maximumf %parallel_loop3A_876, %parallel_loop3A_905 : vector<16xf32>
        %parallel_loop3A_911 = arith.constant 32 : i32
        %parallel_loop3A_912 = arith.addi %parallel_loop3A_884, %parallel_loop3A_911 : i32
        %parallel_loop3A_913 = arith.constant 0 : i32
        %parallel_loop3A_914 = arith.constant 1 : i32
        %parallel_loop3A_915 = arith.index_cast %parallel_loop3A_913 : i32 to index
        %parallel_loop3A_916 = arith.index_cast %parallel_loop3A_914 : i32 to index
        %parallel_loop3A_917 = arith.index_cast %parallel_loop3A_912 : i32 to index
        %parallel_loop3A_918 = tpu.vector_load %arg6[%parallel_loop3A_915, %parallel_loop3A_916, %parallel_loop3A_917] {strides = array<i32>} : memref<4x2x4096xf32, #tpu.memory_space<vmem>>, vector<16xf32>,
        %parallel_loop3A_919 = arith.cmpf ogt, %parallel_loop3A_918, %parallel_loop3A_877 : vector<16xf32>
        %parallel_loop3A_920 = vector.broadcast %parallel_loop3A_912 : i32 to vector<16xi32>
        %parallel_loop3A_921 = arith.addi %iota3A, %parallel_loop3A_920 : vector<16xi32>
        %parallel_loop3A_922 = arith.select %parallel_loop3A_919, %parallel_loop3A_921, %parallel_loop3A_881 : vector<16xi1>, vector<16xi32>
        %parallel_loop3A_923 = arith.maximumf %parallel_loop3A_877, %parallel_loop3A_918 : vector<16xf32>
        %parallel_loop3A_924 = arith.constant 48 : i32
        %parallel_loop3A_925 = arith.addi %parallel_loop3A_884, %parallel_loop3A_924 : i32
        %parallel_loop3A_926 = arith.constant 0 : i32
        %parallel_loop3A_927 = arith.constant 1 : i32
        %parallel_loop3A_928 = arith.index_cast %parallel_loop3A_926 : i32 to index
        %parallel_loop3A_929 = arith.index_cast %parallel_loop3A_927 : i32 to index
        %parallel_loop3A_930 = arith.index_cast %parallel_loop3A_925 : i32 to index
        %parallel_loop3A_931 = tpu.vector_load %arg6[%parallel_loop3A_928, %parallel_loop3A_929, %parallel_loop3A_930] {strides = array<i32>} : memref<4x2x4096xf32, #tpu.memory_space<vmem>>, vector<16xf32>,
        %parallel_loop3A_932 = arith.cmpf ogt, %parallel_loop3A_931, %parallel_loop3A_878 : vector<16xf32>
        %parallel_loop3A_933 = vector.broadcast %parallel_loop3A_925 : i32 to vector<16xi32>
        %parallel_loop3A_934 = arith.addi %iota3A, %parallel_loop3A_933 : vector<16xi32>
        %parallel_loop3A_935 = arith.select %parallel_loop3A_932, %parallel_loop3A_934, %parallel_loop3A_882 : vector<16xi1>, vector<16xi32>
        %parallel_loop3A_936 = arith.maximumf %parallel_loop3A_878, %parallel_loop3A_931 : vector<16xf32>
        scf.yield %parallel_loop3A_897, %parallel_loop3A_910, %parallel_loop3A_923, %parallel_loop3A_936, %parallel_loop3A_896, %parallel_loop3A_909, %parallel_loop3A_922, %parallel_loop3A_935 : vector<16xf32>, vector<16xf32>, vector<16xf32>, vector<16xf32>, vector<16xi32>, vector<16xi32>, vector<16xi32>, vector<16xi32>
      } {sc.loop_unroll_factor = 4 : i64, sc.parallel_access}
      %max3A_278 = arith.maximumf %parallel_loop3A_277#0, %parallel_loop3A_277#1 : vector<16xf32>
      %max3A_279 = arith.maximumf %parallel_loop3A_277#2, %parallel_loop3A_277#3 : vector<16xf32>
      %max3A_280 = arith.maximumf %max3A_278, %max3A_279 : vector<16xf32>
      %broadcast_in_dim3A_281 = arith.constant true
      %broadcast_in_dim3A_282 = vector.broadcast %broadcast_in_dim3A_281 : i1 to vector<16xi1>
      %masked_cummax3A_283 = tpu.scan <max>, %max3A_280 masked %broadcast_in_dim3A_282 : vector<16xf32>, vector<16xi1> -> vector<16xf32>
      %rev3A_284 = arith.constant 15 : i32
      %rev3A_285 = vector.broadcast %rev3A_284 : i32 to vector<16xi32>
      %rev3A_286 = tpu.iota {dimensions = array<i32: 0>} : vector<16xi32>
      %rev3A_287 = arith.subi %rev3A_285, %rev3A_286 : vector<16xi32>
      %rev3A_288 = tpu.dynamic_gather %masked_cummax3A_283[%rev3A_287] in [0] : vector<16xf32>, vector<16xi32> -> vector<16xf32>
      %broadcast_in_dim3A_289 = arith.constant true
      %broadcast_in_dim3A_290 = vector.broadcast %broadcast_in_dim3A_289 : i1 to vector<16xi1>
      %masked_cummax3A_291 = tpu.scan <max>, %rev3A_288 masked %broadcast_in_dim3A_290 : vector<16xf32>, vector<16xi1> -> vector<16xf32>
      %eq3A_292 = arith.cmpf oeq, %parallel_loop3A_277#0, %masked_cummax3A_291 : vector<16xf32>
      %select_n3A_293 = arith.select %eq3A_292, %parallel_loop3A_277#4, %broadcast_in_dim3A_7 : vector<16xi1>, vector<16xi32>
      %eq3A_294 = arith.cmpf oeq, %parallel_loop3A_277#1, %masked_cummax3A_291 : vector<16xf32>
      %select_n3A_295 = arith.select %eq3A_294, %parallel_loop3A_277#5, %broadcast_in_dim3A_7 : vector<16xi1>, vector<16xi32>
      %min3A_296 = arith.minsi %select_n3A_293, %select_n3A_295 : vector<16xi32>
      %eq3A_297 = arith.cmpf oeq, %parallel_loop3A_277#2, %masked_cummax3A_291 : vector<16xf32>
      %select_n3A_298 = arith.select %eq3A_297, %parallel_loop3A_277#6, %broadcast_in_dim3A_7 : vector<16xi1>, vector<16xi32>
      %eq3A_299 = arith.cmpf oeq, %parallel_loop3A_277#3, %masked_cummax3A_291 : vector<16xf32>
      %select_n3A_300 = arith.select %eq3A_299, %parallel_loop3A_277#7, %broadcast_in_dim3A_7 : vector<16xi1>, vector<16xi32>
      %min3A_301 = arith.minsi %select_n3A_298, %select_n3A_300 : vector<16xi32>
      %min3A_302 = arith.minsi %min3A_296, %min3A_301 : vector<16xi32>
      %neg3A_303 = arith.constant 0 : i32
      %neg3A_304 = vector.broadcast %neg3A_303 : i32 to vector<16xi32>
      %neg3A_305 = arith.subi %neg3A_304, %min3A_302 : vector<16xi32>
      %broadcast_in_dim3A_306 = arith.constant true
      %broadcast_in_dim3A_307 = vector.broadcast %broadcast_in_dim3A_306 : i1 to vector<16xi1>
      %masked_cummax3A_308 = arith.constant -2147483648 : i32
      %masked_cummax3A_309 = vector.broadcast %masked_cummax3A_308 : i32 to vector<16xi32>
      %masked_cummax3A_310 = arith.xori %neg3A_305, %masked_cummax3A_309 : vector<16xi32>
      %masked_cummax3A_311 = tpu.scan <max>, %masked_cummax3A_310 masked %broadcast_in_dim3A_307 : vector<16xi32>, vector<16xi1> -> vector<16xi32>
      %masked_cummax3A_312 = arith.xori %masked_cummax3A_311, %masked_cummax3A_309 : vector<16xi32>
      %rev3A_313 = arith.constant 15 : i32
      %rev3A_314 = vector.broadcast %rev3A_313 : i32 to vector<16xi32>
      %rev3A_315 = tpu.iota {dimensions = array<i32: 0>} : vector<16xi32>
      %rev3A_316 = arith.subi %rev3A_314, %rev3A_315 : vector<16xi32>
      %rev3A_317 = tpu.dynamic_gather %masked_cummax3A_312[%rev3A_316] in [0] : vector<16xi32>, vector<16xi32> -> vector<16xi32>
      %broadcast_in_dim3A_318 = arith.constant true
      %broadcast_in_dim3A_319 = vector.broadcast %broadcast_in_dim3A_318 : i1 to vector<16xi1>
      %masked_cummax3A_320 = arith.constant -2147483648 : i32
      %masked_cummax3A_321 = vector.broadcast %masked_cummax3A_320 : i32 to vector<16xi32>
      %masked_cummax3A_322 = arith.xori %rev3A_317, %masked_cummax3A_321 : vector<16xi32>
      %masked_cummax3A_323 = tpu.scan <max>, %masked_cummax3A_322 masked %broadcast_in_dim3A_319 : vector<16xi32>, vector<16xi1> -> vector<16xi32>
      %masked_cummax3A_324 = arith.xori %masked_cummax3A_323, %masked_cummax3A_321 : vector<16xi32>
      %neg3A_325 = arith.constant 0 : i32
      %neg3A_326 = vector.broadcast %neg3A_325 : i32 to vector<16xi32>
      %neg3A_327 = arith.subi %neg3A_326, %masked_cummax3A_324 : vector<16xi32>
      %gather3A_328 = tpu.vector_load_idx %arg9[%neg3A_327] : memref<4096xi32, #tpu.memory_space<vmem>>[vector<16xi32>], vector<16xi32>,
      %parallel_loop3A_329 = arith.constant 0 : i32
      %parallel_loop3A_330 = arith.constant 256 : i32
      %parallel_loop3A_331 = arith.constant 1 : i32
      scf.for %parallel_loop3A_874 = %parallel_loop3A_329 to %parallel_loop3A_330 step %parallel_loop3A_331  : i32 {
        %parallel_loop3A_875 = arith.constant 16 : i32
        %parallel_loop3A_876 = arith.muli %parallel_loop3A_874, %parallel_loop3A_875 : i32
        %parallel_loop3A_877 = arith.index_cast %parallel_loop3A_876 : i32 to index
        %parallel_loop3A_878 = tpu.vector_load %arg9[%parallel_loop3A_877] {strides = array<i32>} : memref<4096xi32, #tpu.memory_space<vmem>>, vector<16xi32>,
        %parallel_loop3A_879 = arith.cmpi eq, %parallel_loop3A_878, %gather3A : vector<16xi32>
        %parallel_loop3A_880 = arith.select %parallel_loop3A_879, %broadcast_in_dim3A_9, %broadcast_in_dim3A_11 : vector<16xi1>, vector<16xf32>
        %parallel_loop3A_881 = arith.constant 0 : i32
        %parallel_loop3A_882 = arith.constant 0 : i32
        %parallel_loop3A_883 = arith.index_cast %parallel_loop3A_881 : i32 to index
        %parallel_loop3A_884 = arith.index_cast %parallel_loop3A_882 : i32 to index
        %parallel_loop3A_885 = arith.index_cast %parallel_loop3A_876 : i32 to index
        %parallel_loop3A_886 = tpu.vector_load %arg7[%parallel_loop3A_883, %parallel_loop3A_884, %parallel_loop3A_885] {strides = array<i32>} : memref<4x2x4096xf32, #tpu.memory_space<vmem>>, vector<16xf32>,
        %parallel_loop3A_887 = arith.addf %parallel_loop3A_886, %parallel_loop3A_880 : vector<16xf32>
        %parallel_loop3A_888 = arith.constant 0 : i32
        %parallel_loop3A_889 = arith.constant 0 : i32
        %parallel_loop3A_890 = arith.index_cast %parallel_loop3A_888 : i32 to index
        %parallel_loop3A_891 = arith.index_cast %parallel_loop3A_889 : i32 to index
        %parallel_loop3A_892 = arith.index_cast %parallel_loop3A_876 : i32 to index
        %parallel_loop3A_893 = tpu.vector_load %arg8[%parallel_loop3A_890, %parallel_loop3A_891, %parallel_loop3A_892] {strides = array<i32>} : memref<4x2x4096xf32, #tpu.memory_space<vmem>>, vector<16xf32>,
        tpu.vector_store %arg8[%parallel_loop3A_890, %parallel_loop3A_891, %parallel_loop3A_892], %parallel_loop3A_887 {strides = array<i32>} : memref<4x2x4096xf32, #tpu.memory_space<vmem>>, vector<16xf32>,
        %parallel_loop3A_894 = arith.cmpi eq, %parallel_loop3A_878, %gather3A_328 : vector<16xi32>
        %parallel_loop3A_895 = arith.select %parallel_loop3A_894, %broadcast_in_dim3A_9, %broadcast_in_dim3A_11 : vector<16xi1>, vector<16xf32>
        %parallel_loop3A_896 = arith.constant 0 : i32
        %parallel_loop3A_897 = arith.constant 1 : i32
        %parallel_loop3A_898 = arith.index_cast %parallel_loop3A_896 : i32 to index
        %parallel_loop3A_899 = arith.index_cast %parallel_loop3A_897 : i32 to index
        %parallel_loop3A_900 = arith.index_cast %parallel_loop3A_876 : i32 to index
        %parallel_loop3A_901 = tpu.vector_load %arg7[%parallel_loop3A_898, %parallel_loop3A_899, %parallel_loop3A_900] {strides = array<i32>} : memref<4x2x4096xf32, #tpu.memory_space<vmem>>, vector<16xf32>,
        %parallel_loop3A_902 = arith.addf %parallel_loop3A_901, %parallel_loop3A_895 : vector<16xf32>
        %parallel_loop3A_903 = arith.constant 0 : i32
        %parallel_loop3A_904 = arith.constant 1 : i32
        %parallel_loop3A_905 = arith.index_cast %parallel_loop3A_903 : i32 to index
        %parallel_loop3A_906 = arith.index_cast %parallel_loop3A_904 : i32 to index
        %parallel_loop3A_907 = arith.index_cast %parallel_loop3A_876 : i32 to index
        %parallel_loop3A_908 = tpu.vector_load %arg8[%parallel_loop3A_905, %parallel_loop3A_906, %parallel_loop3A_907] {strides = array<i32>} : memref<4x2x4096xf32, #tpu.memory_space<vmem>>, vector<16xf32>,
        tpu.vector_store %arg8[%parallel_loop3A_905, %parallel_loop3A_906, %parallel_loop3A_907], %parallel_loop3A_902 {strides = array<i32>} : memref<4x2x4096xf32, #tpu.memory_space<vmem>>, vector<16xf32>,
      } {sc.loop_unroll_factor = 4 : i64, sc.parallel_access}
      %dma_start3A_332 = arith.constant 0 : i32
      %dma_start3A_333 = arith.constant 0 : i32
      %dma_start3A_334 = arith.constant 0 : i32
      %dma_start3A_335 = tpu.memref_slice %arg8[%dma_start3A_332, %dma_start3A_333, %dma_start3A_334] : memref<4x2x4096xf32, #tpu.memory_space<vmem>> -> memref<1x2x4096xf32, #tpu.memory_space<vmem>>
      %dma_start3A_336 = tpu.memref_squeeze %dma_start3A_335 : memref<1x2x4096xf32, #tpu.memory_space<vmem>> -> memref<2x4096xf32, #tpu.memory_space<vmem>>
      %dma_start3A_337 = arith.constant 0 : i32
      %dma_start3A_338 = tpu.memref_slice %arg5[%add3A_196, %dma_start3A_337] : memref<4096x4096xf32, #tpu.memory_space<hbm>> -> memref<2x4096xf32, #tpu.memory_space<hbm>>
      %dma_start3A_339 = arith.constant 0 : i32
      %dma_start3A_340 = tpu.memref_slice %arg5[%add3A_196, %dma_start3A_339] : memref<4096x4096xf32, #tpu.memory_space<hbm>> -> memref<2x4096xf32, #tpu.memory_space<hbm>>
      %dma_start3A_341 = arith.constant 0 : i32
      %dma_start3A_342 = arith.constant 0 : i32
      %dma_start3A_343 = tpu.memref_slice %arg8[%dma_start3A_332, %dma_start3A_341, %dma_start3A_342] : memref<4x2x4096xf32, #tpu.memory_space<vmem>> -> memref<1x2x4096xf32, #tpu.memory_space<vmem>>
      %dma_start3A_344 = tpu.memref_squeeze %dma_start3A_343 : memref<1x2x4096xf32, #tpu.memory_space<vmem>> -> memref<2x4096xf32, #tpu.memory_space<vmem>>
      tpu.enqueue_dma source(%dma_start3A_344 : memref<2x4096xf32, #tpu.memory_space<vmem>>) target(%dma_start3A_340 : memref<2x4096xf32, #tpu.memory_space<hbm>>) target_semaphore(%arg14 : memref<!tpu.dma_semaphore, #tpu.memory_space<semaphore_mem>>)
      %add3A_345 = arith.constant 4 : i32
      %add3A_346 = arith.addi %add3A_193, %add3A_345 : i32
      %lt3A = arith.constant 64 : i32
      %lt3A_347 = arith.cmpi slt, %add3A_346, %lt3A : i32
      %convert_element_type3A_348 = arith.extui %lt3A_347 : i1 to i32
      %cond3A_349 = arith.constant 0 : i32
      %cond3A_350 = arith.cmpi ne, %convert_element_type3A_348, %cond3A_349 : i32
      scf.if %cond3A_350 {
        %add3A_874 = arith.constant 4 : i32
        %add3A_875 = arith.addi %add3A_193, %add3A_874 : i32
        %mul3A_876 = arith.constant 2 : i32
        %mul3A_877 = arith.muli %add3A_875, %mul3A_876 : i32
        %add3A_878 = arith.addi %mul3A_2, %mul3A_877 : i32
        %dma_start3A_879 = arith.constant 0 : i32
        %dma_start3A_880 = arith.constant 0 : i32
        %dma_start3A_881 = arith.constant 0 : i32
        %dma_start3A_882 = tpu.memref_slice %arg6[%dma_start3A_879, %dma_start3A_880, %dma_start3A_881] : memref<4x2x4096xf32, #tpu.memory_space<vmem>> -> memref<1x2x4096xf32, #tpu.memory_space<vmem>>
        %dma_start3A_883 = tpu.memref_squeeze %dma_start3A_882 : memref<1x2x4096xf32, #tpu.memory_space<vmem>> -> memref<2x4096xf32, #tpu.memory_space<vmem>>
        %dma_start3A_884 = arith.constant 0 : i32
        %dma_start3A_885 = tpu.memref_slice %arg3[%add3A_878, %dma_start3A_884] : memref<4096x4096xf32, #tpu.memory_space<hbm>> -> memref<2x4096xf32, #tpu.memory_space<hbm>>
        %dma_start3A_886 = arith.constant 0 : i32
        %dma_start3A_887 = arith.constant 0 : i32
        %dma_start3A_888 = tpu.memref_slice %arg6[%dma_start3A_879, %dma_start3A_886, %dma_start3A_887] : memref<4x2x4096xf32, #tpu.memory_space<vmem>> -> memref<1x2x4096xf32, #tpu.memory_space<vmem>>
        %dma_start3A_889 = tpu.memref_squeeze %dma_start3A_888 : memref<1x2x4096xf32, #tpu.memory_space<vmem>> -> memref<2x4096xf32, #tpu.memory_space<vmem>>
        %dma_start3A_890 = arith.constant 0 : i32
        %dma_start3A_891 = tpu.memref_slice %arg3[%add3A_878, %dma_start3A_890] : memref<4096x4096xf32, #tpu.memory_space<hbm>> -> memref<2x4096xf32, #tpu.memory_space<hbm>>
        tpu.enqueue_dma source(%dma_start3A_891 : memref<2x4096xf32, #tpu.memory_space<hbm>>) target(%dma_start3A_889 : memref<2x4096xf32, #tpu.memory_space<vmem>>) target_semaphore(%arg10 : memref<!tpu.dma_semaphore, #tpu.memory_space<semaphore_mem>>)
        %dma_start3A_892 = arith.constant 0 : i32
        %dma_start3A_893 = arith.constant 0 : i32
        %dma_start3A_894 = arith.constant 0 : i32
        %dma_start3A_895 = tpu.memref_slice %arg7[%dma_start3A_892, %dma_start3A_893, %dma_start3A_894] : memref<4x2x4096xf32, #tpu.memory_space<vmem>> -> memref<1x2x4096xf32, #tpu.memory_space<vmem>>
        %dma_start3A_896 = tpu.memref_squeeze %dma_start3A_895 : memref<1x2x4096xf32, #tpu.memory_space<vmem>> -> memref<2x4096xf32, #tpu.memory_space<vmem>>
        %dma_start3A_897 = arith.constant 0 : i32
        %dma_start3A_898 = tpu.memref_slice %arg2[%add3A_878, %dma_start3A_897] : memref<4096x4096xf32, #tpu.memory_space<hbm>> -> memref<2x4096xf32, #tpu.memory_space<hbm>>
        %dma_start3A_899 = arith.constant 0 : i32
        %dma_start3A_900 = arith.constant 0 : i32
        %dma_start3A_901 = tpu.memref_slice %arg7[%dma_start3A_892, %dma_start3A_899, %dma_start3A_900] : memref<4x2x4096xf32, #tpu.memory_space<vmem>> -> memref<1x2x4096xf32, #tpu.memory_space<vmem>>
        %dma_start3A_902 = tpu.memref_squeeze %dma_start3A_901 : memref<1x2x4096xf32, #tpu.memory_space<vmem>> -> memref<2x4096xf32, #tpu.memory_space<vmem>>
        %dma_start3A_903 = arith.constant 0 : i32
        %dma_start3A_904 = tpu.memref_slice %arg2[%add3A_878, %dma_start3A_903] : memref<4096x4096xf32, #tpu.memory_space<hbm>> -> memref<2x4096xf32, #tpu.memory_space<hbm>>
        tpu.enqueue_dma source(%dma_start3A_904 : memref<2x4096xf32, #tpu.memory_space<hbm>>) target(%dma_start3A_902 : memref<2x4096xf32, #tpu.memory_space<vmem>>) target_semaphore(%arg10 : memref<!tpu.dma_semaphore, #tpu.memory_space<semaphore_mem>>)
      } else {
      }
      %mul3A_351 = arith.constant 4 : i32
      %mul3A_352 = arith.muli %mul3A_351, %scan3A_188 : i32
      %add3A_353 = arith.constant 1 : i32
      %add3A_354 = arith.addi %mul3A_352, %add3A_353 : i32
      %mul3A_355 = arith.constant 2 : i32
      %mul3A_356 = arith.muli %add3A_354, %mul3A_355 : i32
      %add3A_357 = arith.addi %mul3A_2, %mul3A_356 : i32
      %mul3A_358 = arith.constant 2 : i32
      %mul3A_359 = arith.muli %add3A_354, %mul3A_358 : i32
      %add3A_360 = arith.addi %mul3A_2, %mul3A_359 : i32
      %dma_wait3A_361 = arith.constant 1 : i32
      %dma_wait3A_362 = arith.constant 0 : i32
      %dma_wait3A_363 = arith.constant 0 : i32
      %dma_wait3A_364 = tpu.memref_slice %arg6[%dma_wait3A_361, %dma_wait3A_362, %dma_wait3A_363] : memref<4x2x4096xf32, #tpu.memory_space<vmem>> -> memref<1x2x4096xf32, #tpu.memory_space<vmem>>
      %dma_wait3A_365 = tpu.memref_squeeze %dma_wait3A_364 : memref<1x2x4096xf32, #tpu.memory_space<vmem>> -> memref<2x4096xf32, #tpu.memory_space<vmem>>
      %dma_wait3A_366 = arith.constant 0 : i32
      %dma_wait3A_367 = tpu.memref_slice %arg3[%add3A_360, %dma_wait3A_366] : memref<4096x4096xf32, #tpu.memory_space<hbm>> -> memref<2x4096xf32, #tpu.memory_space<hbm>>
      %dma_wait3A_368 = arith.constant 0 : i32
      %dma_wait3A_369 = arith.constant 0 : i32
      %dma_wait3A_370 = tpu.memref_slice %arg6[%dma_wait3A_361, %dma_wait3A_368, %dma_wait3A_369] : memref<4x2x4096xf32, #tpu.memory_space<vmem>> -> memref<1x2x4096xf32, #tpu.memory_space<vmem>>
      %dma_wait3A_371 = tpu.memref_squeeze %dma_wait3A_370 : memref<1x2x4096xf32, #tpu.memory_space<vmem>> -> memref<2x4096xf32, #tpu.memory_space<vmem>>
      %dma_wait3A_372 = arith.constant 0 : i32
      %dma_wait3A_373 = tpu.memref_slice %arg3[%add3A_360, %dma_wait3A_372] : memref<4096x4096xf32, #tpu.memory_space<hbm>> -> memref<2x4096xf32, #tpu.memory_space<hbm>>
      tpu.wait_dma2 semaphore(%arg11 : memref<!tpu.dma_semaphore, #tpu.memory_space<semaphore_mem>>) src(%dma_wait3A_373 : memref<2x4096xf32, #tpu.memory_space<hbm>>) dst(%dma_wait3A_371 : memref<2x4096xf32, #tpu.memory_space<vmem>>)
      %dma_wait3A_374 = arith.constant 1 : i32
      %dma_wait3A_375 = arith.constant 0 : i32
      %dma_wait3A_376 = arith.constant 0 : i32
      %dma_wait3A_377 = tpu.memref_slice %arg7[%dma_wait3A_374, %dma_wait3A_375, %dma_wait3A_376] : memref<4x2x4096xf32, #tpu.memory_space<vmem>> -> memref<1x2x4096xf32, #tpu.memory_space<vmem>>
      %dma_wait3A_378 = tpu.memref_squeeze %dma_wait3A_377 : memref<1x2x4096xf32, #tpu.memory_space<vmem>> -> memref<2x4096xf32, #tpu.memory_space<vmem>>
      %dma_wait3A_379 = arith.constant 0 : i32
      %dma_wait3A_380 = tpu.memref_slice %arg2[%add3A_360, %dma_wait3A_379] : memref<4096x4096xf32, #tpu.memory_space<hbm>> -> memref<2x4096xf32, #tpu.memory_space<hbm>>
      %dma_wait3A_381 = arith.constant 0 : i32
      %dma_wait3A_382 = arith.constant 0 : i32
      %dma_wait3A_383 = tpu.memref_slice %arg7[%dma_wait3A_374, %dma_wait3A_381, %dma_wait3A_382] : memref<4x2x4096xf32, #tpu.memory_space<vmem>> -> memref<1x2x4096xf32, #tpu.memory_space<vmem>>
      %dma_wait3A_384 = tpu.memref_squeeze %dma_wait3A_383 : memref<1x2x4096xf32, #tpu.memory_space<vmem>> -> memref<2x4096xf32, #tpu.memory_space<vmem>>
      %dma_wait3A_385 = arith.constant 0 : i32
      %dma_wait3A_386 = tpu.memref_slice %arg2[%add3A_360, %dma_wait3A_385] : memref<4096x4096xf32, #tpu.memory_space<hbm>> -> memref<2x4096xf32, #tpu.memory_space<hbm>>
      tpu.wait_dma2 semaphore(%arg11 : memref<!tpu.dma_semaphore, #tpu.memory_space<semaphore_mem>>) src(%dma_wait3A_386 : memref<2x4096xf32, #tpu.memory_space<hbm>>) dst(%dma_wait3A_384 : memref<2x4096xf32, #tpu.memory_space<vmem>>)
      %ge3A_387 = arith.constant 4 : i32
      %ge3A_388 = arith.cmpi sge, %add3A_354, %ge3A_387 : i32
      %convert_element_type3A_389 = arith.extui %ge3A_388 : i1 to i32
      %cond3A_390 = arith.constant 0 : i32
      %cond3A_391 = arith.cmpi ne, %convert_element_type3A_389, %cond3A_390 : i32
      scf.if %cond3A_391 {
        %sub3A = arith.constant 4 : i32
        %sub3A_874 = arith.subi %add3A_354, %sub3A : i32
        %mul3A_875 = arith.constant 2 : i32
        %mul3A_876 = arith.muli %sub3A_874, %mul3A_875 : i32
        %add3A_877 = arith.addi %mul3A_2, %mul3A_876 : i32
        %dma_wait3A_878 = arith.constant 1 : i32
        %dma_wait3A_879 = arith.constant 0 : i32
        %dma_wait3A_880 = arith.constant 0 : i32
        %dma_wait3A_881 = tpu.memref_slice %arg8[%dma_wait3A_878, %dma_wait3A_879, %dma_wait3A_880] : memref<4x2x4096xf32, #tpu.memory_space<vmem>> -> memref<1x2x4096xf32, #tpu.memory_space<vmem>>
        %dma_wait3A_882 = tpu.memref_squeeze %dma_wait3A_881 : memref<1x2x4096xf32, #tpu.memory_space<vmem>> -> memref<2x4096xf32, #tpu.memory_space<vmem>>
        %dma_wait3A_883 = arith.constant 0 : i32
        %dma_wait3A_884 = tpu.memref_slice %arg5[%add3A_877, %dma_wait3A_883] : memref<4096x4096xf32, #tpu.memory_space<hbm>> -> memref<2x4096xf32, #tpu.memory_space<hbm>>
        %dma_wait3A_885 = arith.constant 0 : i32
        %dma_wait3A_886 = tpu.memref_slice %arg5[%add3A_877, %dma_wait3A_885] : memref<4096x4096xf32, #tpu.memory_space<hbm>> -> memref<2x4096xf32, #tpu.memory_space<hbm>>
        %dma_wait3A_887 = arith.constant 0 : i32
        %dma_wait3A_888 = arith.constant 0 : i32
        %dma_wait3A_889 = tpu.memref_slice %arg8[%dma_wait3A_878, %dma_wait3A_887, %dma_wait3A_888] : memref<4x2x4096xf32, #tpu.memory_space<vmem>> -> memref<1x2x4096xf32, #tpu.memory_space<vmem>>
        %dma_wait3A_890 = tpu.memref_squeeze %dma_wait3A_889 : memref<1x2x4096xf32, #tpu.memory_space<vmem>> -> memref<2x4096xf32, #tpu.memory_space<vmem>>
        tpu.wait_dma2 semaphore(%arg15 : memref<!tpu.dma_semaphore, #tpu.memory_space<semaphore_mem>>) src(%dma_wait3A_890 : memref<2x4096xf32, #tpu.memory_space<vmem>>) dst(%dma_wait3A_886 : memref<2x4096xf32, #tpu.memory_space<hbm>>)
      } else {
      }
      %parallel_loop3A_392 = arith.constant 0 : i32
      %parallel_loop3A_393 = arith.constant 64 : i32
      %parallel_loop3A_394 = arith.constant 1 : i32
      %parallel_loop3A_395:8 = scf.for %parallel_loop3A_874 = %parallel_loop3A_392 to %parallel_loop3A_393 step %parallel_loop3A_394 iter_args(%parallel_loop3A_875 = %broadcast_in_dim3A_3, %parallel_loop3A_876 = %broadcast_in_dim3A_3, %parallel_loop3A_877 = %broadcast_in_dim3A_3, %parallel_loop3A_878 = %broadcast_in_dim3A_3, %parallel_loop3A_879 = %broadcast_in_dim3A_5, %parallel_loop3A_880 = %broadcast_in_dim3A_5, %parallel_loop3A_881 = %broadcast_in_dim3A_5, %parallel_loop3A_882 = %broadcast_in_dim3A_5) -> (vector<16xf32>, vector<16xf32>, vector<16xf32>, vector<16xf32>, vector<16xi32>, vector<16xi32>, vector<16xi32>, vector<16xi32>)  : i32 {
        %parallel_loop3A_883 = arith.constant 64 : i32
        %parallel_loop3A_884 = arith.muli %parallel_loop3A_874, %parallel_loop3A_883 : i32
        %parallel_loop3A_885 = arith.constant 0 : i32
        %parallel_loop3A_886 = arith.addi %parallel_loop3A_884, %parallel_loop3A_885 : i32
        %parallel_loop3A_887 = arith.constant 1 : i32
        %parallel_loop3A_888 = arith.constant 0 : i32
        %parallel_loop3A_889 = arith.index_cast %parallel_loop3A_887 : i32 to index
        %parallel_loop3A_890 = arith.index_cast %parallel_loop3A_888 : i32 to index
        %parallel_loop3A_891 = arith.index_cast %parallel_loop3A_886 : i32 to index
        %parallel_loop3A_892 = tpu.vector_load %arg6[%parallel_loop3A_889, %parallel_loop3A_890, %parallel_loop3A_891] {strides = array<i32>} : memref<4x2x4096xf32, #tpu.memory_space<vmem>>, vector<16xf32>,
        %parallel_loop3A_893 = arith.cmpf ogt, %parallel_loop3A_892, %parallel_loop3A_875 : vector<16xf32>
        %parallel_loop3A_894 = vector.broadcast %parallel_loop3A_886 : i32 to vector<16xi32>
        %parallel_loop3A_895 = arith.addi %iota3A, %parallel_loop3A_894 : vector<16xi32>
        %parallel_loop3A_896 = arith.select %parallel_loop3A_893, %parallel_loop3A_895, %parallel_loop3A_879 : vector<16xi1>, vector<16xi32>
        %parallel_loop3A_897 = arith.maximumf %parallel_loop3A_875, %parallel_loop3A_892 : vector<16xf32>
        %parallel_loop3A_898 = arith.constant 16 : i32
        %parallel_loop3A_899 = arith.addi %parallel_loop3A_884, %parallel_loop3A_898 : i32
        %parallel_loop3A_900 = arith.constant 1 : i32
        %parallel_loop3A_901 = arith.constant 0 : i32
        %parallel_loop3A_902 = arith.index_cast %parallel_loop3A_900 : i32 to index
        %parallel_loop3A_903 = arith.index_cast %parallel_loop3A_901 : i32 to index
        %parallel_loop3A_904 = arith.index_cast %parallel_loop3A_899 : i32 to index
        %parallel_loop3A_905 = tpu.vector_load %arg6[%parallel_loop3A_902, %parallel_loop3A_903, %parallel_loop3A_904] {strides = array<i32>} : memref<4x2x4096xf32, #tpu.memory_space<vmem>>, vector<16xf32>,
        %parallel_loop3A_906 = arith.cmpf ogt, %parallel_loop3A_905, %parallel_loop3A_876 : vector<16xf32>
        %parallel_loop3A_907 = vector.broadcast %parallel_loop3A_899 : i32 to vector<16xi32>
        %parallel_loop3A_908 = arith.addi %iota3A, %parallel_loop3A_907 : vector<16xi32>
        %parallel_loop3A_909 = arith.select %parallel_loop3A_906, %parallel_loop3A_908, %parallel_loop3A_880 : vector<16xi1>, vector<16xi32>
        %parallel_loop3A_910 = arith.maximumf %parallel_loop3A_876, %parallel_loop3A_905 : vector<16xf32>
        %parallel_loop3A_911 = arith.constant 32 : i32
        %parallel_loop3A_912 = arith.addi %parallel_loop3A_884, %parallel_loop3A_911 : i32
        %parallel_loop3A_913 = arith.constant 1 : i32
        %parallel_loop3A_914 = arith.constant 0 : i32
        %parallel_loop3A_915 = arith.index_cast %parallel_loop3A_913 : i32 to index
        %parallel_loop3A_916 = arith.index_cast %parallel_loop3A_914 : i32 to index
        %parallel_loop3A_917 = arith.index_cast %parallel_loop3A_912 : i32 to index
        %parallel_loop3A_918 = tpu.vector_load %arg6[%parallel_loop3A_915, %parallel_loop3A_916, %parallel_loop3A_917] {strides = array<i32>} : memref<4x2x4096xf32, #tpu.memory_space<vmem>>, vector<16xf32>,
        %parallel_loop3A_919 = arith.cmpf ogt, %parallel_loop3A_918, %parallel_loop3A_877 : vector<16xf32>
        %parallel_loop3A_920 = vector.broadcast %parallel_loop3A_912 : i32 to vector<16xi32>
        %parallel_loop3A_921 = arith.addi %iota3A, %parallel_loop3A_920 : vector<16xi32>
        %parallel_loop3A_922 = arith.select %parallel_loop3A_919, %parallel_loop3A_921, %parallel_loop3A_881 : vector<16xi1>, vector<16xi32>
        %parallel_loop3A_923 = arith.maximumf %parallel_loop3A_877, %parallel_loop3A_918 : vector<16xf32>
        %parallel_loop3A_924 = arith.constant 48 : i32
        %parallel_loop3A_925 = arith.addi %parallel_loop3A_884, %parallel_loop3A_924 : i32
        %parallel_loop3A_926 = arith.constant 1 : i32
        %parallel_loop3A_927 = arith.constant 0 : i32
        %parallel_loop3A_928 = arith.index_cast %parallel_loop3A_926 : i32 to index
        %parallel_loop3A_929 = arith.index_cast %parallel_loop3A_927 : i32 to index
        %parallel_loop3A_930 = arith.index_cast %parallel_loop3A_925 : i32 to index
        %parallel_loop3A_931 = tpu.vector_load %arg6[%parallel_loop3A_928, %parallel_loop3A_929, %parallel_loop3A_930] {strides = array<i32>} : memref<4x2x4096xf32, #tpu.memory_space<vmem>>, vector<16xf32>,
        %parallel_loop3A_932 = arith.cmpf ogt, %parallel_loop3A_931, %parallel_loop3A_878 : vector<16xf32>
        %parallel_loop3A_933 = vector.broadcast %parallel_loop3A_925 : i32 to vector<16xi32>
        %parallel_loop3A_934 = arith.addi %iota3A, %parallel_loop3A_933 : vector<16xi32>
        %parallel_loop3A_935 = arith.select %parallel_loop3A_932, %parallel_loop3A_934, %parallel_loop3A_882 : vector<16xi1>, vector<16xi32>
        %parallel_loop3A_936 = arith.maximumf %parallel_loop3A_878, %parallel_loop3A_931 : vector<16xf32>
        scf.yield %parallel_loop3A_897, %parallel_loop3A_910, %parallel_loop3A_923, %parallel_loop3A_936, %parallel_loop3A_896, %parallel_loop3A_909, %parallel_loop3A_922, %parallel_loop3A_935 : vector<16xf32>, vector<16xf32>, vector<16xf32>, vector<16xf32>, vector<16xi32>, vector<16xi32>, vector<16xi32>, vector<16xi32>
      } {sc.loop_unroll_factor = 4 : i64, sc.parallel_access}
      %max3A_396 = arith.maximumf %parallel_loop3A_395#0, %parallel_loop3A_395#1 : vector<16xf32>
      %max3A_397 = arith.maximumf %parallel_loop3A_395#2, %parallel_loop3A_395#3 : vector<16xf32>
      %max3A_398 = arith.maximumf %max3A_396, %max3A_397 : vector<16xf32>
      %broadcast_in_dim3A_399 = arith.constant true
      %broadcast_in_dim3A_400 = vector.broadcast %broadcast_in_dim3A_399 : i1 to vector<16xi1>
      %masked_cummax3A_401 = tpu.scan <max>, %max3A_398 masked %broadcast_in_dim3A_400 : vector<16xf32>, vector<16xi1> -> vector<16xf32>
      %rev3A_402 = arith.constant 15 : i32
      %rev3A_403 = vector.broadcast %rev3A_402 : i32 to vector<16xi32>
      %rev3A_404 = tpu.iota {dimensions = array<i32: 0>} : vector<16xi32>
      %rev3A_405 = arith.subi %rev3A_403, %rev3A_404 : vector<16xi32>
      %rev3A_406 = tpu.dynamic_gather %masked_cummax3A_401[%rev3A_405] in [0] : vector<16xf32>, vector<16xi32> -> vector<16xf32>
      %broadcast_in_dim3A_407 = arith.constant true
      %broadcast_in_dim3A_408 = vector.broadcast %broadcast_in_dim3A_407 : i1 to vector<16xi1>
      %masked_cummax3A_409 = tpu.scan <max>, %rev3A_406 masked %broadcast_in_dim3A_408 : vector<16xf32>, vector<16xi1> -> vector<16xf32>
      %eq3A_410 = arith.cmpf oeq, %parallel_loop3A_395#0, %masked_cummax3A_409 : vector<16xf32>
      %select_n3A_411 = arith.select %eq3A_410, %parallel_loop3A_395#4, %broadcast_in_dim3A_7 : vector<16xi1>, vector<16xi32>
      %eq3A_412 = arith.cmpf oeq, %parallel_loop3A_395#1, %masked_cummax3A_409 : vector<16xf32>
      %select_n3A_413 = arith.select %eq3A_412, %parallel_loop3A_395#5, %broadcast_in_dim3A_7 : vector<16xi1>, vector<16xi32>
      %min3A_414 = arith.minsi %select_n3A_411, %select_n3A_413 : vector<16xi32>
      %eq3A_415 = arith.cmpf oeq, %parallel_loop3A_395#2, %masked_cummax3A_409 : vector<16xf32>
      %select_n3A_416 = arith.select %eq3A_415, %parallel_loop3A_395#6, %broadcast_in_dim3A_7 : vector<16xi1>, vector<16xi32>
      %eq3A_417 = arith.cmpf oeq, %parallel_loop3A_395#3, %masked_cummax3A_409 : vector<16xf32>
      %select_n3A_418 = arith.select %eq3A_417, %parallel_loop3A_395#7, %broadcast_in_dim3A_7 : vector<16xi1>, vector<16xi32>
      %min3A_419 = arith.minsi %select_n3A_416, %select_n3A_418 : vector<16xi32>
      %min3A_420 = arith.minsi %min3A_414, %min3A_419 : vector<16xi32>
      %neg3A_421 = arith.constant 0 : i32
      %neg3A_422 = vector.broadcast %neg3A_421 : i32 to vector<16xi32>
      %neg3A_423 = arith.subi %neg3A_422, %min3A_420 : vector<16xi32>
      %broadcast_in_dim3A_424 = arith.constant true
      %broadcast_in_dim3A_425 = vector.broadcast %broadcast_in_dim3A_424 : i1 to vector<16xi1>
      %masked_cummax3A_426 = arith.constant -2147483648 : i32
      %masked_cummax3A_427 = vector.broadcast %masked_cummax3A_426 : i32 to vector<16xi32>
      %masked_cummax3A_428 = arith.xori %neg3A_423, %masked_cummax3A_427 : vector<16xi32>
      %masked_cummax3A_429 = tpu.scan <max>, %masked_cummax3A_428 masked %broadcast_in_dim3A_425 : vector<16xi32>, vector<16xi1> -> vector<16xi32>
      %masked_cummax3A_430 = arith.xori %masked_cummax3A_429, %masked_cummax3A_427 : vector<16xi32>
      %rev3A_431 = arith.constant 15 : i32
      %rev3A_432 = vector.broadcast %rev3A_431 : i32 to vector<16xi32>
      %rev3A_433 = tpu.iota {dimensions = array<i32: 0>} : vector<16xi32>
      %rev3A_434 = arith.subi %rev3A_432, %rev3A_433 : vector<16xi32>
      %rev3A_435 = tpu.dynamic_gather %masked_cummax3A_430[%rev3A_434] in [0] : vector<16xi32>, vector<16xi32> -> vector<16xi32>
      %broadcast_in_dim3A_436 = arith.constant true
      %broadcast_in_dim3A_437 = vector.broadcast %broadcast_in_dim3A_436 : i1 to vector<16xi1>
      %masked_cummax3A_438 = arith.constant -2147483648 : i32
      %masked_cummax3A_439 = vector.broadcast %masked_cummax3A_438 : i32 to vector<16xi32>
      %masked_cummax3A_440 = arith.xori %rev3A_435, %masked_cummax3A_439 : vector<16xi32>
      %masked_cummax3A_441 = tpu.scan <max>, %masked_cummax3A_440 masked %broadcast_in_dim3A_437 : vector<16xi32>, vector<16xi1> -> vector<16xi32>
      %masked_cummax3A_442 = arith.xori %masked_cummax3A_441, %masked_cummax3A_439 : vector<16xi32>
      %neg3A_443 = arith.constant 0 : i32
      %neg3A_444 = vector.broadcast %neg3A_443 : i32 to vector<16xi32>
      %neg3A_445 = arith.subi %neg3A_444, %masked_cummax3A_442 : vector<16xi32>
      %gather3A_446 = tpu.vector_load_idx %arg9[%neg3A_445] : memref<4096xi32, #tpu.memory_space<vmem>>[vector<16xi32>], vector<16xi32>,
      %parallel_loop3A_447 = arith.constant 0 : i32
      %parallel_loop3A_448 = arith.constant 64 : i32
      %parallel_loop3A_449 = arith.constant 1 : i32
      %parallel_loop3A_450:8 = scf.for %parallel_loop3A_874 = %parallel_loop3A_447 to %parallel_loop3A_448 step %parallel_loop3A_449 iter_args(%parallel_loop3A_875 = %broadcast_in_dim3A_3, %parallel_loop3A_876 = %broadcast_in_dim3A_3, %parallel_loop3A_877 = %broadcast_in_dim3A_3, %parallel_loop3A_878 = %broadcast_in_dim3A_3, %parallel_loop3A_879 = %broadcast_in_dim3A_5, %parallel_loop3A_880 = %broadcast_in_dim3A_5, %parallel_loop3A_881 = %broadcast_in_dim3A_5, %parallel_loop3A_882 = %broadcast_in_dim3A_5) -> (vector<16xf32>, vector<16xf32>, vector<16xf32>, vector<16xf32>, vector<16xi32>, vector<16xi32>, vector<16xi32>, vector<16xi32>)  : i32 {
        %parallel_loop3A_883 = arith.constant 64 : i32
        %parallel_loop3A_884 = arith.muli %parallel_loop3A_874, %parallel_loop3A_883 : i32
        %parallel_loop3A_885 = arith.constant 0 : i32
        %parallel_loop3A_886 = arith.addi %parallel_loop3A_884, %parallel_loop3A_885 : i32
        %parallel_loop3A_887 = arith.constant 1 : i32
        %parallel_loop3A_888 = arith.constant 1 : i32
        %parallel_loop3A_889 = arith.index_cast %parallel_loop3A_887 : i32 to index
        %parallel_loop3A_890 = arith.index_cast %parallel_loop3A_888 : i32 to index
        %parallel_loop3A_891 = arith.index_cast %parallel_loop3A_886 : i32 to index
        %parallel_loop3A_892 = tpu.vector_load %arg6[%parallel_loop3A_889, %parallel_loop3A_890, %parallel_loop3A_891] {strides = array<i32>} : memref<4x2x4096xf32, #tpu.memory_space<vmem>>, vector<16xf32>,
        %parallel_loop3A_893 = arith.cmpf ogt, %parallel_loop3A_892, %parallel_loop3A_875 : vector<16xf32>
        %parallel_loop3A_894 = vector.broadcast %parallel_loop3A_886 : i32 to vector<16xi32>
        %parallel_loop3A_895 = arith.addi %iota3A, %parallel_loop3A_894 : vector<16xi32>
        %parallel_loop3A_896 = arith.select %parallel_loop3A_893, %parallel_loop3A_895, %parallel_loop3A_879 : vector<16xi1>, vector<16xi32>
        %parallel_loop3A_897 = arith.maximumf %parallel_loop3A_875, %parallel_loop3A_892 : vector<16xf32>
        %parallel_loop3A_898 = arith.constant 16 : i32
        %parallel_loop3A_899 = arith.addi %parallel_loop3A_884, %parallel_loop3A_898 : i32
        %parallel_loop3A_900 = arith.constant 1 : i32
        %parallel_loop3A_901 = arith.constant 1 : i32
        %parallel_loop3A_902 = arith.index_cast %parallel_loop3A_900 : i32 to index
        %parallel_loop3A_903 = arith.index_cast %parallel_loop3A_901 : i32 to index
        %parallel_loop3A_904 = arith.index_cast %parallel_loop3A_899 : i32 to index
        %parallel_loop3A_905 = tpu.vector_load %arg6[%parallel_loop3A_902, %parallel_loop3A_903, %parallel_loop3A_904] {strides = array<i32>} : memref<4x2x4096xf32, #tpu.memory_space<vmem>>, vector<16xf32>,
        %parallel_loop3A_906 = arith.cmpf ogt, %parallel_loop3A_905, %parallel_loop3A_876 : vector<16xf32>
        %parallel_loop3A_907 = vector.broadcast %parallel_loop3A_899 : i32 to vector<16xi32>
        %parallel_loop3A_908 = arith.addi %iota3A, %parallel_loop3A_907 : vector<16xi32>
        %parallel_loop3A_909 = arith.select %parallel_loop3A_906, %parallel_loop3A_908, %parallel_loop3A_880 : vector<16xi1>, vector<16xi32>
        %parallel_loop3A_910 = arith.maximumf %parallel_loop3A_876, %parallel_loop3A_905 : vector<16xf32>
        %parallel_loop3A_911 = arith.constant 32 : i32
        %parallel_loop3A_912 = arith.addi %parallel_loop3A_884, %parallel_loop3A_911 : i32
        %parallel_loop3A_913 = arith.constant 1 : i32
        %parallel_loop3A_914 = arith.constant 1 : i32
        %parallel_loop3A_915 = arith.index_cast %parallel_loop3A_913 : i32 to index
        %parallel_loop3A_916 = arith.index_cast %parallel_loop3A_914 : i32 to index
        %parallel_loop3A_917 = arith.index_cast %parallel_loop3A_912 : i32 to index
        %parallel_loop3A_918 = tpu.vector_load %arg6[%parallel_loop3A_915, %parallel_loop3A_916, %parallel_loop3A_917] {strides = array<i32>} : memref<4x2x4096xf32, #tpu.memory_space<vmem>>, vector<16xf32>,
        %parallel_loop3A_919 = arith.cmpf ogt, %parallel_loop3A_918, %parallel_loop3A_877 : vector<16xf32>
        %parallel_loop3A_920 = vector.broadcast %parallel_loop3A_912 : i32 to vector<16xi32>
        %parallel_loop3A_921 = arith.addi %iota3A, %parallel_loop3A_920 : vector<16xi32>
        %parallel_loop3A_922 = arith.select %parallel_loop3A_919, %parallel_loop3A_921, %parallel_loop3A_881 : vector<16xi1>, vector<16xi32>
        %parallel_loop3A_923 = arith.maximumf %parallel_loop3A_877, %parallel_loop3A_918 : vector<16xf32>
        %parallel_loop3A_924 = arith.constant 48 : i32
        %parallel_loop3A_925 = arith.addi %parallel_loop3A_884, %parallel_loop3A_924 : i32
        %parallel_loop3A_926 = arith.constant 1 : i32
        %parallel_loop3A_927 = arith.constant 1 : i32
        %parallel_loop3A_928 = arith.index_cast %parallel_loop3A_926 : i32 to index
        %parallel_loop3A_929 = arith.index_cast %parallel_loop3A_927 : i32 to index
        %parallel_loop3A_930 = arith.index_cast %parallel_loop3A_925 : i32 to index
        %parallel_loop3A_931 = tpu.vector_load %arg6[%parallel_loop3A_928, %parallel_loop3A_929, %parallel_loop3A_930] {strides = array<i32>} : memref<4x2x4096xf32, #tpu.memory_space<vmem>>, vector<16xf32>,
        %parallel_loop3A_932 = arith.cmpf ogt, %parallel_loop3A_931, %parallel_loop3A_878 : vector<16xf32>
        %parallel_loop3A_933 = vector.broadcast %parallel_loop3A_925 : i32 to vector<16xi32>
        %parallel_loop3A_934 = arith.addi %iota3A, %parallel_loop3A_933 : vector<16xi32>
        %parallel_loop3A_935 = arith.select %parallel_loop3A_932, %parallel_loop3A_934, %parallel_loop3A_882 : vector<16xi1>, vector<16xi32>
        %parallel_loop3A_936 = arith.maximumf %parallel_loop3A_878, %parallel_loop3A_931 : vector<16xf32>
        scf.yield %parallel_loop3A_897, %parallel_loop3A_910, %parallel_loop3A_923, %parallel_loop3A_936, %parallel_loop3A_896, %parallel_loop3A_909, %parallel_loop3A_922, %parallel_loop3A_935 : vector<16xf32>, vector<16xf32>, vector<16xf32>, vector<16xf32>, vector<16xi32>, vector<16xi32>, vector<16xi32>, vector<16xi32>
      } {sc.loop_unroll_factor = 4 : i64, sc.parallel_access}
      %max3A_451 = arith.maximumf %parallel_loop3A_450#0, %parallel_loop3A_450#1 : vector<16xf32>
      %max3A_452 = arith.maximumf %parallel_loop3A_450#2, %parallel_loop3A_450#3 : vector<16xf32>
      %max3A_453 = arith.maximumf %max3A_451, %max3A_452 : vector<16xf32>
      %broadcast_in_dim3A_454 = arith.constant true
      %broadcast_in_dim3A_455 = vector.broadcast %broadcast_in_dim3A_454 : i1 to vector<16xi1>
      %masked_cummax3A_456 = tpu.scan <max>, %max3A_453 masked %broadcast_in_dim3A_455 : vector<16xf32>, vector<16xi1> -> vector<16xf32>
      %rev3A_457 = arith.constant 15 : i32
      %rev3A_458 = vector.broadcast %rev3A_457 : i32 to vector<16xi32>
      %rev3A_459 = tpu.iota {dimensions = array<i32: 0>} : vector<16xi32>
      %rev3A_460 = arith.subi %rev3A_458, %rev3A_459 : vector<16xi32>
      %rev3A_461 = tpu.dynamic_gather %masked_cummax3A_456[%rev3A_460] in [0] : vector<16xf32>, vector<16xi32> -> vector<16xf32>
      %broadcast_in_dim3A_462 = arith.constant true
      %broadcast_in_dim3A_463 = vector.broadcast %broadcast_in_dim3A_462 : i1 to vector<16xi1>
      %masked_cummax3A_464 = tpu.scan <max>, %rev3A_461 masked %broadcast_in_dim3A_463 : vector<16xf32>, vector<16xi1> -> vector<16xf32>
      %eq3A_465 = arith.cmpf oeq, %parallel_loop3A_450#0, %masked_cummax3A_464 : vector<16xf32>
      %select_n3A_466 = arith.select %eq3A_465, %parallel_loop3A_450#4, %broadcast_in_dim3A_7 : vector<16xi1>, vector<16xi32>
      %eq3A_467 = arith.cmpf oeq, %parallel_loop3A_450#1, %masked_cummax3A_464 : vector<16xf32>
      %select_n3A_468 = arith.select %eq3A_467, %parallel_loop3A_450#5, %broadcast_in_dim3A_7 : vector<16xi1>, vector<16xi32>
      %min3A_469 = arith.minsi %select_n3A_466, %select_n3A_468 : vector<16xi32>
      %eq3A_470 = arith.cmpf oeq, %parallel_loop3A_450#2, %masked_cummax3A_464 : vector<16xf32>
      %select_n3A_471 = arith.select %eq3A_470, %parallel_loop3A_450#6, %broadcast_in_dim3A_7 : vector<16xi1>, vector<16xi32>
      %eq3A_472 = arith.cmpf oeq, %parallel_loop3A_450#3, %masked_cummax3A_464 : vector<16xf32>
      %select_n3A_473 = arith.select %eq3A_472, %parallel_loop3A_450#7, %broadcast_in_dim3A_7 : vector<16xi1>, vector<16xi32>
      %min3A_474 = arith.minsi %select_n3A_471, %select_n3A_473 : vector<16xi32>
      %min3A_475 = arith.minsi %min3A_469, %min3A_474 : vector<16xi32>
      %neg3A_476 = arith.constant 0 : i32
      %neg3A_477 = vector.broadcast %neg3A_476 : i32 to vector<16xi32>
      %neg3A_478 = arith.subi %neg3A_477, %min3A_475 : vector<16xi32>
      %broadcast_in_dim3A_479 = arith.constant true
      %broadcast_in_dim3A_480 = vector.broadcast %broadcast_in_dim3A_479 : i1 to vector<16xi1>
      %masked_cummax3A_481 = arith.constant -2147483648 : i32
      %masked_cummax3A_482 = vector.broadcast %masked_cummax3A_481 : i32 to vector<16xi32>
      %masked_cummax3A_483 = arith.xori %neg3A_478, %masked_cummax3A_482 : vector<16xi32>
      %masked_cummax3A_484 = tpu.scan <max>, %masked_cummax3A_483 masked %broadcast_in_dim3A_480 : vector<16xi32>, vector<16xi1> -> vector<16xi32>
      %masked_cummax3A_485 = arith.xori %masked_cummax3A_484, %masked_cummax3A_482 : vector<16xi32>
      %rev3A_486 = arith.constant 15 : i32
      %rev3A_487 = vector.broadcast %rev3A_486 : i32 to vector<16xi32>
      %rev3A_488 = tpu.iota {dimensions = array<i32: 0>} : vector<16xi32>
      %rev3A_489 = arith.subi %rev3A_487, %rev3A_488 : vector<16xi32>
      %rev3A_490 = tpu.dynamic_gather %masked_cummax3A_485[%rev3A_489] in [0] : vector<16xi32>, vector<16xi32> -> vector<16xi32>
      %broadcast_in_dim3A_491 = arith.constant true
      %broadcast_in_dim3A_492 = vector.broadcast %broadcast_in_dim3A_491 : i1 to vector<16xi1>
      %masked_cummax3A_493 = arith.constant -2147483648 : i32
      %masked_cummax3A_494 = vector.broadcast %masked_cummax3A_493 : i32 to vector<16xi32>
      %masked_cummax3A_495 = arith.xori %rev3A_490, %masked_cummax3A_494 : vector<16xi32>
      %masked_cummax3A_496 = tpu.scan <max>, %masked_cummax3A_495 masked %broadcast_in_dim3A_492 : vector<16xi32>, vector<16xi1> -> vector<16xi32>
      %masked_cummax3A_497 = arith.xori %masked_cummax3A_496, %masked_cummax3A_494 : vector<16xi32>
      %neg3A_498 = arith.constant 0 : i32
      %neg3A_499 = vector.broadcast %neg3A_498 : i32 to vector<16xi32>
      %neg3A_500 = arith.subi %neg3A_499, %masked_cummax3A_497 : vector<16xi32>
      %gather3A_501 = tpu.vector_load_idx %arg9[%neg3A_500] : memref<4096xi32, #tpu.memory_space<vmem>>[vector<16xi32>], vector<16xi32>,
      %parallel_loop3A_502 = arith.constant 0 : i32
      %parallel_loop3A_503 = arith.constant 256 : i32
      %parallel_loop3A_504 = arith.constant 1 : i32
      scf.for %parallel_loop3A_874 = %parallel_loop3A_502 to %parallel_loop3A_503 step %parallel_loop3A_504  : i32 {
        %parallel_loop3A_875 = arith.constant 16 : i32
        %parallel_loop3A_876 = arith.muli %parallel_loop3A_874, %parallel_loop3A_875 : i32
        %parallel_loop3A_877 = arith.index_cast %parallel_loop3A_876 : i32 to index
        %parallel_loop3A_878 = tpu.vector_load %arg9[%parallel_loop3A_877] {strides = array<i32>} : memref<4096xi32, #tpu.memory_space<vmem>>, vector<16xi32>,
        %parallel_loop3A_879 = arith.cmpi eq, %parallel_loop3A_878, %gather3A_446 : vector<16xi32>
        %parallel_loop3A_880 = arith.select %parallel_loop3A_879, %broadcast_in_dim3A_9, %broadcast_in_dim3A_11 : vector<16xi1>, vector<16xf32>
        %parallel_loop3A_881 = arith.constant 1 : i32
        %parallel_loop3A_882 = arith.constant 0 : i32
        %parallel_loop3A_883 = arith.index_cast %parallel_loop3A_881 : i32 to index
        %parallel_loop3A_884 = arith.index_cast %parallel_loop3A_882 : i32 to index
        %parallel_loop3A_885 = arith.index_cast %parallel_loop3A_876 : i32 to index
        %parallel_loop3A_886 = tpu.vector_load %arg7[%parallel_loop3A_883, %parallel_loop3A_884, %parallel_loop3A_885] {strides = array<i32>} : memref<4x2x4096xf32, #tpu.memory_space<vmem>>, vector<16xf32>,
        %parallel_loop3A_887 = arith.addf %parallel_loop3A_886, %parallel_loop3A_880 : vector<16xf32>
        %parallel_loop3A_888 = arith.constant 1 : i32
        %parallel_loop3A_889 = arith.constant 0 : i32
        %parallel_loop3A_890 = arith.index_cast %parallel_loop3A_888 : i32 to index
        %parallel_loop3A_891 = arith.index_cast %parallel_loop3A_889 : i32 to index
        %parallel_loop3A_892 = arith.index_cast %parallel_loop3A_876 : i32 to index
        %parallel_loop3A_893 = tpu.vector_load %arg8[%parallel_loop3A_890, %parallel_loop3A_891, %parallel_loop3A_892] {strides = array<i32>} : memref<4x2x4096xf32, #tpu.memory_space<vmem>>, vector<16xf32>,
        tpu.vector_store %arg8[%parallel_loop3A_890, %parallel_loop3A_891, %parallel_loop3A_892], %parallel_loop3A_887 {strides = array<i32>} : memref<4x2x4096xf32, #tpu.memory_space<vmem>>, vector<16xf32>,
        %parallel_loop3A_894 = arith.cmpi eq, %parallel_loop3A_878, %gather3A_501 : vector<16xi32>
        %parallel_loop3A_895 = arith.select %parallel_loop3A_894, %broadcast_in_dim3A_9, %broadcast_in_dim3A_11 : vector<16xi1>, vector<16xf32>
        %parallel_loop3A_896 = arith.constant 1 : i32
        %parallel_loop3A_897 = arith.constant 1 : i32
        %parallel_loop3A_898 = arith.index_cast %parallel_loop3A_896 : i32 to index
        %parallel_loop3A_899 = arith.index_cast %parallel_loop3A_897 : i32 to index
        %parallel_loop3A_900 = arith.index_cast %parallel_loop3A_876 : i32 to index
        %parallel_loop3A_901 = tpu.vector_load %arg7[%parallel_loop3A_898, %parallel_loop3A_899, %parallel_loop3A_900] {strides = array<i32>} : memref<4x2x4096xf32, #tpu.memory_space<vmem>>, vector<16xf32>,
        %parallel_loop3A_902 = arith.addf %parallel_loop3A_901, %parallel_loop3A_895 : vector<16xf32>
        %parallel_loop3A_903 = arith.constant 1 : i32
        %parallel_loop3A_904 = arith.constant 1 : i32
        %parallel_loop3A_905 = arith.index_cast %parallel_loop3A_903 : i32 to index
        %parallel_loop3A_906 = arith.index_cast %parallel_loop3A_904 : i32 to index
        %parallel_loop3A_907 = arith.index_cast %parallel_loop3A_876 : i32 to index
        %parallel_loop3A_908 = tpu.vector_load %arg8[%parallel_loop3A_905, %parallel_loop3A_906, %parallel_loop3A_907] {strides = array<i32>} : memref<4x2x4096xf32, #tpu.memory_space<vmem>>, vector<16xf32>,
        tpu.vector_store %arg8[%parallel_loop3A_905, %parallel_loop3A_906, %parallel_loop3A_907], %parallel_loop3A_902 {strides = array<i32>} : memref<4x2x4096xf32, #tpu.memory_space<vmem>>, vector<16xf32>,
      } {sc.loop_unroll_factor = 4 : i64, sc.parallel_access}
      %dma_start3A_505 = arith.constant 1 : i32
      %dma_start3A_506 = arith.constant 0 : i32
      %dma_start3A_507 = arith.constant 0 : i32
      %dma_start3A_508 = tpu.memref_slice %arg8[%dma_start3A_505, %dma_start3A_506, %dma_start3A_507] : memref<4x2x4096xf32, #tpu.memory_space<vmem>> -> memref<1x2x4096xf32, #tpu.memory_space<vmem>>
      %dma_start3A_509 = tpu.memref_squeeze %dma_start3A_508 : memref<1x2x4096xf32, #tpu.memory_space<vmem>> -> memref<2x4096xf32, #tpu.memory_space<vmem>>
      %dma_start3A_510 = arith.constant 0 : i32
      %dma_start3A_511 = tpu.memref_slice %arg5[%add3A_357, %dma_start3A_510] : memref<4096x4096xf32, #tpu.memory_space<hbm>> -> memref<2x4096xf32, #tpu.memory_space<hbm>>
      %dma_start3A_512 = arith.constant 0 : i32
      %dma_start3A_513 = tpu.memref_slice %arg5[%add3A_357, %dma_start3A_512] : memref<4096x4096xf32, #tpu.memory_space<hbm>> -> memref<2x4096xf32, #tpu.memory_space<hbm>>
      %dma_start3A_514 = arith.constant 0 : i32
      %dma_start3A_515 = arith.constant 0 : i32
      %dma_start3A_516 = tpu.memref_slice %arg8[%dma_start3A_505, %dma_start3A_514, %dma_start3A_515] : memref<4x2x4096xf32, #tpu.memory_space<vmem>> -> memref<1x2x4096xf32, #tpu.memory_space<vmem>>
      %dma_start3A_517 = tpu.memref_squeeze %dma_start3A_516 : memref<1x2x4096xf32, #tpu.memory_space<vmem>> -> memref<2x4096xf32, #tpu.memory_space<vmem>>
      tpu.enqueue_dma source(%dma_start3A_517 : memref<2x4096xf32, #tpu.memory_space<vmem>>) target(%dma_start3A_513 : memref<2x4096xf32, #tpu.memory_space<hbm>>) target_semaphore(%arg15 : memref<!tpu.dma_semaphore, #tpu.memory_space<semaphore_mem>>)
      %add3A_518 = arith.constant 4 : i32
      %add3A_519 = arith.addi %add3A_354, %add3A_518 : i32
      %lt3A_520 = arith.constant 64 : i32
      %lt3A_521 = arith.cmpi slt, %add3A_519, %lt3A_520 : i32
      %convert_element_type3A_522 = arith.extui %lt3A_521 : i1 to i32
      %cond3A_523 = arith.constant 0 : i32
      %cond3A_524 = arith.cmpi ne, %convert_element_type3A_522, %cond3A_523 : i32
      scf.if %cond3A_524 {
        %add3A_874 = arith.constant 4 : i32
        %add3A_875 = arith.addi %add3A_354, %add3A_874 : i32
        %mul3A_876 = arith.constant 2 : i32
        %mul3A_877 = arith.muli %add3A_875, %mul3A_876 : i32
        %add3A_878 = arith.addi %mul3A_2, %mul3A_877 : i32
        %dma_start3A_879 = arith.constant 1 : i32
        %dma_start3A_880 = arith.constant 0 : i32
        %dma_start3A_881 = arith.constant 0 : i32
        %dma_start3A_882 = tpu.memref_slice %arg6[%dma_start3A_879, %dma_start3A_880, %dma_start3A_881] : memref<4x2x4096xf32, #tpu.memory_space<vmem>> -> memref<1x2x4096xf32, #tpu.memory_space<vmem>>
        %dma_start3A_883 = tpu.memref_squeeze %dma_start3A_882 : memref<1x2x4096xf32, #tpu.memory_space<vmem>> -> memref<2x4096xf32, #tpu.memory_space<vmem>>
        %dma_start3A_884 = arith.constant 0 : i32
        %dma_start3A_885 = tpu.memref_slice %arg3[%add3A_878, %dma_start3A_884] : memref<4096x4096xf32, #tpu.memory_space<hbm>> -> memref<2x4096xf32, #tpu.memory_space<hbm>>
        %dma_start3A_886 = arith.constant 0 : i32
        %dma_start3A_887 = arith.constant 0 : i32
        %dma_start3A_888 = tpu.memref_slice %arg6[%dma_start3A_879, %dma_start3A_886, %dma_start3A_887] : memref<4x2x4096xf32, #tpu.memory_space<vmem>> -> memref<1x2x4096xf32, #tpu.memory_space<vmem>>
        %dma_start3A_889 = tpu.memref_squeeze %dma_start3A_888 : memref<1x2x4096xf32, #tpu.memory_space<vmem>> -> memref<2x4096xf32, #tpu.memory_space<vmem>>
        %dma_start3A_890 = arith.constant 0 : i32
        %dma_start3A_891 = tpu.memref_slice %arg3[%add3A_878, %dma_start3A_890] : memref<4096x4096xf32, #tpu.memory_space<hbm>> -> memref<2x4096xf32, #tpu.memory_space<hbm>>
        tpu.enqueue_dma source(%dma_start3A_891 : memref<2x4096xf32, #tpu.memory_space<hbm>>) target(%dma_start3A_889 : memref<2x4096xf32, #tpu.memory_space<vmem>>) target_semaphore(%arg11 : memref<!tpu.dma_semaphore, #tpu.memory_space<semaphore_mem>>)
        %dma_start3A_892 = arith.constant 1 : i32
        %dma_start3A_893 = arith.constant 0 : i32
        %dma_start3A_894 = arith.constant 0 : i32
        %dma_start3A_895 = tpu.memref_slice %arg7[%dma_start3A_892, %dma_start3A_893, %dma_start3A_894] : memref<4x2x4096xf32, #tpu.memory_space<vmem>> -> memref<1x2x4096xf32, #tpu.memory_space<vmem>>
        %dma_start3A_896 = tpu.memref_squeeze %dma_start3A_895 : memref<1x2x4096xf32, #tpu.memory_space<vmem>> -> memref<2x4096xf32, #tpu.memory_space<vmem>>
        %dma_start3A_897 = arith.constant 0 : i32
        %dma_start3A_898 = tpu.memref_slice %arg2[%add3A_878, %dma_start3A_897] : memref<4096x4096xf32, #tpu.memory_space<hbm>> -> memref<2x4096xf32, #tpu.memory_space<hbm>>
        %dma_start3A_899 = arith.constant 0 : i32
        %dma_start3A_900 = arith.constant 0 : i32
        %dma_start3A_901 = tpu.memref_slice %arg7[%dma_start3A_892, %dma_start3A_899, %dma_start3A_900] : memref<4x2x4096xf32, #tpu.memory_space<vmem>> -> memref<1x2x4096xf32, #tpu.memory_space<vmem>>
        %dma_start3A_902 = tpu.memref_squeeze %dma_start3A_901 : memref<1x2x4096xf32, #tpu.memory_space<vmem>> -> memref<2x4096xf32, #tpu.memory_space<vmem>>
        %dma_start3A_903 = arith.constant 0 : i32
        %dma_start3A_904 = tpu.memref_slice %arg2[%add3A_878, %dma_start3A_903] : memref<4096x4096xf32, #tpu.memory_space<hbm>> -> memref<2x4096xf32, #tpu.memory_space<hbm>>
        tpu.enqueue_dma source(%dma_start3A_904 : memref<2x4096xf32, #tpu.memory_space<hbm>>) target(%dma_start3A_902 : memref<2x4096xf32, #tpu.memory_space<vmem>>) target_semaphore(%arg11 : memref<!tpu.dma_semaphore, #tpu.memory_space<semaphore_mem>>)
      } else {
      }
      %mul3A_525 = arith.constant 4 : i32
      %mul3A_526 = arith.muli %mul3A_525, %scan3A_188 : i32
      %add3A_527 = arith.constant 2 : i32
      %add3A_528 = arith.addi %mul3A_526, %add3A_527 : i32
      %mul3A_529 = arith.constant 2 : i32
      %mul3A_530 = arith.muli %add3A_528, %mul3A_529 : i32
      %add3A_531 = arith.addi %mul3A_2, %mul3A_530 : i32
      %mul3A_532 = arith.constant 2 : i32
      %mul3A_533 = arith.muli %add3A_528, %mul3A_532 : i32
      %add3A_534 = arith.addi %mul3A_2, %mul3A_533 : i32
      %dma_wait3A_535 = arith.constant 2 : i32
      %dma_wait3A_536 = arith.constant 0 : i32
      %dma_wait3A_537 = arith.constant 0 : i32
      %dma_wait3A_538 = tpu.memref_slice %arg6[%dma_wait3A_535, %dma_wait3A_536, %dma_wait3A_537] : memref<4x2x4096xf32, #tpu.memory_space<vmem>> -> memref<1x2x4096xf32, #tpu.memory_space<vmem>>
      %dma_wait3A_539 = tpu.memref_squeeze %dma_wait3A_538 : memref<1x2x4096xf32, #tpu.memory_space<vmem>> -> memref<2x4096xf32, #tpu.memory_space<vmem>>
      %dma_wait3A_540 = arith.constant 0 : i32
      %dma_wait3A_541 = tpu.memref_slice %arg3[%add3A_534, %dma_wait3A_540] : memref<4096x4096xf32, #tpu.memory_space<hbm>> -> memref<2x4096xf32, #tpu.memory_space<hbm>>
      %dma_wait3A_542 = arith.constant 0 : i32
      %dma_wait3A_543 = arith.constant 0 : i32
      %dma_wait3A_544 = tpu.memref_slice %arg6[%dma_wait3A_535, %dma_wait3A_542, %dma_wait3A_543] : memref<4x2x4096xf32, #tpu.memory_space<vmem>> -> memref<1x2x4096xf32, #tpu.memory_space<vmem>>
      %dma_wait3A_545 = tpu.memref_squeeze %dma_wait3A_544 : memref<1x2x4096xf32, #tpu.memory_space<vmem>> -> memref<2x4096xf32, #tpu.memory_space<vmem>>
      %dma_wait3A_546 = arith.constant 0 : i32
      %dma_wait3A_547 = tpu.memref_slice %arg3[%add3A_534, %dma_wait3A_546] : memref<4096x4096xf32, #tpu.memory_space<hbm>> -> memref<2x4096xf32, #tpu.memory_space<hbm>>
      tpu.wait_dma2 semaphore(%arg12 : memref<!tpu.dma_semaphore, #tpu.memory_space<semaphore_mem>>) src(%dma_wait3A_547 : memref<2x4096xf32, #tpu.memory_space<hbm>>) dst(%dma_wait3A_545 : memref<2x4096xf32, #tpu.memory_space<vmem>>)
      %dma_wait3A_548 = arith.constant 2 : i32
      %dma_wait3A_549 = arith.constant 0 : i32
      %dma_wait3A_550 = arith.constant 0 : i32
      %dma_wait3A_551 = tpu.memref_slice %arg7[%dma_wait3A_548, %dma_wait3A_549, %dma_wait3A_550] : memref<4x2x4096xf32, #tpu.memory_space<vmem>> -> memref<1x2x4096xf32, #tpu.memory_space<vmem>>
      %dma_wait3A_552 = tpu.memref_squeeze %dma_wait3A_551 : memref<1x2x4096xf32, #tpu.memory_space<vmem>> -> memref<2x4096xf32, #tpu.memory_space<vmem>>
      %dma_wait3A_553 = arith.constant 0 : i32
      %dma_wait3A_554 = tpu.memref_slice %arg2[%add3A_534, %dma_wait3A_553] : memref<4096x4096xf32, #tpu.memory_space<hbm>> -> memref<2x4096xf32, #tpu.memory_space<hbm>>
      %dma_wait3A_555 = arith.constant 0 : i32
      %dma_wait3A_556 = arith.constant 0 : i32
      %dma_wait3A_557 = tpu.memref_slice %arg7[%dma_wait3A_548, %dma_wait3A_555, %dma_wait3A_556] : memref<4x2x4096xf32, #tpu.memory_space<vmem>> -> memref<1x2x4096xf32, #tpu.memory_space<vmem>>
      %dma_wait3A_558 = tpu.memref_squeeze %dma_wait3A_557 : memref<1x2x4096xf32, #tpu.memory_space<vmem>> -> memref<2x4096xf32, #tpu.memory_space<vmem>>
      %dma_wait3A_559 = arith.constant 0 : i32
      %dma_wait3A_560 = tpu.memref_slice %arg2[%add3A_534, %dma_wait3A_559] : memref<4096x4096xf32, #tpu.memory_space<hbm>> -> memref<2x4096xf32, #tpu.memory_space<hbm>>
      tpu.wait_dma2 semaphore(%arg12 : memref<!tpu.dma_semaphore, #tpu.memory_space<semaphore_mem>>) src(%dma_wait3A_560 : memref<2x4096xf32, #tpu.memory_space<hbm>>) dst(%dma_wait3A_558 : memref<2x4096xf32, #tpu.memory_space<vmem>>)
      %ge3A_561 = arith.constant 4 : i32
      %ge3A_562 = arith.cmpi sge, %add3A_528, %ge3A_561 : i32
      %convert_element_type3A_563 = arith.extui %ge3A_562 : i1 to i32
      %cond3A_564 = arith.constant 0 : i32
      %cond3A_565 = arith.cmpi ne, %convert_element_type3A_563, %cond3A_564 : i32
      scf.if %cond3A_565 {
        %sub3A = arith.constant 4 : i32
        %sub3A_874 = arith.subi %add3A_528, %sub3A : i32
        %mul3A_875 = arith.constant 2 : i32
        %mul3A_876 = arith.muli %sub3A_874, %mul3A_875 : i32
        %add3A_877 = arith.addi %mul3A_2, %mul3A_876 : i32
        %dma_wait3A_878 = arith.constant 2 : i32
        %dma_wait3A_879 = arith.constant 0 : i32
        %dma_wait3A_880 = arith.constant 0 : i32
        %dma_wait3A_881 = tpu.memref_slice %arg8[%dma_wait3A_878, %dma_wait3A_879, %dma_wait3A_880] : memref<4x2x4096xf32, #tpu.memory_space<vmem>> -> memref<1x2x4096xf32, #tpu.memory_space<vmem>>
        %dma_wait3A_882 = tpu.memref_squeeze %dma_wait3A_881 : memref<1x2x4096xf32, #tpu.memory_space<vmem>> -> memref<2x4096xf32, #tpu.memory_space<vmem>>
        %dma_wait3A_883 = arith.constant 0 : i32
        %dma_wait3A_884 = tpu.memref_slice %arg5[%add3A_877, %dma_wait3A_883] : memref<4096x4096xf32, #tpu.memory_space<hbm>> -> memref<2x4096xf32, #tpu.memory_space<hbm>>
        %dma_wait3A_885 = arith.constant 0 : i32
        %dma_wait3A_886 = tpu.memref_slice %arg5[%add3A_877, %dma_wait3A_885] : memref<4096x4096xf32, #tpu.memory_space<hbm>> -> memref<2x4096xf32, #tpu.memory_space<hbm>>
        %dma_wait3A_887 = arith.constant 0 : i32
        %dma_wait3A_888 = arith.constant 0 : i32
        %dma_wait3A_889 = tpu.memref_slice %arg8[%dma_wait3A_878, %dma_wait3A_887, %dma_wait3A_888] : memref<4x2x4096xf32, #tpu.memory_space<vmem>> -> memref<1x2x4096xf32, #tpu.memory_space<vmem>>
        %dma_wait3A_890 = tpu.memref_squeeze %dma_wait3A_889 : memref<1x2x4096xf32, #tpu.memory_space<vmem>> -> memref<2x4096xf32, #tpu.memory_space<vmem>>
        tpu.wait_dma2 semaphore(%arg16 : memref<!tpu.dma_semaphore, #tpu.memory_space<semaphore_mem>>) src(%dma_wait3A_890 : memref<2x4096xf32, #tpu.memory_space<vmem>>) dst(%dma_wait3A_886 : memref<2x4096xf32, #tpu.memory_space<hbm>>)
      } else {
      }
      %parallel_loop3A_566 = arith.constant 0 : i32
      %parallel_loop3A_567 = arith.constant 64 : i32
      %parallel_loop3A_568 = arith.constant 1 : i32
      %parallel_loop3A_569:8 = scf.for %parallel_loop3A_874 = %parallel_loop3A_566 to %parallel_loop3A_567 step %parallel_loop3A_568 iter_args(%parallel_loop3A_875 = %broadcast_in_dim3A_3, %parallel_loop3A_876 = %broadcast_in_dim3A_3, %parallel_loop3A_877 = %broadcast_in_dim3A_3, %parallel_loop3A_878 = %broadcast_in_dim3A_3, %parallel_loop3A_879 = %broadcast_in_dim3A_5, %parallel_loop3A_880 = %broadcast_in_dim3A_5, %parallel_loop3A_881 = %broadcast_in_dim3A_5, %parallel_loop3A_882 = %broadcast_in_dim3A_5) -> (vector<16xf32>, vector<16xf32>, vector<16xf32>, vector<16xf32>, vector<16xi32>, vector<16xi32>, vector<16xi32>, vector<16xi32>)  : i32 {
        %parallel_loop3A_883 = arith.constant 64 : i32
        %parallel_loop3A_884 = arith.muli %parallel_loop3A_874, %parallel_loop3A_883 : i32
        %parallel_loop3A_885 = arith.constant 0 : i32
        %parallel_loop3A_886 = arith.addi %parallel_loop3A_884, %parallel_loop3A_885 : i32
        %parallel_loop3A_887 = arith.constant 2 : i32
        %parallel_loop3A_888 = arith.constant 0 : i32
        %parallel_loop3A_889 = arith.index_cast %parallel_loop3A_887 : i32 to index
        %parallel_loop3A_890 = arith.index_cast %parallel_loop3A_888 : i32 to index
        %parallel_loop3A_891 = arith.index_cast %parallel_loop3A_886 : i32 to index
        %parallel_loop3A_892 = tpu.vector_load %arg6[%parallel_loop3A_889, %parallel_loop3A_890, %parallel_loop3A_891] {strides = array<i32>} : memref<4x2x4096xf32, #tpu.memory_space<vmem>>, vector<16xf32>,
        %parallel_loop3A_893 = arith.cmpf ogt, %parallel_loop3A_892, %parallel_loop3A_875 : vector<16xf32>
        %parallel_loop3A_894 = vector.broadcast %parallel_loop3A_886 : i32 to vector<16xi32>
        %parallel_loop3A_895 = arith.addi %iota3A, %parallel_loop3A_894 : vector<16xi32>
        %parallel_loop3A_896 = arith.select %parallel_loop3A_893, %parallel_loop3A_895, %parallel_loop3A_879 : vector<16xi1>, vector<16xi32>
        %parallel_loop3A_897 = arith.maximumf %parallel_loop3A_875, %parallel_loop3A_892 : vector<16xf32>
        %parallel_loop3A_898 = arith.constant 16 : i32
        %parallel_loop3A_899 = arith.addi %parallel_loop3A_884, %parallel_loop3A_898 : i32
        %parallel_loop3A_900 = arith.constant 2 : i32
        %parallel_loop3A_901 = arith.constant 0 : i32
        %parallel_loop3A_902 = arith.index_cast %parallel_loop3A_900 : i32 to index
        %parallel_loop3A_903 = arith.index_cast %parallel_loop3A_901 : i32 to index
        %parallel_loop3A_904 = arith.index_cast %parallel_loop3A_899 : i32 to index
        %parallel_loop3A_905 = tpu.vector_load %arg6[%parallel_loop3A_902, %parallel_loop3A_903, %parallel_loop3A_904] {strides = array<i32>} : memref<4x2x4096xf32, #tpu.memory_space<vmem>>, vector<16xf32>,
        %parallel_loop3A_906 = arith.cmpf ogt, %parallel_loop3A_905, %parallel_loop3A_876 : vector<16xf32>
        %parallel_loop3A_907 = vector.broadcast %parallel_loop3A_899 : i32 to vector<16xi32>
        %parallel_loop3A_908 = arith.addi %iota3A, %parallel_loop3A_907 : vector<16xi32>
        %parallel_loop3A_909 = arith.select %parallel_loop3A_906, %parallel_loop3A_908, %parallel_loop3A_880 : vector<16xi1>, vector<16xi32>
        %parallel_loop3A_910 = arith.maximumf %parallel_loop3A_876, %parallel_loop3A_905 : vector<16xf32>
        %parallel_loop3A_911 = arith.constant 32 : i32
        %parallel_loop3A_912 = arith.addi %parallel_loop3A_884, %parallel_loop3A_911 : i32
        %parallel_loop3A_913 = arith.constant 2 : i32
        %parallel_loop3A_914 = arith.constant 0 : i32
        %parallel_loop3A_915 = arith.index_cast %parallel_loop3A_913 : i32 to index
        %parallel_loop3A_916 = arith.index_cast %parallel_loop3A_914 : i32 to index
        %parallel_loop3A_917 = arith.index_cast %parallel_loop3A_912 : i32 to index
        %parallel_loop3A_918 = tpu.vector_load %arg6[%parallel_loop3A_915, %parallel_loop3A_916, %parallel_loop3A_917] {strides = array<i32>} : memref<4x2x4096xf32, #tpu.memory_space<vmem>>, vector<16xf32>,
        %parallel_loop3A_919 = arith.cmpf ogt, %parallel_loop3A_918, %parallel_loop3A_877 : vector<16xf32>
        %parallel_loop3A_920 = vector.broadcast %parallel_loop3A_912 : i32 to vector<16xi32>
        %parallel_loop3A_921 = arith.addi %iota3A, %parallel_loop3A_920 : vector<16xi32>
        %parallel_loop3A_922 = arith.select %parallel_loop3A_919, %parallel_loop3A_921, %parallel_loop3A_881 : vector<16xi1>, vector<16xi32>
        %parallel_loop3A_923 = arith.maximumf %parallel_loop3A_877, %parallel_loop3A_918 : vector<16xf32>
        %parallel_loop3A_924 = arith.constant 48 : i32
        %parallel_loop3A_925 = arith.addi %parallel_loop3A_884, %parallel_loop3A_924 : i32
        %parallel_loop3A_926 = arith.constant 2 : i32
        %parallel_loop3A_927 = arith.constant 0 : i32
        %parallel_loop3A_928 = arith.index_cast %parallel_loop3A_926 : i32 to index
        %parallel_loop3A_929 = arith.index_cast %parallel_loop3A_927 : i32 to index
        %parallel_loop3A_930 = arith.index_cast %parallel_loop3A_925 : i32 to index
        %parallel_loop3A_931 = tpu.vector_load %arg6[%parallel_loop3A_928, %parallel_loop3A_929, %parallel_loop3A_930] {strides = array<i32>} : memref<4x2x4096xf32, #tpu.memory_space<vmem>>, vector<16xf32>,
        %parallel_loop3A_932 = arith.cmpf ogt, %parallel_loop3A_931, %parallel_loop3A_878 : vector<16xf32>
        %parallel_loop3A_933 = vector.broadcast %parallel_loop3A_925 : i32 to vector<16xi32>
        %parallel_loop3A_934 = arith.addi %iota3A, %parallel_loop3A_933 : vector<16xi32>
        %parallel_loop3A_935 = arith.select %parallel_loop3A_932, %parallel_loop3A_934, %parallel_loop3A_882 : vector<16xi1>, vector<16xi32>
        %parallel_loop3A_936 = arith.maximumf %parallel_loop3A_878, %parallel_loop3A_931 : vector<16xf32>
        scf.yield %parallel_loop3A_897, %parallel_loop3A_910, %parallel_loop3A_923, %parallel_loop3A_936, %parallel_loop3A_896, %parallel_loop3A_909, %parallel_loop3A_922, %parallel_loop3A_935 : vector<16xf32>, vector<16xf32>, vector<16xf32>, vector<16xf32>, vector<16xi32>, vector<16xi32>, vector<16xi32>, vector<16xi32>
      } {sc.loop_unroll_factor = 4 : i64, sc.parallel_access}
      %max3A_570 = arith.maximumf %parallel_loop3A_569#0, %parallel_loop3A_569#1 : vector<16xf32>
      %max3A_571 = arith.maximumf %parallel_loop3A_569#2, %parallel_loop3A_569#3 : vector<16xf32>
      %max3A_572 = arith.maximumf %max3A_570, %max3A_571 : vector<16xf32>
      %broadcast_in_dim3A_573 = arith.constant true
      %broadcast_in_dim3A_574 = vector.broadcast %broadcast_in_dim3A_573 : i1 to vector<16xi1>
      %masked_cummax3A_575 = tpu.scan <max>, %max3A_572 masked %broadcast_in_dim3A_574 : vector<16xf32>, vector<16xi1> -> vector<16xf32>
      %rev3A_576 = arith.constant 15 : i32
      %rev3A_577 = vector.broadcast %rev3A_576 : i32 to vector<16xi32>
      %rev3A_578 = tpu.iota {dimensions = array<i32: 0>} : vector<16xi32>
      %rev3A_579 = arith.subi %rev3A_577, %rev3A_578 : vector<16xi32>
      %rev3A_580 = tpu.dynamic_gather %masked_cummax3A_575[%rev3A_579] in [0] : vector<16xf32>, vector<16xi32> -> vector<16xf32>
      %broadcast_in_dim3A_581 = arith.constant true
      %broadcast_in_dim3A_582 = vector.broadcast %broadcast_in_dim3A_581 : i1 to vector<16xi1>
      %masked_cummax3A_583 = tpu.scan <max>, %rev3A_580 masked %broadcast_in_dim3A_582 : vector<16xf32>, vector<16xi1> -> vector<16xf32>
      %eq3A_584 = arith.cmpf oeq, %parallel_loop3A_569#0, %masked_cummax3A_583 : vector<16xf32>
      %select_n3A_585 = arith.select %eq3A_584, %parallel_loop3A_569#4, %broadcast_in_dim3A_7 : vector<16xi1>, vector<16xi32>
      %eq3A_586 = arith.cmpf oeq, %parallel_loop3A_569#1, %masked_cummax3A_583 : vector<16xf32>
      %select_n3A_587 = arith.select %eq3A_586, %parallel_loop3A_569#5, %broadcast_in_dim3A_7 : vector<16xi1>, vector<16xi32>
      %min3A_588 = arith.minsi %select_n3A_585, %select_n3A_587 : vector<16xi32>
      %eq3A_589 = arith.cmpf oeq, %parallel_loop3A_569#2, %masked_cummax3A_583 : vector<16xf32>
      %select_n3A_590 = arith.select %eq3A_589, %parallel_loop3A_569#6, %broadcast_in_dim3A_7 : vector<16xi1>, vector<16xi32>
      %eq3A_591 = arith.cmpf oeq, %parallel_loop3A_569#3, %masked_cummax3A_583 : vector<16xf32>
      %select_n3A_592 = arith.select %eq3A_591, %parallel_loop3A_569#7, %broadcast_in_dim3A_7 : vector<16xi1>, vector<16xi32>
      %min3A_593 = arith.minsi %select_n3A_590, %select_n3A_592 : vector<16xi32>
      %min3A_594 = arith.minsi %min3A_588, %min3A_593 : vector<16xi32>
      %neg3A_595 = arith.constant 0 : i32
      %neg3A_596 = vector.broadcast %neg3A_595 : i32 to vector<16xi32>
      %neg3A_597 = arith.subi %neg3A_596, %min3A_594 : vector<16xi32>
      %broadcast_in_dim3A_598 = arith.constant true
      %broadcast_in_dim3A_599 = vector.broadcast %broadcast_in_dim3A_598 : i1 to vector<16xi1>
      %masked_cummax3A_600 = arith.constant -2147483648 : i32
      %masked_cummax3A_601 = vector.broadcast %masked_cummax3A_600 : i32 to vector<16xi32>
      %masked_cummax3A_602 = arith.xori %neg3A_597, %masked_cummax3A_601 : vector<16xi32>
      %masked_cummax3A_603 = tpu.scan <max>, %masked_cummax3A_602 masked %broadcast_in_dim3A_599 : vector<16xi32>, vector<16xi1> -> vector<16xi32>
      %masked_cummax3A_604 = arith.xori %masked_cummax3A_603, %masked_cummax3A_601 : vector<16xi32>
      %rev3A_605 = arith.constant 15 : i32
      %rev3A_606 = vector.broadcast %rev3A_605 : i32 to vector<16xi32>
      %rev3A_607 = tpu.iota {dimensions = array<i32: 0>} : vector<16xi32>
      %rev3A_608 = arith.subi %rev3A_606, %rev3A_607 : vector<16xi32>
      %rev3A_609 = tpu.dynamic_gather %masked_cummax3A_604[%rev3A_608] in [0] : vector<16xi32>, vector<16xi32> -> vector<16xi32>
      %broadcast_in_dim3A_610 = arith.constant true
      %broadcast_in_dim3A_611 = vector.broadcast %broadcast_in_dim3A_610 : i1 to vector<16xi1>
      %masked_cummax3A_612 = arith.constant -2147483648 : i32
      %masked_cummax3A_613 = vector.broadcast %masked_cummax3A_612 : i32 to vector<16xi32>
      %masked_cummax3A_614 = arith.xori %rev3A_609, %masked_cummax3A_613 : vector<16xi32>
      %masked_cummax3A_615 = tpu.scan <max>, %masked_cummax3A_614 masked %broadcast_in_dim3A_611 : vector<16xi32>, vector<16xi1> -> vector<16xi32>
      %masked_cummax3A_616 = arith.xori %masked_cummax3A_615, %masked_cummax3A_613 : vector<16xi32>
      %neg3A_617 = arith.constant 0 : i32
      %neg3A_618 = vector.broadcast %neg3A_617 : i32 to vector<16xi32>
      %neg3A_619 = arith.subi %neg3A_618, %masked_cummax3A_616 : vector<16xi32>
      %gather3A_620 = tpu.vector_load_idx %arg9[%neg3A_619] : memref<4096xi32, #tpu.memory_space<vmem>>[vector<16xi32>], vector<16xi32>,
      %parallel_loop3A_621 = arith.constant 0 : i32
      %parallel_loop3A_622 = arith.constant 64 : i32
      %parallel_loop3A_623 = arith.constant 1 : i32
      %parallel_loop3A_624:8 = scf.for %parallel_loop3A_874 = %parallel_loop3A_621 to %parallel_loop3A_622 step %parallel_loop3A_623 iter_args(%parallel_loop3A_875 = %broadcast_in_dim3A_3, %parallel_loop3A_876 = %broadcast_in_dim3A_3, %parallel_loop3A_877 = %broadcast_in_dim3A_3, %parallel_loop3A_878 = %broadcast_in_dim3A_3, %parallel_loop3A_879 = %broadcast_in_dim3A_5, %parallel_loop3A_880 = %broadcast_in_dim3A_5, %parallel_loop3A_881 = %broadcast_in_dim3A_5, %parallel_loop3A_882 = %broadcast_in_dim3A_5) -> (vector<16xf32>, vector<16xf32>, vector<16xf32>, vector<16xf32>, vector<16xi32>, vector<16xi32>, vector<16xi32>, vector<16xi32>)  : i32 {
        %parallel_loop3A_883 = arith.constant 64 : i32
        %parallel_loop3A_884 = arith.muli %parallel_loop3A_874, %parallel_loop3A_883 : i32
        %parallel_loop3A_885 = arith.constant 0 : i32
        %parallel_loop3A_886 = arith.addi %parallel_loop3A_884, %parallel_loop3A_885 : i32
        %parallel_loop3A_887 = arith.constant 2 : i32
        %parallel_loop3A_888 = arith.constant 1 : i32
        %parallel_loop3A_889 = arith.index_cast %parallel_loop3A_887 : i32 to index
        %parallel_loop3A_890 = arith.index_cast %parallel_loop3A_888 : i32 to index
        %parallel_loop3A_891 = arith.index_cast %parallel_loop3A_886 : i32 to index
        %parallel_loop3A_892 = tpu.vector_load %arg6[%parallel_loop3A_889, %parallel_loop3A_890, %parallel_loop3A_891] {strides = array<i32>} : memref<4x2x4096xf32, #tpu.memory_space<vmem>>, vector<16xf32>,
        %parallel_loop3A_893 = arith.cmpf ogt, %parallel_loop3A_892, %parallel_loop3A_875 : vector<16xf32>
        %parallel_loop3A_894 = vector.broadcast %parallel_loop3A_886 : i32 to vector<16xi32>
        %parallel_loop3A_895 = arith.addi %iota3A, %parallel_loop3A_894 : vector<16xi32>
        %parallel_loop3A_896 = arith.select %parallel_loop3A_893, %parallel_loop3A_895, %parallel_loop3A_879 : vector<16xi1>, vector<16xi32>
        %parallel_loop3A_897 = arith.maximumf %parallel_loop3A_875, %parallel_loop3A_892 : vector<16xf32>
        %parallel_loop3A_898 = arith.constant 16 : i32
        %parallel_loop3A_899 = arith.addi %parallel_loop3A_884, %parallel_loop3A_898 : i32
        %parallel_loop3A_900 = arith.constant 2 : i32
        %parallel_loop3A_901 = arith.constant 1 : i32
        %parallel_loop3A_902 = arith.index_cast %parallel_loop3A_900 : i32 to index
        %parallel_loop3A_903 = arith.index_cast %parallel_loop3A_901 : i32 to index
        %parallel_loop3A_904 = arith.index_cast %parallel_loop3A_899 : i32 to index
        %parallel_loop3A_905 = tpu.vector_load %arg6[%parallel_loop3A_902, %parallel_loop3A_903, %parallel_loop3A_904] {strides = array<i32>} : memref<4x2x4096xf32, #tpu.memory_space<vmem>>, vector<16xf32>,
        %parallel_loop3A_906 = arith.cmpf ogt, %parallel_loop3A_905, %parallel_loop3A_876 : vector<16xf32>
        %parallel_loop3A_907 = vector.broadcast %parallel_loop3A_899 : i32 to vector<16xi32>
        %parallel_loop3A_908 = arith.addi %iota3A, %parallel_loop3A_907 : vector<16xi32>
        %parallel_loop3A_909 = arith.select %parallel_loop3A_906, %parallel_loop3A_908, %parallel_loop3A_880 : vector<16xi1>, vector<16xi32>
        %parallel_loop3A_910 = arith.maximumf %parallel_loop3A_876, %parallel_loop3A_905 : vector<16xf32>
        %parallel_loop3A_911 = arith.constant 32 : i32
        %parallel_loop3A_912 = arith.addi %parallel_loop3A_884, %parallel_loop3A_911 : i32
        %parallel_loop3A_913 = arith.constant 2 : i32
        %parallel_loop3A_914 = arith.constant 1 : i32
        %parallel_loop3A_915 = arith.index_cast %parallel_loop3A_913 : i32 to index
        %parallel_loop3A_916 = arith.index_cast %parallel_loop3A_914 : i32 to index
        %parallel_loop3A_917 = arith.index_cast %parallel_loop3A_912 : i32 to index
        %parallel_loop3A_918 = tpu.vector_load %arg6[%parallel_loop3A_915, %parallel_loop3A_916, %parallel_loop3A_917] {strides = array<i32>} : memref<4x2x4096xf32, #tpu.memory_space<vmem>>, vector<16xf32>,
        %parallel_loop3A_919 = arith.cmpf ogt, %parallel_loop3A_918, %parallel_loop3A_877 : vector<16xf32>
        %parallel_loop3A_920 = vector.broadcast %parallel_loop3A_912 : i32 to vector<16xi32>
        %parallel_loop3A_921 = arith.addi %iota3A, %parallel_loop3A_920 : vector<16xi32>
        %parallel_loop3A_922 = arith.select %parallel_loop3A_919, %parallel_loop3A_921, %parallel_loop3A_881 : vector<16xi1>, vector<16xi32>
        %parallel_loop3A_923 = arith.maximumf %parallel_loop3A_877, %parallel_loop3A_918 : vector<16xf32>
        %parallel_loop3A_924 = arith.constant 48 : i32
        %parallel_loop3A_925 = arith.addi %parallel_loop3A_884, %parallel_loop3A_924 : i32
        %parallel_loop3A_926 = arith.constant 2 : i32
        %parallel_loop3A_927 = arith.constant 1 : i32
        %parallel_loop3A_928 = arith.index_cast %parallel_loop3A_926 : i32 to index
        %parallel_loop3A_929 = arith.index_cast %parallel_loop3A_927 : i32 to index
        %parallel_loop3A_930 = arith.index_cast %parallel_loop3A_925 : i32 to index
        %parallel_loop3A_931 = tpu.vector_load %arg6[%parallel_loop3A_928, %parallel_loop3A_929, %parallel_loop3A_930] {strides = array<i32>} : memref<4x2x4096xf32, #tpu.memory_space<vmem>>, vector<16xf32>,
        %parallel_loop3A_932 = arith.cmpf ogt, %parallel_loop3A_931, %parallel_loop3A_878 : vector<16xf32>
        %parallel_loop3A_933 = vector.broadcast %parallel_loop3A_925 : i32 to vector<16xi32>
        %parallel_loop3A_934 = arith.addi %iota3A, %parallel_loop3A_933 : vector<16xi32>
        %parallel_loop3A_935 = arith.select %parallel_loop3A_932, %parallel_loop3A_934, %parallel_loop3A_882 : vector<16xi1>, vector<16xi32>
        %parallel_loop3A_936 = arith.maximumf %parallel_loop3A_878, %parallel_loop3A_931 : vector<16xf32>
        scf.yield %parallel_loop3A_897, %parallel_loop3A_910, %parallel_loop3A_923, %parallel_loop3A_936, %parallel_loop3A_896, %parallel_loop3A_909, %parallel_loop3A_922, %parallel_loop3A_935 : vector<16xf32>, vector<16xf32>, vector<16xf32>, vector<16xf32>, vector<16xi32>, vector<16xi32>, vector<16xi32>, vector<16xi32>
      } {sc.loop_unroll_factor = 4 : i64, sc.parallel_access}
      %max3A_625 = arith.maximumf %parallel_loop3A_624#0, %parallel_loop3A_624#1 : vector<16xf32>
      %max3A_626 = arith.maximumf %parallel_loop3A_624#2, %parallel_loop3A_624#3 : vector<16xf32>
      %max3A_627 = arith.maximumf %max3A_625, %max3A_626 : vector<16xf32>
      %broadcast_in_dim3A_628 = arith.constant true
      %broadcast_in_dim3A_629 = vector.broadcast %broadcast_in_dim3A_628 : i1 to vector<16xi1>
      %masked_cummax3A_630 = tpu.scan <max>, %max3A_627 masked %broadcast_in_dim3A_629 : vector<16xf32>, vector<16xi1> -> vector<16xf32>
      %rev3A_631 = arith.constant 15 : i32
      %rev3A_632 = vector.broadcast %rev3A_631 : i32 to vector<16xi32>
      %rev3A_633 = tpu.iota {dimensions = array<i32: 0>} : vector<16xi32>
      %rev3A_634 = arith.subi %rev3A_632, %rev3A_633 : vector<16xi32>
      %rev3A_635 = tpu.dynamic_gather %masked_cummax3A_630[%rev3A_634] in [0] : vector<16xf32>, vector<16xi32> -> vector<16xf32>
      %broadcast_in_dim3A_636 = arith.constant true
      %broadcast_in_dim3A_637 = vector.broadcast %broadcast_in_dim3A_636 : i1 to vector<16xi1>
      %masked_cummax3A_638 = tpu.scan <max>, %rev3A_635 masked %broadcast_in_dim3A_637 : vector<16xf32>, vector<16xi1> -> vector<16xf32>
      %eq3A_639 = arith.cmpf oeq, %parallel_loop3A_624#0, %masked_cummax3A_638 : vector<16xf32>
      %select_n3A_640 = arith.select %eq3A_639, %parallel_loop3A_624#4, %broadcast_in_dim3A_7 : vector<16xi1>, vector<16xi32>
      %eq3A_641 = arith.cmpf oeq, %parallel_loop3A_624#1, %masked_cummax3A_638 : vector<16xf32>
      %select_n3A_642 = arith.select %eq3A_641, %parallel_loop3A_624#5, %broadcast_in_dim3A_7 : vector<16xi1>, vector<16xi32>
      %min3A_643 = arith.minsi %select_n3A_640, %select_n3A_642 : vector<16xi32>
      %eq3A_644 = arith.cmpf oeq, %parallel_loop3A_624#2, %masked_cummax3A_638 : vector<16xf32>
      %select_n3A_645 = arith.select %eq3A_644, %parallel_loop3A_624#6, %broadcast_in_dim3A_7 : vector<16xi1>, vector<16xi32>
      %eq3A_646 = arith.cmpf oeq, %parallel_loop3A_624#3, %masked_cummax3A_638 : vector<16xf32>
      %select_n3A_647 = arith.select %eq3A_646, %parallel_loop3A_624#7, %broadcast_in_dim3A_7 : vector<16xi1>, vector<16xi32>
      %min3A_648 = arith.minsi %select_n3A_645, %select_n3A_647 : vector<16xi32>
      %min3A_649 = arith.minsi %min3A_643, %min3A_648 : vector<16xi32>
      %neg3A_650 = arith.constant 0 : i32
      %neg3A_651 = vector.broadcast %neg3A_650 : i32 to vector<16xi32>
      %neg3A_652 = arith.subi %neg3A_651, %min3A_649 : vector<16xi32>
      %broadcast_in_dim3A_653 = arith.constant true
      %broadcast_in_dim3A_654 = vector.broadcast %broadcast_in_dim3A_653 : i1 to vector<16xi1>
      %masked_cummax3A_655 = arith.constant -2147483648 : i32
      %masked_cummax3A_656 = vector.broadcast %masked_cummax3A_655 : i32 to vector<16xi32>
      %masked_cummax3A_657 = arith.xori %neg3A_652, %masked_cummax3A_656 : vector<16xi32>
      %masked_cummax3A_658 = tpu.scan <max>, %masked_cummax3A_657 masked %broadcast_in_dim3A_654 : vector<16xi32>, vector<16xi1> -> vector<16xi32>
      %masked_cummax3A_659 = arith.xori %masked_cummax3A_658, %masked_cummax3A_656 : vector<16xi32>
      %rev3A_660 = arith.constant 15 : i32
      %rev3A_661 = vector.broadcast %rev3A_660 : i32 to vector<16xi32>
      %rev3A_662 = tpu.iota {dimensions = array<i32: 0>} : vector<16xi32>
      %rev3A_663 = arith.subi %rev3A_661, %rev3A_662 : vector<16xi32>
      %rev3A_664 = tpu.dynamic_gather %masked_cummax3A_659[%rev3A_663] in [0] : vector<16xi32>, vector<16xi32> -> vector<16xi32>
      %broadcast_in_dim3A_665 = arith.constant true
      %broadcast_in_dim3A_666 = vector.broadcast %broadcast_in_dim3A_665 : i1 to vector<16xi1>
      %masked_cummax3A_667 = arith.constant -2147483648 : i32
      %masked_cummax3A_668 = vector.broadcast %masked_cummax3A_667 : i32 to vector<16xi32>
      %masked_cummax3A_669 = arith.xori %rev3A_664, %masked_cummax3A_668 : vector<16xi32>
      %masked_cummax3A_670 = tpu.scan <max>, %masked_cummax3A_669 masked %broadcast_in_dim3A_666 : vector<16xi32>, vector<16xi1> -> vector<16xi32>
      %masked_cummax3A_671 = arith.xori %masked_cummax3A_670, %masked_cummax3A_668 : vector<16xi32>
      %neg3A_672 = arith.constant 0 : i32
      %neg3A_673 = vector.broadcast %neg3A_672 : i32 to vector<16xi32>
      %neg3A_674 = arith.subi %neg3A_673, %masked_cummax3A_671 : vector<16xi32>
      %gather3A_675 = tpu.vector_load_idx %arg9[%neg3A_674] : memref<4096xi32, #tpu.memory_space<vmem>>[vector<16xi32>], vector<16xi32>,
      %parallel_loop3A_676 = arith.constant 0 : i32
      %parallel_loop3A_677 = arith.constant 256 : i32
      %parallel_loop3A_678 = arith.constant 1 : i32
      scf.for %parallel_loop3A_874 = %parallel_loop3A_676 to %parallel_loop3A_677 step %parallel_loop3A_678  : i32 {
        %parallel_loop3A_875 = arith.constant 16 : i32
        %parallel_loop3A_876 = arith.muli %parallel_loop3A_874, %parallel_loop3A_875 : i32
        %parallel_loop3A_877 = arith.index_cast %parallel_loop3A_876 : i32 to index
        %parallel_loop3A_878 = tpu.vector_load %arg9[%parallel_loop3A_877] {strides = array<i32>} : memref<4096xi32, #tpu.memory_space<vmem>>, vector<16xi32>,
        %parallel_loop3A_879 = arith.cmpi eq, %parallel_loop3A_878, %gather3A_620 : vector<16xi32>
        %parallel_loop3A_880 = arith.select %parallel_loop3A_879, %broadcast_in_dim3A_9, %broadcast_in_dim3A_11 : vector<16xi1>, vector<16xf32>
        %parallel_loop3A_881 = arith.constant 2 : i32
        %parallel_loop3A_882 = arith.constant 0 : i32
        %parallel_loop3A_883 = arith.index_cast %parallel_loop3A_881 : i32 to index
        %parallel_loop3A_884 = arith.index_cast %parallel_loop3A_882 : i32 to index
        %parallel_loop3A_885 = arith.index_cast %parallel_loop3A_876 : i32 to index
        %parallel_loop3A_886 = tpu.vector_load %arg7[%parallel_loop3A_883, %parallel_loop3A_884, %parallel_loop3A_885] {strides = array<i32>} : memref<4x2x4096xf32, #tpu.memory_space<vmem>>, vector<16xf32>,
        %parallel_loop3A_887 = arith.addf %parallel_loop3A_886, %parallel_loop3A_880 : vector<16xf32>
        %parallel_loop3A_888 = arith.constant 2 : i32
        %parallel_loop3A_889 = arith.constant 0 : i32
        %parallel_loop3A_890 = arith.index_cast %parallel_loop3A_888 : i32 to index
        %parallel_loop3A_891 = arith.index_cast %parallel_loop3A_889 : i32 to index
        %parallel_loop3A_892 = arith.index_cast %parallel_loop3A_876 : i32 to index
        %parallel_loop3A_893 = tpu.vector_load %arg8[%parallel_loop3A_890, %parallel_loop3A_891, %parallel_loop3A_892] {strides = array<i32>} : memref<4x2x4096xf32, #tpu.memory_space<vmem>>, vector<16xf32>,
        tpu.vector_store %arg8[%parallel_loop3A_890, %parallel_loop3A_891, %parallel_loop3A_892], %parallel_loop3A_887 {strides = array<i32>} : memref<4x2x4096xf32, #tpu.memory_space<vmem>>, vector<16xf32>,
        %parallel_loop3A_894 = arith.cmpi eq, %parallel_loop3A_878, %gather3A_675 : vector<16xi32>
        %parallel_loop3A_895 = arith.select %parallel_loop3A_894, %broadcast_in_dim3A_9, %broadcast_in_dim3A_11 : vector<16xi1>, vector<16xf32>
        %parallel_loop3A_896 = arith.constant 2 : i32
        %parallel_loop3A_897 = arith.constant 1 : i32
        %parallel_loop3A_898 = arith.index_cast %parallel_loop3A_896 : i32 to index
        %parallel_loop3A_899 = arith.index_cast %parallel_loop3A_897 : i32 to index
        %parallel_loop3A_900 = arith.index_cast %parallel_loop3A_876 : i32 to index
        %parallel_loop3A_901 = tpu.vector_load %arg7[%parallel_loop3A_898, %parallel_loop3A_899, %parallel_loop3A_900] {strides = array<i32>} : memref<4x2x4096xf32, #tpu.memory_space<vmem>>, vector<16xf32>,
        %parallel_loop3A_902 = arith.addf %parallel_loop3A_901, %parallel_loop3A_895 : vector<16xf32>
        %parallel_loop3A_903 = arith.constant 2 : i32
        %parallel_loop3A_904 = arith.constant 1 : i32
        %parallel_loop3A_905 = arith.index_cast %parallel_loop3A_903 : i32 to index
        %parallel_loop3A_906 = arith.index_cast %parallel_loop3A_904 : i32 to index
        %parallel_loop3A_907 = arith.index_cast %parallel_loop3A_876 : i32 to index
        %parallel_loop3A_908 = tpu.vector_load %arg8[%parallel_loop3A_905, %parallel_loop3A_906, %parallel_loop3A_907] {strides = array<i32>} : memref<4x2x4096xf32, #tpu.memory_space<vmem>>, vector<16xf32>,
        tpu.vector_store %arg8[%parallel_loop3A_905, %parallel_loop3A_906, %parallel_loop3A_907], %parallel_loop3A_902 {strides = array<i32>} : memref<4x2x4096xf32, #tpu.memory_space<vmem>>, vector<16xf32>,
      } {sc.loop_unroll_factor = 4 : i64, sc.parallel_access}
      %dma_start3A_679 = arith.constant 2 : i32
      %dma_start3A_680 = arith.constant 0 : i32
      %dma_start3A_681 = arith.constant 0 : i32
      %dma_start3A_682 = tpu.memref_slice %arg8[%dma_start3A_679, %dma_start3A_680, %dma_start3A_681] : memref<4x2x4096xf32, #tpu.memory_space<vmem>> -> memref<1x2x4096xf32, #tpu.memory_space<vmem>>
      %dma_start3A_683 = tpu.memref_squeeze %dma_start3A_682 : memref<1x2x4096xf32, #tpu.memory_space<vmem>> -> memref<2x4096xf32, #tpu.memory_space<vmem>>
      %dma_start3A_684 = arith.constant 0 : i32
      %dma_start3A_685 = tpu.memref_slice %arg5[%add3A_531, %dma_start3A_684] : memref<4096x4096xf32, #tpu.memory_space<hbm>> -> memref<2x4096xf32, #tpu.memory_space<hbm>>
      %dma_start3A_686 = arith.constant 0 : i32
      %dma_start3A_687 = tpu.memref_slice %arg5[%add3A_531, %dma_start3A_686] : memref<4096x4096xf32, #tpu.memory_space<hbm>> -> memref<2x4096xf32, #tpu.memory_space<hbm>>
      %dma_start3A_688 = arith.constant 0 : i32
      %dma_start3A_689 = arith.constant 0 : i32
      %dma_start3A_690 = tpu.memref_slice %arg8[%dma_start3A_679, %dma_start3A_688, %dma_start3A_689] : memref<4x2x4096xf32, #tpu.memory_space<vmem>> -> memref<1x2x4096xf32, #tpu.memory_space<vmem>>
      %dma_start3A_691 = tpu.memref_squeeze %dma_start3A_690 : memref<1x2x4096xf32, #tpu.memory_space<vmem>> -> memref<2x4096xf32, #tpu.memory_space<vmem>>
      tpu.enqueue_dma source(%dma_start3A_691 : memref<2x4096xf32, #tpu.memory_space<vmem>>) target(%dma_start3A_687 : memref<2x4096xf32, #tpu.memory_space<hbm>>) target_semaphore(%arg16 : memref<!tpu.dma_semaphore, #tpu.memory_space<semaphore_mem>>)
      %add3A_692 = arith.constant 4 : i32
      %add3A_693 = arith.addi %add3A_528, %add3A_692 : i32
      %lt3A_694 = arith.constant 64 : i32
      %lt3A_695 = arith.cmpi slt, %add3A_693, %lt3A_694 : i32
      %convert_element_type3A_696 = arith.extui %lt3A_695 : i1 to i32
      %cond3A_697 = arith.constant 0 : i32
      %cond3A_698 = arith.cmpi ne, %convert_element_type3A_696, %cond3A_697 : i32
      scf.if %cond3A_698 {
        %add3A_874 = arith.constant 4 : i32
        %add3A_875 = arith.addi %add3A_528, %add3A_874 : i32
        %mul3A_876 = arith.constant 2 : i32
        %mul3A_877 = arith.muli %add3A_875, %mul3A_876 : i32
        %add3A_878 = arith.addi %mul3A_2, %mul3A_877 : i32
        %dma_start3A_879 = arith.constant 2 : i32
        %dma_start3A_880 = arith.constant 0 : i32
        %dma_start3A_881 = arith.constant 0 : i32
        %dma_start3A_882 = tpu.memref_slice %arg6[%dma_start3A_879, %dma_start3A_880, %dma_start3A_881] : memref<4x2x4096xf32, #tpu.memory_space<vmem>> -> memref<1x2x4096xf32, #tpu.memory_space<vmem>>
        %dma_start3A_883 = tpu.memref_squeeze %dma_start3A_882 : memref<1x2x4096xf32, #tpu.memory_space<vmem>> -> memref<2x4096xf32, #tpu.memory_space<vmem>>
        %dma_start3A_884 = arith.constant 0 : i32
        %dma_start3A_885 = tpu.memref_slice %arg3[%add3A_878, %dma_start3A_884] : memref<4096x4096xf32, #tpu.memory_space<hbm>> -> memref<2x4096xf32, #tpu.memory_space<hbm>>
        %dma_start3A_886 = arith.constant 0 : i32
        %dma_start3A_887 = arith.constant 0 : i32
        %dma_start3A_888 = tpu.memref_slice %arg6[%dma_start3A_879, %dma_start3A_886, %dma_start3A_887] : memref<4x2x4096xf32, #tpu.memory_space<vmem>> -> memref<1x2x4096xf32, #tpu.memory_space<vmem>>
        %dma_start3A_889 = tpu.memref_squeeze %dma_start3A_888 : memref<1x2x4096xf32, #tpu.memory_space<vmem>> -> memref<2x4096xf32, #tpu.memory_space<vmem>>
        %dma_start3A_890 = arith.constant 0 : i32
        %dma_start3A_891 = tpu.memref_slice %arg3[%add3A_878, %dma_start3A_890] : memref<4096x4096xf32, #tpu.memory_space<hbm>> -> memref<2x4096xf32, #tpu.memory_space<hbm>>
        tpu.enqueue_dma source(%dma_start3A_891 : memref<2x4096xf32, #tpu.memory_space<hbm>>) target(%dma_start3A_889 : memref<2x4096xf32, #tpu.memory_space<vmem>>) target_semaphore(%arg12 : memref<!tpu.dma_semaphore, #tpu.memory_space<semaphore_mem>>)
        %dma_start3A_892 = arith.constant 2 : i32
        %dma_start3A_893 = arith.constant 0 : i32
        %dma_start3A_894 = arith.constant 0 : i32
        %dma_start3A_895 = tpu.memref_slice %arg7[%dma_start3A_892, %dma_start3A_893, %dma_start3A_894] : memref<4x2x4096xf32, #tpu.memory_space<vmem>> -> memref<1x2x4096xf32, #tpu.memory_space<vmem>>
        %dma_start3A_896 = tpu.memref_squeeze %dma_start3A_895 : memref<1x2x4096xf32, #tpu.memory_space<vmem>> -> memref<2x4096xf32, #tpu.memory_space<vmem>>
        %dma_start3A_897 = arith.constant 0 : i32
        %dma_start3A_898 = tpu.memref_slice %arg2[%add3A_878, %dma_start3A_897] : memref<4096x4096xf32, #tpu.memory_space<hbm>> -> memref<2x4096xf32, #tpu.memory_space<hbm>>
        %dma_start3A_899 = arith.constant 0 : i32
        %dma_start3A_900 = arith.constant 0 : i32
        %dma_start3A_901 = tpu.memref_slice %arg7[%dma_start3A_892, %dma_start3A_899, %dma_start3A_900] : memref<4x2x4096xf32, #tpu.memory_space<vmem>> -> memref<1x2x4096xf32, #tpu.memory_space<vmem>>
        %dma_start3A_902 = tpu.memref_squeeze %dma_start3A_901 : memref<1x2x4096xf32, #tpu.memory_space<vmem>> -> memref<2x4096xf32, #tpu.memory_space<vmem>>
        %dma_start3A_903 = arith.constant 0 : i32
        %dma_start3A_904 = tpu.memref_slice %arg2[%add3A_878, %dma_start3A_903] : memref<4096x4096xf32, #tpu.memory_space<hbm>> -> memref<2x4096xf32, #tpu.memory_space<hbm>>
        tpu.enqueue_dma source(%dma_start3A_904 : memref<2x4096xf32, #tpu.memory_space<hbm>>) target(%dma_start3A_902 : memref<2x4096xf32, #tpu.memory_space<vmem>>) target_semaphore(%arg12 : memref<!tpu.dma_semaphore, #tpu.memory_space<semaphore_mem>>)
      } else {
      }
      %mul3A_699 = arith.constant 4 : i32
      %mul3A_700 = arith.muli %mul3A_699, %scan3A_188 : i32
      %add3A_701 = arith.constant 3 : i32
      %add3A_702 = arith.addi %mul3A_700, %add3A_701 : i32
      %mul3A_703 = arith.constant 2 : i32
      %mul3A_704 = arith.muli %add3A_702, %mul3A_703 : i32
      %add3A_705 = arith.addi %mul3A_2, %mul3A_704 : i32
      %mul3A_706 = arith.constant 2 : i32
      %mul3A_707 = arith.muli %add3A_702, %mul3A_706 : i32
      %add3A_708 = arith.addi %mul3A_2, %mul3A_707 : i32
      %dma_wait3A_709 = arith.constant 3 : i32
      %dma_wait3A_710 = arith.constant 0 : i32
      %dma_wait3A_711 = arith.constant 0 : i32
      %dma_wait3A_712 = tpu.memref_slice %arg6[%dma_wait3A_709, %dma_wait3A_710, %dma_wait3A_711] : memref<4x2x4096xf32, #tpu.memory_space<vmem>> -> memref<1x2x4096xf32, #tpu.memory_space<vmem>>
      %dma_wait3A_713 = tpu.memref_squeeze %dma_wait3A_712 : memref<1x2x4096xf32, #tpu.memory_space<vmem>> -> memref<2x4096xf32, #tpu.memory_space<vmem>>
      %dma_wait3A_714 = arith.constant 0 : i32
      %dma_wait3A_715 = tpu.memref_slice %arg3[%add3A_708, %dma_wait3A_714] : memref<4096x4096xf32, #tpu.memory_space<hbm>> -> memref<2x4096xf32, #tpu.memory_space<hbm>>
      %dma_wait3A_716 = arith.constant 0 : i32
      %dma_wait3A_717 = arith.constant 0 : i32
      %dma_wait3A_718 = tpu.memref_slice %arg6[%dma_wait3A_709, %dma_wait3A_716, %dma_wait3A_717] : memref<4x2x4096xf32, #tpu.memory_space<vmem>> -> memref<1x2x4096xf32, #tpu.memory_space<vmem>>
      %dma_wait3A_719 = tpu.memref_squeeze %dma_wait3A_718 : memref<1x2x4096xf32, #tpu.memory_space<vmem>> -> memref<2x4096xf32, #tpu.memory_space<vmem>>
      %dma_wait3A_720 = arith.constant 0 : i32
      %dma_wait3A_721 = tpu.memref_slice %arg3[%add3A_708, %dma_wait3A_720] : memref<4096x4096xf32, #tpu.memory_space<hbm>> -> memref<2x4096xf32, #tpu.memory_space<hbm>>
      tpu.wait_dma2 semaphore(%arg13 : memref<!tpu.dma_semaphore, #tpu.memory_space<semaphore_mem>>) src(%dma_wait3A_721 : memref<2x4096xf32, #tpu.memory_space<hbm>>) dst(%dma_wait3A_719 : memref<2x4096xf32, #tpu.memory_space<vmem>>)
      %dma_wait3A_722 = arith.constant 3 : i32
      %dma_wait3A_723 = arith.constant 0 : i32
      %dma_wait3A_724 = arith.constant 0 : i32
      %dma_wait3A_725 = tpu.memref_slice %arg7[%dma_wait3A_722, %dma_wait3A_723, %dma_wait3A_724] : memref<4x2x4096xf32, #tpu.memory_space<vmem>> -> memref<1x2x4096xf32, #tpu.memory_space<vmem>>
      %dma_wait3A_726 = tpu.memref_squeeze %dma_wait3A_725 : memref<1x2x4096xf32, #tpu.memory_space<vmem>> -> memref<2x4096xf32, #tpu.memory_space<vmem>>
      %dma_wait3A_727 = arith.constant 0 : i32
      %dma_wait3A_728 = tpu.memref_slice %arg2[%add3A_708, %dma_wait3A_727] : memref<4096x4096xf32, #tpu.memory_space<hbm>> -> memref<2x4096xf32, #tpu.memory_space<hbm>>
      %dma_wait3A_729 = arith.constant 0 : i32
      %dma_wait3A_730 = arith.constant 0 : i32
      %dma_wait3A_731 = tpu.memref_slice %arg7[%dma_wait3A_722, %dma_wait3A_729, %dma_wait3A_730] : memref<4x2x4096xf32, #tpu.memory_space<vmem>> -> memref<1x2x4096xf32, #tpu.memory_space<vmem>>
      %dma_wait3A_732 = tpu.memref_squeeze %dma_wait3A_731 : memref<1x2x4096xf32, #tpu.memory_space<vmem>> -> memref<2x4096xf32, #tpu.memory_space<vmem>>
      %dma_wait3A_733 = arith.constant 0 : i32
      %dma_wait3A_734 = tpu.memref_slice %arg2[%add3A_708, %dma_wait3A_733] : memref<4096x4096xf32, #tpu.memory_space<hbm>> -> memref<2x4096xf32, #tpu.memory_space<hbm>>
      tpu.wait_dma2 semaphore(%arg13 : memref<!tpu.dma_semaphore, #tpu.memory_space<semaphore_mem>>) src(%dma_wait3A_734 : memref<2x4096xf32, #tpu.memory_space<hbm>>) dst(%dma_wait3A_732 : memref<2x4096xf32, #tpu.memory_space<vmem>>)
      %ge3A_735 = arith.constant 4 : i32
      %ge3A_736 = arith.cmpi sge, %add3A_702, %ge3A_735 : i32
      %convert_element_type3A_737 = arith.extui %ge3A_736 : i1 to i32
      %cond3A_738 = arith.constant 0 : i32
      %cond3A_739 = arith.cmpi ne, %convert_element_type3A_737, %cond3A_738 : i32
      scf.if %cond3A_739 {
        %sub3A = arith.constant 4 : i32
        %sub3A_874 = arith.subi %add3A_702, %sub3A : i32
        %mul3A_875 = arith.constant 2 : i32
        %mul3A_876 = arith.muli %sub3A_874, %mul3A_875 : i32
        %add3A_877 = arith.addi %mul3A_2, %mul3A_876 : i32
        %dma_wait3A_878 = arith.constant 3 : i32
        %dma_wait3A_879 = arith.constant 0 : i32
        %dma_wait3A_880 = arith.constant 0 : i32
        %dma_wait3A_881 = tpu.memref_slice %arg8[%dma_wait3A_878, %dma_wait3A_879, %dma_wait3A_880] : memref<4x2x4096xf32, #tpu.memory_space<vmem>> -> memref<1x2x4096xf32, #tpu.memory_space<vmem>>
        %dma_wait3A_882 = tpu.memref_squeeze %dma_wait3A_881 : memref<1x2x4096xf32, #tpu.memory_space<vmem>> -> memref<2x4096xf32, #tpu.memory_space<vmem>>
        %dma_wait3A_883 = arith.constant 0 : i32
        %dma_wait3A_884 = tpu.memref_slice %arg5[%add3A_877, %dma_wait3A_883] : memref<4096x4096xf32, #tpu.memory_space<hbm>> -> memref<2x4096xf32, #tpu.memory_space<hbm>>
        %dma_wait3A_885 = arith.constant 0 : i32
        %dma_wait3A_886 = tpu.memref_slice %arg5[%add3A_877, %dma_wait3A_885] : memref<4096x4096xf32, #tpu.memory_space<hbm>> -> memref<2x4096xf32, #tpu.memory_space<hbm>>
        %dma_wait3A_887 = arith.constant 0 : i32
        %dma_wait3A_888 = arith.constant 0 : i32
        %dma_wait3A_889 = tpu.memref_slice %arg8[%dma_wait3A_878, %dma_wait3A_887, %dma_wait3A_888] : memref<4x2x4096xf32, #tpu.memory_space<vmem>> -> memref<1x2x4096xf32, #tpu.memory_space<vmem>>
        %dma_wait3A_890 = tpu.memref_squeeze %dma_wait3A_889 : memref<1x2x4096xf32, #tpu.memory_space<vmem>> -> memref<2x4096xf32, #tpu.memory_space<vmem>>
        tpu.wait_dma2 semaphore(%arg17 : memref<!tpu.dma_semaphore, #tpu.memory_space<semaphore_mem>>) src(%dma_wait3A_890 : memref<2x4096xf32, #tpu.memory_space<vmem>>) dst(%dma_wait3A_886 : memref<2x4096xf32, #tpu.memory_space<hbm>>)
      } else {
      }
      %parallel_loop3A_740 = arith.constant 0 : i32
      %parallel_loop3A_741 = arith.constant 64 : i32
      %parallel_loop3A_742 = arith.constant 1 : i32
      %parallel_loop3A_743:8 = scf.for %parallel_loop3A_874 = %parallel_loop3A_740 to %parallel_loop3A_741 step %parallel_loop3A_742 iter_args(%parallel_loop3A_875 = %broadcast_in_dim3A_3, %parallel_loop3A_876 = %broadcast_in_dim3A_3, %parallel_loop3A_877 = %broadcast_in_dim3A_3, %parallel_loop3A_878 = %broadcast_in_dim3A_3, %parallel_loop3A_879 = %broadcast_in_dim3A_5, %parallel_loop3A_880 = %broadcast_in_dim3A_5, %parallel_loop3A_881 = %broadcast_in_dim3A_5, %parallel_loop3A_882 = %broadcast_in_dim3A_5) -> (vector<16xf32>, vector<16xf32>, vector<16xf32>, vector<16xf32>, vector<16xi32>, vector<16xi32>, vector<16xi32>, vector<16xi32>)  : i32 {
        %parallel_loop3A_883 = arith.constant 64 : i32
        %parallel_loop3A_884 = arith.muli %parallel_loop3A_874, %parallel_loop3A_883 : i32
        %parallel_loop3A_885 = arith.constant 0 : i32
        %parallel_loop3A_886 = arith.addi %parallel_loop3A_884, %parallel_loop3A_885 : i32
        %parallel_loop3A_887 = arith.constant 3 : i32
        %parallel_loop3A_888 = arith.constant 0 : i32
        %parallel_loop3A_889 = arith.index_cast %parallel_loop3A_887 : i32 to index
        %parallel_loop3A_890 = arith.index_cast %parallel_loop3A_888 : i32 to index
        %parallel_loop3A_891 = arith.index_cast %parallel_loop3A_886 : i32 to index
        %parallel_loop3A_892 = tpu.vector_load %arg6[%parallel_loop3A_889, %parallel_loop3A_890, %parallel_loop3A_891] {strides = array<i32>} : memref<4x2x4096xf32, #tpu.memory_space<vmem>>, vector<16xf32>,
        %parallel_loop3A_893 = arith.cmpf ogt, %parallel_loop3A_892, %parallel_loop3A_875 : vector<16xf32>
        %parallel_loop3A_894 = vector.broadcast %parallel_loop3A_886 : i32 to vector<16xi32>
        %parallel_loop3A_895 = arith.addi %iota3A, %parallel_loop3A_894 : vector<16xi32>
        %parallel_loop3A_896 = arith.select %parallel_loop3A_893, %parallel_loop3A_895, %parallel_loop3A_879 : vector<16xi1>, vector<16xi32>
        %parallel_loop3A_897 = arith.maximumf %parallel_loop3A_875, %parallel_loop3A_892 : vector<16xf32>
        %parallel_loop3A_898 = arith.constant 16 : i32
        %parallel_loop3A_899 = arith.addi %parallel_loop3A_884, %parallel_loop3A_898 : i32
        %parallel_loop3A_900 = arith.constant 3 : i32
        %parallel_loop3A_901 = arith.constant 0 : i32
        %parallel_loop3A_902 = arith.index_cast %parallel_loop3A_900 : i32 to index
        %parallel_loop3A_903 = arith.index_cast %parallel_loop3A_901 : i32 to index
        %parallel_loop3A_904 = arith.index_cast %parallel_loop3A_899 : i32 to index
        %parallel_loop3A_905 = tpu.vector_load %arg6[%parallel_loop3A_902, %parallel_loop3A_903, %parallel_loop3A_904] {strides = array<i32>} : memref<4x2x4096xf32, #tpu.memory_space<vmem>>, vector<16xf32>,
        %parallel_loop3A_906 = arith.cmpf ogt, %parallel_loop3A_905, %parallel_loop3A_876 : vector<16xf32>
        %parallel_loop3A_907 = vector.broadcast %parallel_loop3A_899 : i32 to vector<16xi32>
        %parallel_loop3A_908 = arith.addi %iota3A, %parallel_loop3A_907 : vector<16xi32>
        %parallel_loop3A_909 = arith.select %parallel_loop3A_906, %parallel_loop3A_908, %parallel_loop3A_880 : vector<16xi1>, vector<16xi32>
        %parallel_loop3A_910 = arith.maximumf %parallel_loop3A_876, %parallel_loop3A_905 : vector<16xf32>
        %parallel_loop3A_911 = arith.constant 32 : i32
        %parallel_loop3A_912 = arith.addi %parallel_loop3A_884, %parallel_loop3A_911 : i32
        %parallel_loop3A_913 = arith.constant 3 : i32
        %parallel_loop3A_914 = arith.constant 0 : i32
        %parallel_loop3A_915 = arith.index_cast %parallel_loop3A_913 : i32 to index
        %parallel_loop3A_916 = arith.index_cast %parallel_loop3A_914 : i32 to index
        %parallel_loop3A_917 = arith.index_cast %parallel_loop3A_912 : i32 to index
        %parallel_loop3A_918 = tpu.vector_load %arg6[%parallel_loop3A_915, %parallel_loop3A_916, %parallel_loop3A_917] {strides = array<i32>} : memref<4x2x4096xf32, #tpu.memory_space<vmem>>, vector<16xf32>,
        %parallel_loop3A_919 = arith.cmpf ogt, %parallel_loop3A_918, %parallel_loop3A_877 : vector<16xf32>
        %parallel_loop3A_920 = vector.broadcast %parallel_loop3A_912 : i32 to vector<16xi32>
        %parallel_loop3A_921 = arith.addi %iota3A, %parallel_loop3A_920 : vector<16xi32>
        %parallel_loop3A_922 = arith.select %parallel_loop3A_919, %parallel_loop3A_921, %parallel_loop3A_881 : vector<16xi1>, vector<16xi32>
        %parallel_loop3A_923 = arith.maximumf %parallel_loop3A_877, %parallel_loop3A_918 : vector<16xf32>
        %parallel_loop3A_924 = arith.constant 48 : i32
        %parallel_loop3A_925 = arith.addi %parallel_loop3A_884, %parallel_loop3A_924 : i32
        %parallel_loop3A_926 = arith.constant 3 : i32
        %parallel_loop3A_927 = arith.constant 0 : i32
        %parallel_loop3A_928 = arith.index_cast %parallel_loop3A_926 : i32 to index
        %parallel_loop3A_929 = arith.index_cast %parallel_loop3A_927 : i32 to index
        %parallel_loop3A_930 = arith.index_cast %parallel_loop3A_925 : i32 to index
        %parallel_loop3A_931 = tpu.vector_load %arg6[%parallel_loop3A_928, %parallel_loop3A_929, %parallel_loop3A_930] {strides = array<i32>} : memref<4x2x4096xf32, #tpu.memory_space<vmem>>, vector<16xf32>,
        %parallel_loop3A_932 = arith.cmpf ogt, %parallel_loop3A_931, %parallel_loop3A_878 : vector<16xf32>
        %parallel_loop3A_933 = vector.broadcast %parallel_loop3A_925 : i32 to vector<16xi32>
        %parallel_loop3A_934 = arith.addi %iota3A, %parallel_loop3A_933 : vector<16xi32>
        %parallel_loop3A_935 = arith.select %parallel_loop3A_932, %parallel_loop3A_934, %parallel_loop3A_882 : vector<16xi1>, vector<16xi32>
        %parallel_loop3A_936 = arith.maximumf %parallel_loop3A_878, %parallel_loop3A_931 : vector<16xf32>
        scf.yield %parallel_loop3A_897, %parallel_loop3A_910, %parallel_loop3A_923, %parallel_loop3A_936, %parallel_loop3A_896, %parallel_loop3A_909, %parallel_loop3A_922, %parallel_loop3A_935 : vector<16xf32>, vector<16xf32>, vector<16xf32>, vector<16xf32>, vector<16xi32>, vector<16xi32>, vector<16xi32>, vector<16xi32>
      } {sc.loop_unroll_factor = 4 : i64, sc.parallel_access}
      %max3A_744 = arith.maximumf %parallel_loop3A_743#0, %parallel_loop3A_743#1 : vector<16xf32>
      %max3A_745 = arith.maximumf %parallel_loop3A_743#2, %parallel_loop3A_743#3 : vector<16xf32>
      %max3A_746 = arith.maximumf %max3A_744, %max3A_745 : vector<16xf32>
      %broadcast_in_dim3A_747 = arith.constant true
      %broadcast_in_dim3A_748 = vector.broadcast %broadcast_in_dim3A_747 : i1 to vector<16xi1>
      %masked_cummax3A_749 = tpu.scan <max>, %max3A_746 masked %broadcast_in_dim3A_748 : vector<16xf32>, vector<16xi1> -> vector<16xf32>
      %rev3A_750 = arith.constant 15 : i32
      %rev3A_751 = vector.broadcast %rev3A_750 : i32 to vector<16xi32>
      %rev3A_752 = tpu.iota {dimensions = array<i32: 0>} : vector<16xi32>
      %rev3A_753 = arith.subi %rev3A_751, %rev3A_752 : vector<16xi32>
      %rev3A_754 = tpu.dynamic_gather %masked_cummax3A_749[%rev3A_753] in [0] : vector<16xf32>, vector<16xi32> -> vector<16xf32>
      %broadcast_in_dim3A_755 = arith.constant true
      %broadcast_in_dim3A_756 = vector.broadcast %broadcast_in_dim3A_755 : i1 to vector<16xi1>
      %masked_cummax3A_757 = tpu.scan <max>, %rev3A_754 masked %broadcast_in_dim3A_756 : vector<16xf32>, vector<16xi1> -> vector<16xf32>
      %eq3A_758 = arith.cmpf oeq, %parallel_loop3A_743#0, %masked_cummax3A_757 : vector<16xf32>
      %select_n3A_759 = arith.select %eq3A_758, %parallel_loop3A_743#4, %broadcast_in_dim3A_7 : vector<16xi1>, vector<16xi32>
      %eq3A_760 = arith.cmpf oeq, %parallel_loop3A_743#1, %masked_cummax3A_757 : vector<16xf32>
      %select_n3A_761 = arith.select %eq3A_760, %parallel_loop3A_743#5, %broadcast_in_dim3A_7 : vector<16xi1>, vector<16xi32>
      %min3A_762 = arith.minsi %select_n3A_759, %select_n3A_761 : vector<16xi32>
      %eq3A_763 = arith.cmpf oeq, %parallel_loop3A_743#2, %masked_cummax3A_757 : vector<16xf32>
      %select_n3A_764 = arith.select %eq3A_763, %parallel_loop3A_743#6, %broadcast_in_dim3A_7 : vector<16xi1>, vector<16xi32>
      %eq3A_765 = arith.cmpf oeq, %parallel_loop3A_743#3, %masked_cummax3A_757 : vector<16xf32>
      %select_n3A_766 = arith.select %eq3A_765, %parallel_loop3A_743#7, %broadcast_in_dim3A_7 : vector<16xi1>, vector<16xi32>
      %min3A_767 = arith.minsi %select_n3A_764, %select_n3A_766 : vector<16xi32>
      %min3A_768 = arith.minsi %min3A_762, %min3A_767 : vector<16xi32>
      %neg3A_769 = arith.constant 0 : i32
      %neg3A_770 = vector.broadcast %neg3A_769 : i32 to vector<16xi32>
      %neg3A_771 = arith.subi %neg3A_770, %min3A_768 : vector<16xi32>
      %broadcast_in_dim3A_772 = arith.constant true
      %broadcast_in_dim3A_773 = vector.broadcast %broadcast_in_dim3A_772 : i1 to vector<16xi1>
      %masked_cummax3A_774 = arith.constant -2147483648 : i32
      %masked_cummax3A_775 = vector.broadcast %masked_cummax3A_774 : i32 to vector<16xi32>
      %masked_cummax3A_776 = arith.xori %neg3A_771, %masked_cummax3A_775 : vector<16xi32>
      %masked_cummax3A_777 = tpu.scan <max>, %masked_cummax3A_776 masked %broadcast_in_dim3A_773 : vector<16xi32>, vector<16xi1> -> vector<16xi32>
      %masked_cummax3A_778 = arith.xori %masked_cummax3A_777, %masked_cummax3A_775 : vector<16xi32>
      %rev3A_779 = arith.constant 15 : i32
      %rev3A_780 = vector.broadcast %rev3A_779 : i32 to vector<16xi32>
      %rev3A_781 = tpu.iota {dimensions = array<i32: 0>} : vector<16xi32>
      %rev3A_782 = arith.subi %rev3A_780, %rev3A_781 : vector<16xi32>
      %rev3A_783 = tpu.dynamic_gather %masked_cummax3A_778[%rev3A_782] in [0] : vector<16xi32>, vector<16xi32> -> vector<16xi32>
      %broadcast_in_dim3A_784 = arith.constant true
      %broadcast_in_dim3A_785 = vector.broadcast %broadcast_in_dim3A_784 : i1 to vector<16xi1>
      %masked_cummax3A_786 = arith.constant -2147483648 : i32
      %masked_cummax3A_787 = vector.broadcast %masked_cummax3A_786 : i32 to vector<16xi32>
      %masked_cummax3A_788 = arith.xori %rev3A_783, %masked_cummax3A_787 : vector<16xi32>
      %masked_cummax3A_789 = tpu.scan <max>, %masked_cummax3A_788 masked %broadcast_in_dim3A_785 : vector<16xi32>, vector<16xi1> -> vector<16xi32>
      %masked_cummax3A_790 = arith.xori %masked_cummax3A_789, %masked_cummax3A_787 : vector<16xi32>
      %neg3A_791 = arith.constant 0 : i32
      %neg3A_792 = vector.broadcast %neg3A_791 : i32 to vector<16xi32>
      %neg3A_793 = arith.subi %neg3A_792, %masked_cummax3A_790 : vector<16xi32>
      %gather3A_794 = tpu.vector_load_idx %arg9[%neg3A_793] : memref<4096xi32, #tpu.memory_space<vmem>>[vector<16xi32>], vector<16xi32>,
      %parallel_loop3A_795 = arith.constant 0 : i32
      %parallel_loop3A_796 = arith.constant 64 : i32
      %parallel_loop3A_797 = arith.constant 1 : i32
      %parallel_loop3A_798:8 = scf.for %parallel_loop3A_874 = %parallel_loop3A_795 to %parallel_loop3A_796 step %parallel_loop3A_797 iter_args(%parallel_loop3A_875 = %broadcast_in_dim3A_3, %parallel_loop3A_876 = %broadcast_in_dim3A_3, %parallel_loop3A_877 = %broadcast_in_dim3A_3, %parallel_loop3A_878 = %broadcast_in_dim3A_3, %parallel_loop3A_879 = %broadcast_in_dim3A_5, %parallel_loop3A_880 = %broadcast_in_dim3A_5, %parallel_loop3A_881 = %broadcast_in_dim3A_5, %parallel_loop3A_882 = %broadcast_in_dim3A_5) -> (vector<16xf32>, vector<16xf32>, vector<16xf32>, vector<16xf32>, vector<16xi32>, vector<16xi32>, vector<16xi32>, vector<16xi32>)  : i32 {
        %parallel_loop3A_883 = arith.constant 64 : i32
        %parallel_loop3A_884 = arith.muli %parallel_loop3A_874, %parallel_loop3A_883 : i32
        %parallel_loop3A_885 = arith.constant 0 : i32
        %parallel_loop3A_886 = arith.addi %parallel_loop3A_884, %parallel_loop3A_885 : i32
        %parallel_loop3A_887 = arith.constant 3 : i32
        %parallel_loop3A_888 = arith.constant 1 : i32
        %parallel_loop3A_889 = arith.index_cast %parallel_loop3A_887 : i32 to index
        %parallel_loop3A_890 = arith.index_cast %parallel_loop3A_888 : i32 to index
        %parallel_loop3A_891 = arith.index_cast %parallel_loop3A_886 : i32 to index
        %parallel_loop3A_892 = tpu.vector_load %arg6[%parallel_loop3A_889, %parallel_loop3A_890, %parallel_loop3A_891] {strides = array<i32>} : memref<4x2x4096xf32, #tpu.memory_space<vmem>>, vector<16xf32>,
        %parallel_loop3A_893 = arith.cmpf ogt, %parallel_loop3A_892, %parallel_loop3A_875 : vector<16xf32>
        %parallel_loop3A_894 = vector.broadcast %parallel_loop3A_886 : i32 to vector<16xi32>
        %parallel_loop3A_895 = arith.addi %iota3A, %parallel_loop3A_894 : vector<16xi32>
        %parallel_loop3A_896 = arith.select %parallel_loop3A_893, %parallel_loop3A_895, %parallel_loop3A_879 : vector<16xi1>, vector<16xi32>
        %parallel_loop3A_897 = arith.maximumf %parallel_loop3A_875, %parallel_loop3A_892 : vector<16xf32>
        %parallel_loop3A_898 = arith.constant 16 : i32
        %parallel_loop3A_899 = arith.addi %parallel_loop3A_884, %parallel_loop3A_898 : i32
        %parallel_loop3A_900 = arith.constant 3 : i32
        %parallel_loop3A_901 = arith.constant 1 : i32
        %parallel_loop3A_902 = arith.index_cast %parallel_loop3A_900 : i32 to index
        %parallel_loop3A_903 = arith.index_cast %parallel_loop3A_901 : i32 to index
        %parallel_loop3A_904 = arith.index_cast %parallel_loop3A_899 : i32 to index
        %parallel_loop3A_905 = tpu.vector_load %arg6[%parallel_loop3A_902, %parallel_loop3A_903, %parallel_loop3A_904] {strides = array<i32>} : memref<4x2x4096xf32, #tpu.memory_space<vmem>>, vector<16xf32>,
        %parallel_loop3A_906 = arith.cmpf ogt, %parallel_loop3A_905, %parallel_loop3A_876 : vector<16xf32>
        %parallel_loop3A_907 = vector.broadcast %parallel_loop3A_899 : i32 to vector<16xi32>
        %parallel_loop3A_908 = arith.addi %iota3A, %parallel_loop3A_907 : vector<16xi32>
        %parallel_loop3A_909 = arith.select %parallel_loop3A_906, %parallel_loop3A_908, %parallel_loop3A_880 : vector<16xi1>, vector<16xi32>
        %parallel_loop3A_910 = arith.maximumf %parallel_loop3A_876, %parallel_loop3A_905 : vector<16xf32>
        %parallel_loop3A_911 = arith.constant 32 : i32
        %parallel_loop3A_912 = arith.addi %parallel_loop3A_884, %parallel_loop3A_911 : i32
        %parallel_loop3A_913 = arith.constant 3 : i32
        %parallel_loop3A_914 = arith.constant 1 : i32
        %parallel_loop3A_915 = arith.index_cast %parallel_loop3A_913 : i32 to index
        %parallel_loop3A_916 = arith.index_cast %parallel_loop3A_914 : i32 to index
        %parallel_loop3A_917 = arith.index_cast %parallel_loop3A_912 : i32 to index
        %parallel_loop3A_918 = tpu.vector_load %arg6[%parallel_loop3A_915, %parallel_loop3A_916, %parallel_loop3A_917] {strides = array<i32>} : memref<4x2x4096xf32, #tpu.memory_space<vmem>>, vector<16xf32>,
        %parallel_loop3A_919 = arith.cmpf ogt, %parallel_loop3A_918, %parallel_loop3A_877 : vector<16xf32>
        %parallel_loop3A_920 = vector.broadcast %parallel_loop3A_912 : i32 to vector<16xi32>
        %parallel_loop3A_921 = arith.addi %iota3A, %parallel_loop3A_920 : vector<16xi32>
        %parallel_loop3A_922 = arith.select %parallel_loop3A_919, %parallel_loop3A_921, %parallel_loop3A_881 : vector<16xi1>, vector<16xi32>
        %parallel_loop3A_923 = arith.maximumf %parallel_loop3A_877, %parallel_loop3A_918 : vector<16xf32>
        %parallel_loop3A_924 = arith.constant 48 : i32
        %parallel_loop3A_925 = arith.addi %parallel_loop3A_884, %parallel_loop3A_924 : i32
        %parallel_loop3A_926 = arith.constant 3 : i32
        %parallel_loop3A_927 = arith.constant 1 : i32
        %parallel_loop3A_928 = arith.index_cast %parallel_loop3A_926 : i32 to index
        %parallel_loop3A_929 = arith.index_cast %parallel_loop3A_927 : i32 to index
        %parallel_loop3A_930 = arith.index_cast %parallel_loop3A_925 : i32 to index
        %parallel_loop3A_931 = tpu.vector_load %arg6[%parallel_loop3A_928, %parallel_loop3A_929, %parallel_loop3A_930] {strides = array<i32>} : memref<4x2x4096xf32, #tpu.memory_space<vmem>>, vector<16xf32>,
        %parallel_loop3A_932 = arith.cmpf ogt, %parallel_loop3A_931, %parallel_loop3A_878 : vector<16xf32>
        %parallel_loop3A_933 = vector.broadcast %parallel_loop3A_925 : i32 to vector<16xi32>
        %parallel_loop3A_934 = arith.addi %iota3A, %parallel_loop3A_933 : vector<16xi32>
        %parallel_loop3A_935 = arith.select %parallel_loop3A_932, %parallel_loop3A_934, %parallel_loop3A_882 : vector<16xi1>, vector<16xi32>
        %parallel_loop3A_936 = arith.maximumf %parallel_loop3A_878, %parallel_loop3A_931 : vector<16xf32>
        scf.yield %parallel_loop3A_897, %parallel_loop3A_910, %parallel_loop3A_923, %parallel_loop3A_936, %parallel_loop3A_896, %parallel_loop3A_909, %parallel_loop3A_922, %parallel_loop3A_935 : vector<16xf32>, vector<16xf32>, vector<16xf32>, vector<16xf32>, vector<16xi32>, vector<16xi32>, vector<16xi32>, vector<16xi32>
      } {sc.loop_unroll_factor = 4 : i64, sc.parallel_access}
      %max3A_799 = arith.maximumf %parallel_loop3A_798#0, %parallel_loop3A_798#1 : vector<16xf32>
      %max3A_800 = arith.maximumf %parallel_loop3A_798#2, %parallel_loop3A_798#3 : vector<16xf32>
      %max3A_801 = arith.maximumf %max3A_799, %max3A_800 : vector<16xf32>
      %broadcast_in_dim3A_802 = arith.constant true
      %broadcast_in_dim3A_803 = vector.broadcast %broadcast_in_dim3A_802 : i1 to vector<16xi1>
      %masked_cummax3A_804 = tpu.scan <max>, %max3A_801 masked %broadcast_in_dim3A_803 : vector<16xf32>, vector<16xi1> -> vector<16xf32>
      %rev3A_805 = arith.constant 15 : i32
      %rev3A_806 = vector.broadcast %rev3A_805 : i32 to vector<16xi32>
      %rev3A_807 = tpu.iota {dimensions = array<i32: 0>} : vector<16xi32>
      %rev3A_808 = arith.subi %rev3A_806, %rev3A_807 : vector<16xi32>
      %rev3A_809 = tpu.dynamic_gather %masked_cummax3A_804[%rev3A_808] in [0] : vector<16xf32>, vector<16xi32> -> vector<16xf32>
      %broadcast_in_dim3A_810 = arith.constant true
      %broadcast_in_dim3A_811 = vector.broadcast %broadcast_in_dim3A_810 : i1 to vector<16xi1>
      %masked_cummax3A_812 = tpu.scan <max>, %rev3A_809 masked %broadcast_in_dim3A_811 : vector<16xf32>, vector<16xi1> -> vector<16xf32>
      %eq3A_813 = arith.cmpf oeq, %parallel_loop3A_798#0, %masked_cummax3A_812 : vector<16xf32>
      %select_n3A_814 = arith.select %eq3A_813, %parallel_loop3A_798#4, %broadcast_in_dim3A_7 : vector<16xi1>, vector<16xi32>
      %eq3A_815 = arith.cmpf oeq, %parallel_loop3A_798#1, %masked_cummax3A_812 : vector<16xf32>
      %select_n3A_816 = arith.select %eq3A_815, %parallel_loop3A_798#5, %broadcast_in_dim3A_7 : vector<16xi1>, vector<16xi32>
      %min3A_817 = arith.minsi %select_n3A_814, %select_n3A_816 : vector<16xi32>
      %eq3A_818 = arith.cmpf oeq, %parallel_loop3A_798#2, %masked_cummax3A_812 : vector<16xf32>
      %select_n3A_819 = arith.select %eq3A_818, %parallel_loop3A_798#6, %broadcast_in_dim3A_7 : vector<16xi1>, vector<16xi32>
      %eq3A_820 = arith.cmpf oeq, %parallel_loop3A_798#3, %masked_cummax3A_812 : vector<16xf32>
      %select_n3A_821 = arith.select %eq3A_820, %parallel_loop3A_798#7, %broadcast_in_dim3A_7 : vector<16xi1>, vector<16xi32>
      %min3A_822 = arith.minsi %select_n3A_819, %select_n3A_821 : vector<16xi32>
      %min3A_823 = arith.minsi %min3A_817, %min3A_822 : vector<16xi32>
      %neg3A_824 = arith.constant 0 : i32
      %neg3A_825 = vector.broadcast %neg3A_824 : i32 to vector<16xi32>
      %neg3A_826 = arith.subi %neg3A_825, %min3A_823 : vector<16xi32>
      %broadcast_in_dim3A_827 = arith.constant true
      %broadcast_in_dim3A_828 = vector.broadcast %broadcast_in_dim3A_827 : i1 to vector<16xi1>
      %masked_cummax3A_829 = arith.constant -2147483648 : i32
      %masked_cummax3A_830 = vector.broadcast %masked_cummax3A_829 : i32 to vector<16xi32>
      %masked_cummax3A_831 = arith.xori %neg3A_826, %masked_cummax3A_830 : vector<16xi32>
      %masked_cummax3A_832 = tpu.scan <max>, %masked_cummax3A_831 masked %broadcast_in_dim3A_828 : vector<16xi32>, vector<16xi1> -> vector<16xi32>
      %masked_cummax3A_833 = arith.xori %masked_cummax3A_832, %masked_cummax3A_830 : vector<16xi32>
      %rev3A_834 = arith.constant 15 : i32
      %rev3A_835 = vector.broadcast %rev3A_834 : i32 to vector<16xi32>
      %rev3A_836 = tpu.iota {dimensions = array<i32: 0>} : vector<16xi32>
      %rev3A_837 = arith.subi %rev3A_835, %rev3A_836 : vector<16xi32>
      %rev3A_838 = tpu.dynamic_gather %masked_cummax3A_833[%rev3A_837] in [0] : vector<16xi32>, vector<16xi32> -> vector<16xi32>
      %broadcast_in_dim3A_839 = arith.constant true
      %broadcast_in_dim3A_840 = vector.broadcast %broadcast_in_dim3A_839 : i1 to vector<16xi1>
      %masked_cummax3A_841 = arith.constant -2147483648 : i32
      %masked_cummax3A_842 = vector.broadcast %masked_cummax3A_841 : i32 to vector<16xi32>
      %masked_cummax3A_843 = arith.xori %rev3A_838, %masked_cummax3A_842 : vector<16xi32>
      %masked_cummax3A_844 = tpu.scan <max>, %masked_cummax3A_843 masked %broadcast_in_dim3A_840 : vector<16xi32>, vector<16xi1> -> vector<16xi32>
      %masked_cummax3A_845 = arith.xori %masked_cummax3A_844, %masked_cummax3A_842 : vector<16xi32>
      %neg3A_846 = arith.constant 0 : i32
      %neg3A_847 = vector.broadcast %neg3A_846 : i32 to vector<16xi32>
      %neg3A_848 = arith.subi %neg3A_847, %masked_cummax3A_845 : vector<16xi32>
      %gather3A_849 = tpu.vector_load_idx %arg9[%neg3A_848] : memref<4096xi32, #tpu.memory_space<vmem>>[vector<16xi32>], vector<16xi32>,
      %parallel_loop3A_850 = arith.constant 0 : i32
      %parallel_loop3A_851 = arith.constant 256 : i32
      %parallel_loop3A_852 = arith.constant 1 : i32
      scf.for %parallel_loop3A_874 = %parallel_loop3A_850 to %parallel_loop3A_851 step %parallel_loop3A_852  : i32 {
        %parallel_loop3A_875 = arith.constant 16 : i32
        %parallel_loop3A_876 = arith.muli %parallel_loop3A_874, %parallel_loop3A_875 : i32
        %parallel_loop3A_877 = arith.index_cast %parallel_loop3A_876 : i32 to index
        %parallel_loop3A_878 = tpu.vector_load %arg9[%parallel_loop3A_877] {strides = array<i32>} : memref<4096xi32, #tpu.memory_space<vmem>>, vector<16xi32>,
        %parallel_loop3A_879 = arith.cmpi eq, %parallel_loop3A_878, %gather3A_794 : vector<16xi32>
        %parallel_loop3A_880 = arith.select %parallel_loop3A_879, %broadcast_in_dim3A_9, %broadcast_in_dim3A_11 : vector<16xi1>, vector<16xf32>
        %parallel_loop3A_881 = arith.constant 3 : i32
        %parallel_loop3A_882 = arith.constant 0 : i32
        %parallel_loop3A_883 = arith.index_cast %parallel_loop3A_881 : i32 to index
        %parallel_loop3A_884 = arith.index_cast %parallel_loop3A_882 : i32 to index
        %parallel_loop3A_885 = arith.index_cast %parallel_loop3A_876 : i32 to index
        %parallel_loop3A_886 = tpu.vector_load %arg7[%parallel_loop3A_883, %parallel_loop3A_884, %parallel_loop3A_885] {strides = array<i32>} : memref<4x2x4096xf32, #tpu.memory_space<vmem>>, vector<16xf32>,
        %parallel_loop3A_887 = arith.addf %parallel_loop3A_886, %parallel_loop3A_880 : vector<16xf32>
        %parallel_loop3A_888 = arith.constant 3 : i32
        %parallel_loop3A_889 = arith.constant 0 : i32
        %parallel_loop3A_890 = arith.index_cast %parallel_loop3A_888 : i32 to index
        %parallel_loop3A_891 = arith.index_cast %parallel_loop3A_889 : i32 to index
        %parallel_loop3A_892 = arith.index_cast %parallel_loop3A_876 : i32 to index
        %parallel_loop3A_893 = tpu.vector_load %arg8[%parallel_loop3A_890, %parallel_loop3A_891, %parallel_loop3A_892] {strides = array<i32>} : memref<4x2x4096xf32, #tpu.memory_space<vmem>>, vector<16xf32>,
        tpu.vector_store %arg8[%parallel_loop3A_890, %parallel_loop3A_891, %parallel_loop3A_892], %parallel_loop3A_887 {strides = array<i32>} : memref<4x2x4096xf32, #tpu.memory_space<vmem>>, vector<16xf32>,
        %parallel_loop3A_894 = arith.cmpi eq, %parallel_loop3A_878, %gather3A_849 : vector<16xi32>
        %parallel_loop3A_895 = arith.select %parallel_loop3A_894, %broadcast_in_dim3A_9, %broadcast_in_dim3A_11 : vector<16xi1>, vector<16xf32>
        %parallel_loop3A_896 = arith.constant 3 : i32
        %parallel_loop3A_897 = arith.constant 1 : i32
        %parallel_loop3A_898 = arith.index_cast %parallel_loop3A_896 : i32 to index
        %parallel_loop3A_899 = arith.index_cast %parallel_loop3A_897 : i32 to index
        %parallel_loop3A_900 = arith.index_cast %parallel_loop3A_876 : i32 to index
        %parallel_loop3A_901 = tpu.vector_load %arg7[%parallel_loop3A_898, %parallel_loop3A_899, %parallel_loop3A_900] {strides = array<i32>} : memref<4x2x4096xf32, #tpu.memory_space<vmem>>, vector<16xf32>,
        %parallel_loop3A_902 = arith.addf %parallel_loop3A_901, %parallel_loop3A_895 : vector<16xf32>
        %parallel_loop3A_903 = arith.constant 3 : i32
        %parallel_loop3A_904 = arith.constant 1 : i32
        %parallel_loop3A_905 = arith.index_cast %parallel_loop3A_903 : i32 to index
        %parallel_loop3A_906 = arith.index_cast %parallel_loop3A_904 : i32 to index
        %parallel_loop3A_907 = arith.index_cast %parallel_loop3A_876 : i32 to index
        %parallel_loop3A_908 = tpu.vector_load %arg8[%parallel_loop3A_905, %parallel_loop3A_906, %parallel_loop3A_907] {strides = array<i32>} : memref<4x2x4096xf32, #tpu.memory_space<vmem>>, vector<16xf32>,
        tpu.vector_store %arg8[%parallel_loop3A_905, %parallel_loop3A_906, %parallel_loop3A_907], %parallel_loop3A_902 {strides = array<i32>} : memref<4x2x4096xf32, #tpu.memory_space<vmem>>, vector<16xf32>,
      } {sc.loop_unroll_factor = 4 : i64, sc.parallel_access}
      %dma_start3A_853 = arith.constant 3 : i32
      %dma_start3A_854 = arith.constant 0 : i32
      %dma_start3A_855 = arith.constant 0 : i32
      %dma_start3A_856 = tpu.memref_slice %arg8[%dma_start3A_853, %dma_start3A_854, %dma_start3A_855] : memref<4x2x4096xf32, #tpu.memory_space<vmem>> -> memref<1x2x4096xf32, #tpu.memory_space<vmem>>
      %dma_start3A_857 = tpu.memref_squeeze %dma_start3A_856 : memref<1x2x4096xf32, #tpu.memory_space<vmem>> -> memref<2x4096xf32, #tpu.memory_space<vmem>>
      %dma_start3A_858 = arith.constant 0 : i32
      %dma_start3A_859 = tpu.memref_slice %arg5[%add3A_705, %dma_start3A_858] : memref<4096x4096xf32, #tpu.memory_space<hbm>> -> memref<2x4096xf32, #tpu.memory_space<hbm>>
      %dma_start3A_860 = arith.constant 0 : i32
      %dma_start3A_861 = tpu.memref_slice %arg5[%add3A_705, %dma_start3A_860] : memref<4096x4096xf32, #tpu.memory_space<hbm>> -> memref<2x4096xf32, #tpu.memory_space<hbm>>
      %dma_start3A_862 = arith.constant 0 : i32
      %dma_start3A_863 = arith.constant 0 : i32
      %dma_start3A_864 = tpu.memref_slice %arg8[%dma_start3A_853, %dma_start3A_862, %dma_start3A_863] : memref<4x2x4096xf32, #tpu.memory_space<vmem>> -> memref<1x2x4096xf32, #tpu.memory_space<vmem>>
      %dma_start3A_865 = tpu.memref_squeeze %dma_start3A_864 : memref<1x2x4096xf32, #tpu.memory_space<vmem>> -> memref<2x4096xf32, #tpu.memory_space<vmem>>
      tpu.enqueue_dma source(%dma_start3A_865 : memref<2x4096xf32, #tpu.memory_space<vmem>>) target(%dma_start3A_861 : memref<2x4096xf32, #tpu.memory_space<hbm>>) target_semaphore(%arg17 : memref<!tpu.dma_semaphore, #tpu.memory_space<semaphore_mem>>)
      %add3A_866 = arith.constant 4 : i32
      %add3A_867 = arith.addi %add3A_702, %add3A_866 : i32
      %lt3A_868 = arith.constant 64 : i32
      %lt3A_869 = arith.cmpi slt, %add3A_867, %lt3A_868 : i32
      %convert_element_type3A_870 = arith.extui %lt3A_869 : i1 to i32
      %cond3A_871 = arith.constant 0 : i32
      %cond3A_872 = arith.cmpi ne, %convert_element_type3A_870, %cond3A_871 : i32
      scf.if %cond3A_872 {
        %add3A_874 = arith.constant 4 : i32
        %add3A_875 = arith.addi %add3A_702, %add3A_874 : i32
        %mul3A_876 = arith.constant 2 : i32
        %mul3A_877 = arith.muli %add3A_875, %mul3A_876 : i32
        %add3A_878 = arith.addi %mul3A_2, %mul3A_877 : i32
        %dma_start3A_879 = arith.constant 3 : i32
        %dma_start3A_880 = arith.constant 0 : i32
        %dma_start3A_881 = arith.constant 0 : i32
        %dma_start3A_882 = tpu.memref_slice %arg6[%dma_start3A_879, %dma_start3A_880, %dma_start3A_881] : memref<4x2x4096xf32, #tpu.memory_space<vmem>> -> memref<1x2x4096xf32, #tpu.memory_space<vmem>>
        %dma_start3A_883 = tpu.memref_squeeze %dma_start3A_882 : memref<1x2x4096xf32, #tpu.memory_space<vmem>> -> memref<2x4096xf32, #tpu.memory_space<vmem>>
        %dma_start3A_884 = arith.constant 0 : i32
        %dma_start3A_885 = tpu.memref_slice %arg3[%add3A_878, %dma_start3A_884] : memref<4096x4096xf32, #tpu.memory_space<hbm>> -> memref<2x4096xf32, #tpu.memory_space<hbm>>
        %dma_start3A_886 = arith.constant 0 : i32
        %dma_start3A_887 = arith.constant 0 : i32
        %dma_start3A_888 = tpu.memref_slice %arg6[%dma_start3A_879, %dma_start3A_886, %dma_start3A_887] : memref<4x2x4096xf32, #tpu.memory_space<vmem>> -> memref<1x2x4096xf32, #tpu.memory_space<vmem>>
        %dma_start3A_889 = tpu.memref_squeeze %dma_start3A_888 : memref<1x2x4096xf32, #tpu.memory_space<vmem>> -> memref<2x4096xf32, #tpu.memory_space<vmem>>
        %dma_start3A_890 = arith.constant 0 : i32
        %dma_start3A_891 = tpu.memref_slice %arg3[%add3A_878, %dma_start3A_890] : memref<4096x4096xf32, #tpu.memory_space<hbm>> -> memref<2x4096xf32, #tpu.memory_space<hbm>>
        tpu.enqueue_dma source(%dma_start3A_891 : memref<2x4096xf32, #tpu.memory_space<hbm>>) target(%dma_start3A_889 : memref<2x4096xf32, #tpu.memory_space<vmem>>) target_semaphore(%arg13 : memref<!tpu.dma_semaphore, #tpu.memory_space<semaphore_mem>>)
        %dma_start3A_892 = arith.constant 3 : i32
        %dma_start3A_893 = arith.constant 0 : i32
        %dma_start3A_894 = arith.constant 0 : i32
        %dma_start3A_895 = tpu.memref_slice %arg7[%dma_start3A_892, %dma_start3A_893, %dma_start3A_894] : memref<4x2x4096xf32, #tpu.memory_space<vmem>> -> memref<1x2x4096xf32, #tpu.memory_space<vmem>>
        %dma_start3A_896 = tpu.memref_squeeze %dma_start3A_895 : memref<1x2x4096xf32, #tpu.memory_space<vmem>> -> memref<2x4096xf32, #tpu.memory_space<vmem>>
        %dma_start3A_897 = arith.constant 0 : i32
        %dma_start3A_898 = tpu.memref_slice %arg2[%add3A_878, %dma_start3A_897] : memref<4096x4096xf32, #tpu.memory_space<hbm>> -> memref<2x4096xf32, #tpu.memory_space<hbm>>
        %dma_start3A_899 = arith.constant 0 : i32
        %dma_start3A_900 = arith.constant 0 : i32
        %dma_start3A_901 = tpu.memref_slice %arg7[%dma_start3A_892, %dma_start3A_899, %dma_start3A_900] : memref<4x2x4096xf32, #tpu.memory_space<vmem>> -> memref<1x2x4096xf32, #tpu.memory_space<vmem>>
        %dma_start3A_902 = tpu.memref_squeeze %dma_start3A_901 : memref<1x2x4096xf32, #tpu.memory_space<vmem>> -> memref<2x4096xf32, #tpu.memory_space<vmem>>
        %dma_start3A_903 = arith.constant 0 : i32
        %dma_start3A_904 = tpu.memref_slice %arg2[%add3A_878, %dma_start3A_903] : memref<4096x4096xf32, #tpu.memory_space<hbm>> -> memref<2x4096xf32, #tpu.memory_space<hbm>>
        tpu.enqueue_dma source(%dma_start3A_904 : memref<2x4096xf32, #tpu.memory_space<hbm>>) target(%dma_start3A_902 : memref<2x4096xf32, #tpu.memory_space<vmem>>) target_semaphore(%arg13 : memref<!tpu.dma_semaphore, #tpu.memory_space<semaphore_mem>>)
      } else {
      }
      %scan3A_873 = arith.constant 0 : i32
      scf.yield %scan3A_873 : i32
    }
    %scan3A_128 = arith.constant 16 : i32
    %add3A_129 = arith.constant 120 : i32
    %add3A_130 = arith.addi %mul3A_2, %add3A_129 : i32
    %dma_wait3A = arith.constant 0 : i32
    %dma_wait3A_131 = arith.constant 0 : i32
    %dma_wait3A_132 = arith.constant 0 : i32
    %dma_wait3A_133 = tpu.memref_slice %arg8[%dma_wait3A, %dma_wait3A_131, %dma_wait3A_132] : memref<4x2x4096xf32, #tpu.memory_space<vmem>> -> memref<1x2x4096xf32, #tpu.memory_space<vmem>>
    %dma_wait3A_134 = tpu.memref_squeeze %dma_wait3A_133 : memref<1x2x4096xf32, #tpu.memory_space<vmem>> -> memref<2x4096xf32, #tpu.memory_space<vmem>>
    %dma_wait3A_135 = arith.constant 0 : i32
    %dma_wait3A_136 = tpu.memref_slice %arg5[%add3A_130, %dma_wait3A_135] : memref<4096x4096xf32, #tpu.memory_space<hbm>> -> memref<2x4096xf32, #tpu.memory_space<hbm>>
    %dma_wait3A_137 = arith.constant 0 : i32
    %dma_wait3A_138 = tpu.memref_slice %arg5[%add3A_130, %dma_wait3A_137] : memref<4096x4096xf32, #tpu.memory_space<hbm>> -> memref<2x4096xf32, #tpu.memory_space<hbm>>
    %dma_wait3A_139 = arith.constant 0 : i32
    %dma_wait3A_140 = arith.constant 0 : i32
    %dma_wait3A_141 = tpu.memref_slice %arg8[%dma_wait3A, %dma_wait3A_139, %dma_wait3A_140] : memref<4x2x4096xf32, #tpu.memory_space<vmem>> -> memref<1x2x4096xf32, #tpu.memory_space<vmem>>
    %dma_wait3A_142 = tpu.memref_squeeze %dma_wait3A_141 : memref<1x2x4096xf32, #tpu.memory_space<vmem>> -> memref<2x4096xf32, #tpu.memory_space<vmem>>
    tpu.wait_dma2 semaphore(%arg14 : memref<!tpu.dma_semaphore, #tpu.memory_space<semaphore_mem>>) src(%dma_wait3A_142 : memref<2x4096xf32, #tpu.memory_space<vmem>>) dst(%dma_wait3A_138 : memref<2x4096xf32, #tpu.memory_space<hbm>>)
    %add3A_143 = arith.constant 122 : i32
    %add3A_144 = arith.addi %mul3A_2, %add3A_143 : i32
    %dma_wait3A_145 = arith.constant 1 : i32
    %dma_wait3A_146 = arith.constant 0 : i32
    %dma_wait3A_147 = arith.constant 0 : i32
    %dma_wait3A_148 = tpu.memref_slice %arg8[%dma_wait3A_145, %dma_wait3A_146, %dma_wait3A_147] : memref<4x2x4096xf32, #tpu.memory_space<vmem>> -> memref<1x2x4096xf32, #tpu.memory_space<vmem>>
    %dma_wait3A_149 = tpu.memref_squeeze %dma_wait3A_148 : memref<1x2x4096xf32, #tpu.memory_space<vmem>> -> memref<2x4096xf32, #tpu.memory_space<vmem>>
    %dma_wait3A_150 = arith.constant 0 : i32
    %dma_wait3A_151 = tpu.memref_slice %arg5[%add3A_144, %dma_wait3A_150] : memref<4096x4096xf32, #tpu.memory_space<hbm>> -> memref<2x4096xf32, #tpu.memory_space<hbm>>
    %dma_wait3A_152 = arith.constant 0 : i32
    %dma_wait3A_153 = tpu.memref_slice %arg5[%add3A_144, %dma_wait3A_152] : memref<4096x4096xf32, #tpu.memory_space<hbm>> -> memref<2x4096xf32, #tpu.memory_space<hbm>>
    %dma_wait3A_154 = arith.constant 0 : i32
    %dma_wait3A_155 = arith.constant 0 : i32
    %dma_wait3A_156 = tpu.memref_slice %arg8[%dma_wait3A_145, %dma_wait3A_154, %dma_wait3A_155] : memref<4x2x4096xf32, #tpu.memory_space<vmem>> -> memref<1x2x4096xf32, #tpu.memory_space<vmem>>
    %dma_wait3A_157 = tpu.memref_squeeze %dma_wait3A_156 : memref<1x2x4096xf32, #tpu.memory_space<vmem>> -> memref<2x4096xf32, #tpu.memory_space<vmem>>
    tpu.wait_dma2 semaphore(%arg15 : memref<!tpu.dma_semaphore, #tpu.memory_space<semaphore_mem>>) src(%dma_wait3A_157 : memref<2x4096xf32, #tpu.memory_space<vmem>>) dst(%dma_wait3A_153 : memref<2x4096xf32, #tpu.memory_space<hbm>>)
    %add3A_158 = arith.constant 124 : i32
    %add3A_159 = arith.addi %mul3A_2, %add3A_158 : i32
    %dma_wait3A_160 = arith.constant 2 : i32
    %dma_wait3A_161 = arith.constant 0 : i32
    %dma_wait3A_162 = arith.constant 0 : i32
    %dma_wait3A_163 = tpu.memref_slice %arg8[%dma_wait3A_160, %dma_wait3A_161, %dma_wait3A_162] : memref<4x2x4096xf32, #tpu.memory_space<vmem>> -> memref<1x2x4096xf32, #tpu.memory_space<vmem>>
    %dma_wait3A_164 = tpu.memref_squeeze %dma_wait3A_163 : memref<1x2x4096xf32, #tpu.memory_space<vmem>> -> memref<2x4096xf32, #tpu.memory_space<vmem>>
    %dma_wait3A_165 = arith.constant 0 : i32
    %dma_wait3A_166 = tpu.memref_slice %arg5[%add3A_159, %dma_wait3A_165] : memref<4096x4096xf32, #tpu.memory_space<hbm>> -> memref<2x4096xf32, #tpu.memory_space<hbm>>
    %dma_wait3A_167 = arith.constant 0 : i32
    %dma_wait3A_168 = tpu.memref_slice %arg5[%add3A_159, %dma_wait3A_167] : memref<4096x4096xf32, #tpu.memory_space<hbm>> -> memref<2x4096xf32, #tpu.memory_space<hbm>>
    %dma_wait3A_169 = arith.constant 0 : i32
    %dma_wait3A_170 = arith.constant 0 : i32
    %dma_wait3A_171 = tpu.memref_slice %arg8[%dma_wait3A_160, %dma_wait3A_169, %dma_wait3A_170] : memref<4x2x4096xf32, #tpu.memory_space<vmem>> -> memref<1x2x4096xf32, #tpu.memory_space<vmem>>
    %dma_wait3A_172 = tpu.memref_squeeze %dma_wait3A_171 : memref<1x2x4096xf32, #tpu.memory_space<vmem>> -> memref<2x4096xf32, #tpu.memory_space<vmem>>
    tpu.wait_dma2 semaphore(%arg16 : memref<!tpu.dma_semaphore, #tpu.memory_space<semaphore_mem>>) src(%dma_wait3A_172 : memref<2x4096xf32, #tpu.memory_space<vmem>>) dst(%dma_wait3A_168 : memref<2x4096xf32, #tpu.memory_space<hbm>>)
    %add3A_173 = arith.constant 126 : i32
    %add3A_174 = arith.addi %mul3A_2, %add3A_173 : i32
    %dma_wait3A_175 = arith.constant 3 : i32
    %dma_wait3A_176 = arith.constant 0 : i32
    %dma_wait3A_177 = arith.constant 0 : i32
    %dma_wait3A_178 = tpu.memref_slice %arg8[%dma_wait3A_175, %dma_wait3A_176, %dma_wait3A_177] : memref<4x2x4096xf32, #tpu.memory_space<vmem>> -> memref<1x2x4096xf32, #tpu.memory_space<vmem>>
    %dma_wait3A_179 = tpu.memref_squeeze %dma_wait3A_178 : memref<1x2x4096xf32, #tpu.memory_space<vmem>> -> memref<2x4096xf32, #tpu.memory_space<vmem>>
    %dma_wait3A_180 = arith.constant 0 : i32
    %dma_wait3A_181 = tpu.memref_slice %arg5[%add3A_174, %dma_wait3A_180] : memref<4096x4096xf32, #tpu.memory_space<hbm>> -> memref<2x4096xf32, #tpu.memory_space<hbm>>
    %dma_wait3A_182 = arith.constant 0 : i32
    %dma_wait3A_183 = tpu.memref_slice %arg5[%add3A_174, %dma_wait3A_182] : memref<4096x4096xf32, #tpu.memory_space<hbm>> -> memref<2x4096xf32, #tpu.memory_space<hbm>>
    %dma_wait3A_184 = arith.constant 0 : i32
    %dma_wait3A_185 = arith.constant 0 : i32
    %dma_wait3A_186 = tpu.memref_slice %arg8[%dma_wait3A_175, %dma_wait3A_184, %dma_wait3A_185] : memref<4x2x4096xf32, #tpu.memory_space<vmem>> -> memref<1x2x4096xf32, #tpu.memory_space<vmem>>
    %dma_wait3A_187 = tpu.memref_squeeze %dma_wait3A_186 : memref<1x2x4096xf32, #tpu.memory_space<vmem>> -> memref<2x4096xf32, #tpu.memory_space<vmem>>
    tpu.wait_dma2 semaphore(%arg17 : memref<!tpu.dma_semaphore, #tpu.memory_space<semaphore_mem>>) src(%dma_wait3A_187 : memref<2x4096xf32, #tpu.memory_space<vmem>>) dst(%dma_wait3A_183 : memref<2x4096xf32, #tpu.memory_space<hbm>>)
    return
  }
}

</mosaic_0001>

<sc_bundles>
// kernel: kernel.3.cloned.1.call-start
scs
__scs_entry_jumppad:
0x0: {  	(pc) =	sbr.rel $0x88, $3  }
0x1: {  	(tag) =	ssettag $0x0;
	lr =	simm.s32 $0x1  }
0x2: {  	[smem:$0x3F9E] =	sst lr;
	_ =	strace $0xD0000000  }
0x3: {  	_ = 	snop  }
0x4: {  	_ = 	snop  }
0x5: {  	_ = 	snop  }
0x6: {  	_ = 	snop  }
0x7: {  	_ = 	snop  }
__scs_overlays_trampoline_lowered:
0x8: {  	[smem:$0x3FAD] =	sst s0  }
0x9: {  	[smem:$0x3FAE] =	sst s1  }
0xa: {  	[smem:$0x3FAF] =	sst s2  }
0xb: {  	[smem:$0x3FB0] =	sst s3  }
0xc: {  	[smem:$0x3FB1] =	sst s4  }
0xd: {  	[smem:$0x3FB2] =	sst s5  }
0xe: {  	[smem:$0x3FB3] =	sst s6  }
0xf: {  	[smem:$0x3FB4] =	sst s7  }
0x10: {  	[smem:$0x3FB5] =	sst s8  }
0x11: {  	[smem:$0x3FB6] =	sst s9;
	s0 =	simm.s32 @!p0 $0x0  }
0x12: {  	s1 =	sld [smem:$0x3F9C];
	s0 =	simm.s32 @p0 $0x1  }
0x13: {  	[smem:$0x3FB7] =	sst s0;
	s0 =	simm.s32 @!p1 $0x0  }
0x14: {  	s2 =	sld [smem:$0x3F9B];
	s0 =	simm.s32 @p1 $0x1  }
0x15: {  	[smem:$0x3FB8] =	sst s0;
	s0 =	simm.s32 @!p2 $0x0  }
0x16: {  	s3 =	sld [smem:$0x3FDB];
	s0 =	simm.s32 @p2 $0x1  }
0x17: {  	s4 =	simm.s32 $0x1BF5;
	[smem:$0x3FBA] =	sst s0  }
0x18: {  	s0 =	sld [smem:$0x3F9D];
	_ =	swait.ge [sflag:s4], $0x0  }
0x19: {  	s7 =	sld [smem:$0x3F9E]  }
0x1a: {  	s8 =	sadd.s32 $0xFFFFE003, lr  }
0x1b: {  	s9 =	sadd.s32 $0xFFFFFEF7, lr;
	s5 =	simm.s32 $0xFFFFFFFF;
	p2 =	slt.u32 s8, $0xFFFFF086  }
0x1c: {  	p1 =	slt.u32 s9, $0xF7A;
	s5 =	simm.s32 @!p2 $0x0  }
0x1d: {  	s5 =	simm.s32 @p1 $0x1;
	p0 =	seq.s32 s7, s2  }
0x1e: {  	s7 =	smul.u32 @!p0 $0xF7A, s2;
	p2 =	seq.s32 @!p0 s5, $0x0  }
0x1f: {  	s9 =	smul.u32 $0xF7A, s1;
	s8 =	simm.s32 @!p0 $0x1BF5;
	p2 =	por !p2, p0  }
0x20: {  	[sflag:s8] =	ssyncset.s32 @!p0 $0xFFFFF086;
	s6 =	sadd.s32 @!p0 s3, s7;
	s7 =	simm.s32 @!p0 $0x108  }
0x21: {  	s3 =	sadd.s32 s3, s9;
	s6 =	sadd.s32 @!p0 $0x88, s6;
	s7 =	simm.s32 @p2 $0x1082  }
0x22: {  	[simem:s7], [sflag:s8] =	dma.local @!p0 [hbm:s6], $0xF7A  }
0x23: {  	s9 =	sor.u32 $0xD0000000, s2;
	s6 =	simm.s32 $0x108;
	_ =	swait.ge @!p0 [sflag:s8], $0x0  }
0x24: {  	s3 =	sadd.s32 $0x88, s3;
	s6 =	simm.s32 @!p1 $0x1082;
	[sflag:s4] =	ssyncset.s32 $0xFFFFF086  }
0x25: {  	[simem:s6], [sflag:s4] =	dma.local [hbm:s3], $0xF7A  }
0x26: {  	[smem:$0x3F9E] =	sst s1;
	(tag) =	ssettag s2;
	_ =	strace s9  }
0x27: {  	s1 =	sld [smem:$0x3FAE]  }
0x28: {  	s2 =	sld [smem:$0x3FAF]  }
0x29: {  	s4 =	sld [smem:$0x3FB1]  }
0x2a: {  	p0 =	seq.s32 s5, $0x0;
	s5 =	sld [smem:$0x3FB2]  }
0x2b: {  	s6 =	sld [smem:$0x3FB3]  }
0x2c: {  	s7 =	sld [smem:$0x3FB4]  }
0x2d: {  	s3 =	simm.s32 $0x108;
	s8 =	sld [smem:$0x3FB5]  }
0x2e: {  	s3 =	simm.s32 @!p0 $0x1082;
	s9 =	sld [smem:$0x3FB6]  }
0x2f: {  	lr =	sadd.s32 s0, s3;
	s0 =	sld [smem:$0x3FAD]  }
0x30: {  	s3 =	sld [smem:$0x3FB0]  }
0x31: {  	[smem:$0x3FB9] =	sst s10  }
0x32: {  	s10 =	sld [smem:$0x3FB7];
	_ =	sdelay $0x3  }
0x33: {  	p0 =	seq.s32 s10, $0x1;
	s10 =	sld [smem:$0x3FB9];
	_ =	sdelay $0x3  }
0x34: {  	[smem:$0x3FB9] =	sst s10  }
0x35: {  	s10 =	sld [smem:$0x3FB8];
	_ =	sdelay $0x3  }
0x36: {  	p1 =	seq.s32 s10, $0x1;
	s10 =	sld [smem:$0x3FB9];
	_ =	sdelay $0x3  }
0x37: {  	[smem:$0x3FB9] =	sst s10  }
0x38: {  	s10 =	sld [smem:$0x3FBA]  }
0x39: {  	_ = 	snop;
	(pc) =	sbr.ind lr, $3  }
0x3a: {  	_ = 	snop  }
0x3b: {  	_ = 	snop  }
0x3c: {  	p2 =	seq.s32 s10, $0x1;
	s10 =	sld [smem:$0x3FB9]  }
0x3d: {  	_ =	shalt  }
0x3e: {  	_ =	shalt  }
0x3f: {  	_ =	shalt  }
0x40: {  	_ =	shalt  }
0x41: {  	_ =	shalt  }
0x42: {  	_ =	shalt  }
0x43: {  	_ =	shalt  }
0x44: {  	_ =	shalt  }
0x45: {  	_ =	shalt  }
0x46: {  	_ =	shalt  }
0x47: {  	_ =	shalt  }
0x48: {  	_ =	shalt  }
0x49: {  	_ =	shalt  }
0x4a: {  	_ =	shalt  }
0x4b: {  	_ =	shalt  }
0x4c: {  	_ =	shalt  }
0x4d: {  	_ =	shalt  }
0x4e: {  	_ =	shalt  }
0x4f: {  	_ =	shalt  }
0x50: {  	_ =	shalt  }
0x51: {  	_ =	shalt  }
0x52: {  	_ =	shalt  }
0x53: {  	_ =	shalt  }
0x54: {  	_ =	shalt  }
0x55: {  	_ =	shalt  }
0x56: {  	_ =	shalt  }
0x57: {  	_ =	shalt  }
0x58: {  	_ =	shalt  }
0x59: {  	_ =	shalt  }
0x5a: {  	_ =	shalt  }
0x5b: {  	_ =	shalt  }
0x5c: {  	_ =	shalt  }
0x5d: {  	_ =	shalt  }
0x5e: {  	_ =	shalt  }
0x5f: {  	_ =	shalt  }
0x60: {  	_ =	shalt  }
0x61: {  	_ =	shalt  }
0x62: {  	_ =	shalt  }
0x63: {  	_ =	shalt  }
0x64: {  	_ =	shalt  }
0x65: {  	_ =	shalt  }
0x66: {  	_ =	shalt  }
0x67: {  	_ =	shalt  }
0x68: {  	_ =	shalt  }
0x69: {  	_ =	shalt  }
0x6a: {  	_ =	shalt  }
0x6b: {  	_ =	shalt  }
0x6c: {  	_ =	shalt  }
0x6d: {  	_ =	shalt  }
0x6e: {  	_ =	shalt  }
0x6f: {  	_ =	shalt  }
0x70: {  	_ =	shalt  }
0x71: {  	_ =	shalt  }
0x72: {  	_ =	shalt  }
0x73: {  	_ =	shalt  }
0x74: {  	_ =	shalt  }
0x75: {  	_ =	shalt  }
0x76: {  	_ =	shalt  }
0x77: {  	_ =	shalt  }
0x78: {  	_ =	shalt  }
0x79: {  	_ =	shalt  }
0x7a: {  	_ =	shalt  }
0x7b: {  	_ =	shalt  }
0x7c: {  	_ =	shalt  }
0x7d: {  	_ =	shalt  }
0x7e: {  	_ =	shalt  }
0x7f: {  	_ =	shalt  }
0x80: {  	_ =	shalt  }
0x81: {  	_ =	shalt  }
0x82: {  	_ =	shalt  }
0x83: {  	_ =	shalt  }
0x84: {  	_ =	shalt  }
0x85: {  	_ =	shalt  }
0x86: {  	_ =	shalt  }
0x87: {  	_ =	shalt  }
.Lfunc_end0:
.L_simem_size_0:
called_computation_lowered:
.L_overlay_start_0:
0x88: {  	s2 =	sld [smem:$0x3FD9]  }
0x89: {  	s3 =	sld [smem:$0x3FFE];
	_ =	sdelay $0x1  }
0x8a: {  	s1 =	srdreg.scid  }
0x8b: {  	s0 =	sand.u32 $0x1, s1  }
0x8c: {  	s18 =	sshll.u32 s0, $0xA;
	s2 =	sadd.s32 s3, s2  }
0x8d: {  	s2 =	sadd.s32 s2, s18  }
0x8e: {  	[smem:$0x3FC5] =	sst s2  }
0x8f: {  	_ = 	snop  }
0x90: {  	s2 =	sld [smem:$0x3FC9]  }
0x91: {  	s19 =	sld [smem:$0x3FC8]  }
0x92: {  	s4 =	sld [smem:$0x3FC7]  }
0x93: {  	s5 =	sld [smem:$0x3FD0];
	(tm) =	ssettm $0x1  }
0x94: {  	s6 =	sld [smem:$0x3FFB];
	_ =	sdelay $0x3  }
0x95: {  	_ =	strace s6  }
0x96: {  	s6 =	sld [smem:$0x3FFC];
	_ =	sdelay $0x3  }
0x97: {  	_ =	strace s6  }
0x98: {  	s6 =	sld [smem:$0x3FFD];
	_ =	sdelay $0x3  }
0x99: {  	_ =	strace s6  }
0x9a: {  	_ =	strace $0x8FFFFFFF  }
0x9b: {  	s20 =	sld [smem:$0x3FDB];
	_ =	sdelay $0x1  }
0x9c: {  	s7 =	simm.s32 $_scs_section_size  }
0x9d: {  	s8 =	simm.s32 $_size__tile_overlayer_lowered;
	s9 =	simm.s32 $_tile_overlayer_lowered  }
0x9e: {  	s23 =	simm.s32 $0x1BFF;
	s22 =	sshll.u32 s9, $0x1;
	s6 =	sadd.s32 s7, s20  }
0x9f: {  	s10 =	simm.s32 $0x0;
	s21 =	sshll.u32 s8, $0x1;
	s8 =	sadd.s32 s22, s6  }
0xa0: {  	[timem:s10], [sflag:s23] =	dma.local [hbm:s8], s21  }
0xa1: {  	_ =	swait.ge [sflag:s23], s21  }
0xa2: {  	s7 =	ssub.s32 $0x0, s21;
	[sflag:s23] =	ssyncset.done $0x0  }
0xa3: {  	[sflag:s23] =	ssyncadd.s32 s7;
	_ =	sdelay $0x1  }
0xa4: {  	s24 =	simm.s32 $0x1B8B  }
0xa5: {  	_ =	swait.ge [sflag:s24], $0x1  }
0xa6: {  	[sflag:s24] =	ssyncset.done $0x0  }
0xa7: {  	s25 =	simm.s32 $0x1B8E;
	[sflag:s24] =	ssyncadd.s32 $0xFFFFFFFF  }
0xa8: {  	s26 =	simm.s32 $execute0_lowered;
	[smem:$0x3FD2] =	sst s25  }
0xa9: {  	s7 =	sshll.u32 s26, $0x1;
	_ =	strace $0x80000046;
	[dreg:$0x1] =	wrdreg $0xFFFFFFFF  }
0xaa: {  	s28 =	simm.s32 $_size_execute0_lowered;
	s6 =	sadd.s32 s6, s7;
	[dreg:$0x0] =	wrdreg $0x0  }
0xab: {  	s7 =	sshll.u32 s28, $0x1;
	[dreg:$0x2] =	wrdreg s6  }
0xac: {  	[dreg:$0x3] =	wrdreg s7  }
0xad: {  	[dreg:$0x4] =	wrdreg $0xC0  }
0xae: {  	_ =	task [dreg:s10], $0x5FFFF  }
0xaf: {  	[dreg:$0x1] =	wrdreg $0xFFFFFFFF  }
0xb0: {  	[dreg:$0x0] =	wrdreg $0x60  }
0xb1: {  	[dreg:$0x2] =	wrdreg s2  }
0xb2: {  	[dreg:$0x3] =	wrdreg s19  }
0xb3: {  	[dreg:$0x4] =	wrdreg s4  }
0xb4: {  	[dreg:$0x5] =	wrdreg s5  }
0xb5: {  	[dreg:$0x6] =	wrdreg $0x9  }
0xb6: {  	_ =	task.clear_ibuf [dreg:s10], $0x7FFFF;
	_ =	strace $0x90000046  }
0xb7: {  	s29 =	simm.s32 $0x9;
	_ =	strace $0x80000048  }
0xb8: {  	_ =	swait.ge [sflag:s29], $0x1  }
0xb9: {  	[sflag:s29] =	ssyncadd.s32 $0xFFFFFFFF  }
0xba: {  	_ =	strace $0x90000048  }
0xbb: {  	_ =	sfence  }
0xbc: {  	s30 =	sld [smem:$0x0];
	_ =	sdelay $0x2  }
0xbd: {  	s31 =	sshll.u32 s1, $0xD;
	s1 =	sshrl.u32 s1, $0x2  }
0xbe: {  	s3 =	sand.u32 $0x4000, s31;
	s1 =	sadd.s32 s1, s30  }
0xbf: {  	s0 =	sor.u32 s3, s0;
	s1 =	sshll.u32 s1, $0x11  }
0xc0: {  	s0 =	sor.u32 s1, s0  }
0xc1: {  	s0 =	sadd.s32 $0x8F2B, s0  }
0xc2: {  	[sflag:s0] =	ssyncadd.remote.s32 $0x1  }
0xc3: {  	_ =	sfence.sel $0xFFFF  }
0xc4: {  	[dreg:$0x0] =	wrdreg $0xFFFFFFFF;
	(pc) =	sbr.abs _section_cstart, $3  }
0xc5: {  	[dreg:$0x1] =	wrdreg $0xFFFFFFFF  }
0xc6: {  	_ =	task.clear_ibuf [dreg:s10], $0x2FFFF;
	_ =	strace $0x9FFFFFFF  }
0xc7: {  	(tm) =	ssettm $0x7FFFFFFF  }
tec
execute0_lowered:
.L_overlay_start_1:
0x0: {  	(tag) =	ssettag $0x1  }
0x1: {  	s1 =	rddreg [dreg:$0x0]  }
0x2: {  	s2 =	rddreg [dreg:$0x1]  }
0x3: {  	s6 =	rddreg [dreg:$0x3]  }
0x4: {  	s0 =	srdreg.scid;
	s3 =	stileid.u32  }
0x5: {  	s5 =	simm.s32 $0x0;
	s0 =	sand.u32 $0x1, s0;
	s3 =	sshll.u32 s3, $0x8  }
0x6: {  	[smem:$0x7FF] =	sst s5;
	s23 =	sadd.s32 $0x20, s6;
	s25 =	sadd.s32 $0x40, s6  }
0x7: {  	s4 =	sshll.u32 s0, $0x7;
	_ =	strace $0x80000047;
	[dreg:$0x10] =	wrdreg s23  }
0x8: {  	s29 =	sadd.s32 $0x60, s6;
	[dreg:$0x12] =	wrdreg s25;
	s3 =	sor.u32 s4, s3  }
0x9: {  	[dreg:$0x14] =	wrdreg s29;
	s21 =	sshrl.u32 s3, $0x3  }
0xa: {  	s7 =	sshll.u32 s3, $0x9;
	[dreg:$0xe] =	wrdreg s21  }
0xb: {  	s28 =	simm.s32 $0x18000;
	s14 =	sadd.s32 s2, s7;
	[dreg:$0x5] =	wrdreg s7  }
0xc: {  	s30 =	simm.s32 $0x1;
	s16 =	sadd.s32 s1, s7;
	[dreg:$0x6] =	wrdreg s14  }
0xd: {  	s8 =	simm.s32 $0x3;
	s22 =	sor.u32 $0x1000, s7;
	[dreg:$0x7] =	wrdreg s16  }
0xe: {  	s0 =	ssub.s32 $0x2, s0;
	s24 =	sor.u32 $0x1020, s7;
	[dreg:$0xf] =	wrdreg s22  }
0xf: {  	s13 =	sshrl.u32 s0, $0x1;
	s26 =	sor.u32 $0x1040, s7;
	[dreg:$0x11] =	wrdreg s24  }
0x10: {  	s0 =	ssub.s32 s0, s13;
	s31 =	sor.u32 $0x1060, s7;
	[dreg:$0x13] =	wrdreg s26  }
0x11: {  	s15 =	sor.u32 $0x20, s7;
	s0 =	smax.u32 s0, $0x1;
	[dreg:$0x15] =	wrdreg s31  }
0x12: {  	s10 =	simm.s32 $0x4;
	s17 =	sadd.s32 s2, s15;
	[dreg:$0x16] =	wrdreg s0  }
0x13: {  	s18 =	sor.u32 $0x40, s7;
	s4 =	sadd.s32 s1, s15;
	[dreg:$0x8] =	wrdreg s17  }
.Ltmp0:
0x14: {  	s19 =	sadd.s32 s2, s18;
	[dreg:$0x9] =	wrdreg s4;
	(pc) =	sbr.rel .LBB2_1-.Ltmp0, $4  }
0x15: {  	v0 =	vlaneseq.u32;
	s20 =	sor.u32 $0x60, s7;
	s5 =	sadd.s32 s1, s18;
	[dreg:$0xa] =	wrdreg s19  }
0x16: {  	v1 =	vmul.u32 $0xFFFFFFFF, v0;
	s25 =	simm.s32 $0x100;
	s2 =	sadd.s32 s2, s20;
	[dreg:$0xb] =	wrdreg s5  }
0x17: {  	s3 =	simm.s32 $0x0;
	s1 =	sadd.s32 s1, s20;
	[dreg:$0xc] =	wrdreg s2  }
0x18: {  	v2 =	vimm.f32 $0.0e+00;
	v1 =	vadd.s32 $0xF, v1;
	s26 =	simm.s32 $0x400;
	s0 =	simm.s32 $0x2;
	[dreg:$0xd] =	wrdreg s1  }
.LBB2_28:
0x19: {  	s1 =	simm.s32 $0x5  }
0x1a: {  	_ =	swait.ge [sflag:s1], $0x2000  }
0x1b: {  	[sflag:s1] =	ssyncset.done $0x0  }
0x1c: {  	s24 =	simm.s32 $0x6;
	[sflag:s1] =	ssyncadd.s32 $0xFFFFE000  }
0x1d: {  	_ =	swait.ge [sflag:s24], $0x2000  }
0x1e: {  	[sflag:s24] =	ssyncset.done $0x0  }
0x1f: {  	s29 =	simm.s32 $0x7;
	[sflag:s24] =	ssyncadd.s32 $0xFFFFE000  }
0x20: {  	_ =	swait.ge [sflag:s29], $0x2000  }
0x21: {  	[sflag:s29] =	ssyncset.done $0x0  }
0x22: {  	s2 =	simm.s32 $0x8;
	[sflag:s29] =	ssyncadd.s32 $0xFFFFE000  }
0x23: {  	_ =	swait.ge [sflag:s2], $0x2000  }
0x24: {  	s3 =	rddreg [dreg:$0x17]  }
0x25: {  	s31 =	rddreg [dreg:$0x16];
	s3 =	sadd.s32 $0x1, s3  }
0x26: {  	p0 =	sne.s32 s3, s31  }
.Ltmp1:
0x27: {  	_ = 	snop;
	(pc) =	sbr.rel @!p0 .LBB2_29-.Ltmp1, $3  }
0x28: {  	_ =	sdelay $0x1  }
0x29: {  	[sflag:s2] =	ssyncset.done $0x0  }
0x2a: {  	[sflag:s2] =	ssyncadd.s32 $0xFFFFE000  }
.LBB2_1:
0x2b: {  	[dreg:$0x17] =	wrdreg s3  }
0x2c: {  	s2 =	simm.s32 $0x0;
	s1 =	rddreg [dreg:$0x6]  }
0x2d: {  	[tilespmem:s2], [sflag:$0x1] =	stream.strided.gather [hbm4b:s1+s25], $0x2000, s26, s25, $0x38;
	[tilespmem:$0x19000] =	vst v63  }
0x2e: {  	s9 =	rddreg [dreg:$0x7];
	s11 =	simm.s32 $0x8000  }
0x2f: {  	[tilespmem:s11], [sflag:$0x1] =	stream.strided.gather [hbm4b:s9+s25], $0x2000, s26, s25, $0x38;
	[tilespmem:$0x19000] =	vst v63  }
0x30: {  	s12 =	rddreg [dreg:$0x8];
	s13 =	simm.s32 $0x2000  }
0x31: {  	[tilespmem:s13], [sflag:$0x2] =	stream.strided.gather [hbm4b:s12+s25], $0x2000, s26, s25, $0x38;
	[tilespmem:$0x19000] =	vst v63  }
0x32: {  	s14 =	rddreg [dreg:$0x9];
	s15 =	simm.s32 $0xA000  }
0x33: {  	[tilespmem:s15], [sflag:$0x2] =	stream.strided.gather [hbm4b:s14+s25], $0x2000, s26, s25, $0x38;
	[tilespmem:$0x19000] =	vst v63  }
0x34: {  	s16 =	rddreg [dreg:$0xa];
	s17 =	simm.s32 $0x4000  }
0x35: {  	[tilespmem:s17], [sflag:$0x3] =	stream.strided.gather [hbm4b:s16+s25], $0x2000, s26, s25, $0x38;
	[tilespmem:$0x19000] =	vst v63  }
0x36: {  	s18 =	rddreg [dreg:$0xb];
	s19 =	simm.s32 $0xC000  }
0x37: {  	[tilespmem:s19], [sflag:$0x3] =	stream.strided.gather [hbm4b:s18+s25], $0x2000, s26, s25, $0x38;
	[tilespmem:$0x19000] =	vst v63  }
0x38: {  	s20 =	rddreg [dreg:$0xc];
	s21 =	simm.s32 $0x6000  }
0x39: {  	[tilespmem:s21], [sflag:$0x4] =	stream.strided.gather [hbm4b:s20+s25], $0x2000, s26, s25, $0x38;
	[tilespmem:$0x19000] =	vst v63  }
0x3a: {  	s22 =	rddreg [dreg:$0xd];
	s23 =	simm.s32 $0xE000  }
0x3b: {  	[tilespmem:s23], [sflag:$0x4] =	stream.strided.gather [hbm4b:s22+s25], $0x2000, s26, s25, $0x38;
	[tilespmem:$0x19000] =	vst v63  }
0x3c: {  	s24 =	rddreg [dreg:$0x2];
	s31 =	simm.s32 $0x9  }
0x3d: {  	[tilespmem:s28], [sflag:$0x9] =	stream.linear.gather [hbm4b:s24+s2], $0x1000, $0x38;
	[tilespmem:$0x19000] =	vst v63  }
0x3e: {  	_ =	swait.ge [sflag:s31], $0x1000  }
0x3f: {  	[sflag:s31] =	ssyncset.done $0x0  }
0x40: {  	s29 =	simm.s32 $0x0;
	[sflag:s31] =	ssyncadd.s32 $0xFFFFF000  }
.LBB2_2:
0x41: {  	_ =	swait.ge [sflag:s30], $0x2000  }
0x42: {  	[sflag:s30] =	ssyncset.done $0x0  }
0x43: {  	[sflag:s30] =	ssyncadd.s32 $0xFFFFE000  }
0x44: {  	_ =	swait.ge [sflag:s30], $0x2000  }
0x45: {  	p0 =	seq.s32 s29, $0x0;
	[sflag:s30] =	ssyncset.done $0x0  }
0x46: {  	s3 =	simm.s32 @!p0 $0x5;
	[sflag:s30] =	ssyncadd.s32 $0xFFFFE000  }
0x47: {  	_ =	swait.ge @!p0 [sflag:s3], $0x2000  }
0x48: {  	[sflag:s3] =	ssyncset.done @!p0 $0x0  }
0x49: {  	s4 =	simm.s32 $0x100;
	[sflag:s3] =	ssyncadd.s32 @!p0 $0xFFFFE000  }
0x4a: {  	v6 =	vld [tilespmem:s4+$0xFFFFFF00]  }
0x4b: {  	v9 =	vld [tilespmem:s4+$0xFFFFFF40]  }
0x4c: {  	v7 =	vimm.f32 $-Inf;
	s13 =	simm.s32 $0xE0;
	s5 =	simm.s32 $0xD0;
	v11 =	vld [tilespmem:s4+$0xFFFFFF10]  }
0x4d: {  	v10 =	vimm.s32 $0x0;
	s14 =	simm.s32 $0xF0;
	s15 =	simm.s32 $0x30;
	s6 =	simm.s32 $0x70;
	v3 =	vor.u32 s13, v0;
	v5 =	vor.u32 s5, v0;
	v16 =	vld [tilespmem:s4+$0xFFFFFF30]  }
0x4e: {  	s16 =	simm.s32 $0x20;
	s17 =	simm.s32 $0x0;
	s18 =	simm.s32 $0x60;
	v12 =	vor.u32 s15, v0;
	v13 =	vor.u32 s6, v0;
	v4 =	vor.u32 s14, v0  }
0x4f: {  	s19 =	simm.s32 $0x90;
	s20 =	simm.s32 $0x10;
	v15 =	vor.u32 s16, v0;
	v17 =	vor.u32 s17, v0;
	v19 =	vor.u32 s18, v0;
	v8 =	vld [tilespmem:s4+$0x0]  }
0x50: {  	v20 =	vor.u32 s19, v0;
	v21 =	vor.u32 s20, v0;
	v18 =	vld [tilespmem:s4+$0xFFFFFF20];
	vm0 =	vgt.f32 v6, v7  }
0x51: {  	s23 =	simm.s32 $0x40;
	v26 =	vld [tilespmem:s4+$0xFFFFFF60];
	v14 =	vmax.f32 v7, v6;
	vm2 =	vgt.f32 v11, v7;
	v25 =	vmax.f32 v7, v11  }
0x52: {  	s22 =	simm.s32 $0x80;
	v27 =	vld [tilespmem:s4+$0xFFFFFF70];
	v11 =	vor.u32 s23, v0;
	vm3 =	vgt.f32 v16, v7;
	vm1 =	vgt.f32 v9, v14  }
0x53: {  	v6 =	vld [tilespmem:s4+$0x40];
	v9 =	vmax.f32 v14, v9;
	v14 =	vor.u32 s22, v0;
	v21 =	vsel vm2, v21, v10  }
0x54: {  	v22 =	vld [tilespmem:s4+$0xFFFFFF50];
	v12 =	vsel vm3, v12, v10;
	vm2 =	vgt.f32 v8, v9;
	v8 =	vmax.f32 v9, v8  }
0x55: {  	v9 =	vsel vm0, v17, v10;
	vm0 =	vgt.f32 v18, v7;
	v17 =	vld [tilespmem:s4+$0x30];
	v18 =	vmax.f32 v7, v18  }
0x56: {  	v7 =	vmax.f32 v7, v16;
	v16 =	vld [tilespmem:s4+$0x10];
	v11 =	vsel vm1, v11, v9;
	v10 =	vsel vm0, v15, v10  }
0x57: {  	s31 =	simm.s32 $0xC0;
	vm0 =	vgt.f32 v26, v18;
	v15 =	vmax.f32 v7, v27;
	v14 =	vsel vm2, v14, v11  }
0x58: {  	s9 =	simm.s32 $0x50;
	v28 =	vld [tilespmem:s4+$0x20];
	vm2 =	vgt.f32 v27, v7;
	v7 =	vor.u32 s31, v0;
	vm3 =	vgt.f32 v6, v8  }
0x59: {  	v23 =	vor.u32 s9, v0;
	v29 =	vld [tilespmem:s4+$0x60];
	v10 =	vsel vm0, v19, v10;
	v7 =	vsel vm3, v7, v14  }
0x5a: {  	v11 =	vld [tilespmem:s4+$0x50];
	vm0 =	vgt.f32 v17, v15;
	v14 =	vmax.f32 v15, v17;
	v15 =	vmax.f32 v25, v22  }
0x5b: {  	s21 =	simm.s32 $0xA0;
	v13 =	vsel vm2, v13, v12;
	vm2 =	vgt.f32 v16, v15;
	v16 =	vmax.f32 v15, v16;
	v15 =	vld [tilespmem:s4+$0x70]  }
0x5c: {  	s24 =	simm.s32 $0xB0;
	v24 =	vor.u32 s21, v0;
	vm1 =	vgt.f32 v22, v25;
	v18 =	vmax.f32 v18, v26  }
0x5d: {  	v9 =	vor.u32 s24, v0;
	vm4 =	vgt.f32 v28, v18;
	v18 =	vmax.f32 v18, v28  }
0x5e: {  	s12 =	sshll.u32 s29, $0xC;
	s1 =	rddreg [dreg:$0xe];
	v19 =	vsel vm1, v23, v21;
	v12 =	vsel vm4, v24, v10;
	vm1 =	vgt.f32 v29, v18  }
0x5f: {  	s13 =	sadd.s32 s1, s29;
	s3 =	simm.s32 $0x0;
	v10 =	vmax.f32 v18, v29;
	s4 =	simm.s32 $0x300;
	v17 =	vsel vm2, v20, v19;
	vm2 =	vgt.f32 v11, v16  }
.LBB2_3:
0x60: {  	v18 =	vld [tilespmem:s4+$0xFFFFFF00];
	s3 =	sadd.s32 $0x4, s3;
	v17 =	vsel vm2, v5, v17;
	vm2 =	vgt.f32 v15, v14;
	v14 =	vmax.f32 v14, v15;
	s14 =	sadd.s32 $0x100, s14  }
0x61: {  	v5 =	vsel vm0, v9, v13;
	v9 =	vmax.f32 v16, v11;
	v11 =	vsel vm1, v3, v12;
	v15 =	vld [tilespmem:s4+$0x40];
	s5 =	sadd.s32 $0xFFFFFFF0, s14;
	p1 =	slt.u32 s3, $0x3C  }
0x62: {  	v6 =	vmax.f32 v8, v6;
	s6 =	sadd.s32 $0xFFFFFFE0, s14;
	v13 =	vsel vm2, v4, v5;
	v12 =	vld [tilespmem:s4+$0x0];
	v3 =	vor.u32 s5, v0  }
0x63: {  	s9 =	sadd.s32 $0xFFFFFF80, s14;
	s5 =	sadd.s32 $0xFFFFFF40, s14;
	v5 =	vor.u32 s6, v0;
	v8 =	vld [tilespmem:s4+$0xFFFFFF40]  }
0x64: {  	v4 =	vor.u32 s14, v0;
	s6 =	sadd.s32 $0xFFFFFF30, s14;
	v20 =	vor.u32 s9, v0;
	v19 =	vor.u32 s5, v0;
	v16 =	vld [tilespmem:s4+$0xFFFFFF10]  }
0x65: {  	s9 =	sadd.s32 $0xFFFFFFA0, s14;
	s5 =	sadd.s32 $0xFFFFFF10, s14;
	v21 =	vor.u32 s6, v0;
	s6 =	sadd.s32 $0xFFFFFF70, s14;
	vm0 =	vgt.f32 v18, v6;
	v18 =	vmax.f32 v6, v18;
	v22 =	vld [tilespmem:s4+$0xFFFFFF30]  }
0x66: {  	s11 =	sadd.s32 $0xFFFFFF60, s14;
	v26 =	vor.u32 s9, v0;
	v23 =	vor.u32 s5, v0;
	s5 =	sadd.s32 $0xFFFFFF20, s14;
	v25 =	vor.u32 s6, v0;
	s6 =	sadd.s32 $0xFFFFFFB0, s14;
	v24 =	vld [tilespmem:s4+$0xFFFFFF20];
	v6 =	vmovc v15  }
0x67: {  	v28 =	vor.u32 s11, v0;
	v29 =	vor.u32 s6, v0;
	v15 =	vor.u32 s5, v0;
	s5 =	sadd.s32 $0xFFFFFF90, s14;
	v27 =	vld [tilespmem:s4+$0xFFFFFF50]  }
0x68: {  	s6 =	sadd.s32 $0xFFFFFF50, s14;
	vm1 =	vgt.f32 v8, v18;
	v8 =	vmax.f32 v18, v8;
	v18 =	vor.u32 s5, v0  }
0x69: {  	vm2 =	vgt.f32 v16, v9;
	v16 =	vmax.f32 v9, v16;
	v9 =	vor.u32 s6, v0;
	v30 =	vld [tilespmem:s4+$0xFFFFFF60]  }
0x6a: {  	v17 =	vsel vm2, v15, v17;
	v15 =	vld [tilespmem:s4+$0xFFFFFF70];
	vm2 =	vgt.f32 v12, v8;
	v8 =	vmax.f32 v8, v12  }
0x6b: {  	v7 =	vsel vm0, v23, v7;
	s5 =	sadd.s32 $0xFFFFFFC0, s14;
	vm3 =	vgt.f32 v22, v14;
	vm0 =	vgt.f32 v24, v10;
	v12 =	vld [tilespmem:s4+$0x30]  }
0x6c: {  	v7 =	vsel vm1, v9, v7;
	v9 =	vor.u32 s5, v0;
	vm1 =	vgt.f32 v27, v16;
	v23 =	vld [tilespmem:s4+$0x20]  }
0x6d: {  	v14 =	vmax.f32 v14, v22;
	v10 =	vmax.f32 v10, v24;
	v13 =	vsel vm3, v19, v13  }
0x6e: {  	v7 =	vsel vm2, v18, v7;
	v11 =	vsel vm0, v21, v11;
	vm0 =	vgt.f32 v30, v10;
	v18 =	vld [tilespmem:s4+$0x60]  }
0x6f: {  	s5 =	sadd.s32 $0xFFFFFFD0, s14;
	v19 =	vsel vm0, v25, v11;
	vm2 =	vgt.f32 v15, v14;
	v14 =	vmax.f32 v14, v15;
	v21 =	vld [tilespmem:s4+$0x10]  }
0x70: {  	vm3 =	vgt.f32 v6, v8;
	v10 =	vmax.f32 v10, v30;
	v15 =	vor.u32 s5, v0;
	v11 =	vld [tilespmem:s4+$0x50]  }
.Ltmp2:
0x71: {  	vm0 =	vgt.f32 v12, v14;
	v7 =	vsel vm3, v15, v7;
	vm4 =	vgt.f32 v23, v10;
	v15 =	vld [tilespmem:s4+$0x70];
	(pc) =	sbr.rel @p1 .LBB2_3-.Ltmp2, $4  }
0x72: {  	v17 =	vsel vm1, v28, v17;
	v14 =	vmax.f32 v14, v12;
	v10 =	vmax.f32 v10, v23  }
0x73: {  	v16 =	vmax.f32 v16, v27;
	v13 =	vsel vm2, v20, v13;
	v12 =	vsel vm4, v29, v19  }
0x74: {  	vm1 =	vgt.f32 v18, v10;
	vm2 =	vgt.f32 v21, v16;
	v16 =	vmax.f32 v16, v21  }
0x75: {  	s4 =	sadd.s32 $0x200, s4;
	v10 =	vmax.f32 v10, v18;
	v17 =	vsel vm2, v26, v17;
	vm2 =	vgt.f32 v11, v16  }
0x76: {  	v18 =	vmax.f32 v14, v15;
	v11 =	vmax.f32 v16, v11;
	v6 =	vmax.f32 v8, v6  }
0x77: {  	v8 =	vmax.f32 v6, v11;
	v16 =	vmax.f32 v10, v18  }
0x78: {  	v8 =	vmax.f32 v8, v16  }
0x79: {  	(xrf0) =	vmax.scan.msk.f32 $0xffff, v8;
	_ =	sdelay $0x5  }
0x7a: {  	v8, _, _ =	vpop (xrf0)  }
0x7b: {  	v8 =	vperm.xlane v8, v1;
	_ =	sdelay $0x1  }
0x7c: {  	(xrf0) =	vmax.scan.msk.f32 $0xffff, v8;
	_ =	sdelay $0x4  }
0x7d: {  	v5 =	vsel vm2, v5, v17  }
0x7e: {  	vm2 =	vgt.f32 v15, v14;
	v9 =	vsel vm0, v9, v13;
	v3 =	vsel vm1, v3, v12;
	v8, _, _ =	vpop (xrf0)  }
0x7f: {  	v4 =	vsel vm2, v4, v9;
	vm0 =	veq.f32 v6, v8;
	vm1 =	veq.f32 v10, v8  }
0x80: {  	vm2 =	veq.f32 v18, v8;
	v6 =	vnsel vm0, $0x1000, v7;
	vm0 =	veq.f32 v11, v8  }
0x81: {  	v3 =	vnsel vm1, $0x1000, v3;
	v4 =	vnsel vm2, $0x1000, v4;
	v5 =	vnsel vm0, $0x1000, v5  }
0x82: {  	vm1 =	vlt.s32 v3, v4;
	vm0 =	vlt.s32 v6, v5  }
0x83: {  	v3 =	vsel vm1, v3, v4;
	v5 =	vsel vm0, v6, v5  }
0x84: {  	vm0 =	vlt.s32 v5, v3  }
0x85: {  	v3 =	vsel vm0, v5, v3  }
0x86: {  	v3 =	vsub.s32 $0x80000000, v3  }
0x87: {  	(xrf0) =	vmax.scan.msk.u32 $0xffff, v3;
	_ =	sdelay $0x4  }
0x88: {  	s14 =	simm.s32 $0xF0  }
0x89: {  	s9 =	simm.s32 $0xB0;
	v9 =	vld [tilespmem:s14+$0xFFFFFFA0];
	v3, _, _ =	vpop (xrf0)  }
0x8a: {  	v15 =	vimm.s32 $0x0;
	s16 =	simm.s32 $0x60;
	s17 =	simm.s32 $0x10;
	v14 =	vor.u32 s9, v0;
	v17 =	vld [tilespmem:s14+$0xFFFFFFB0];
	v3 =	vxor.u32 $0x80000000, v3  }
0x8b: {  	s18 =	simm.s32 $0x90;
	s19 =	simm.s32 $0xA0;
	s20 =	simm.s32 $0x80;
	v19 =	vor.u32 s16, v0;
	v21 =	vor.u32 s17, v0;
	v6 =	vld [tilespmem:s14+$0xFFFFFF90];
	v3 =	vperm.xlane v3, v1  }
0x8c: {  	s22 =	simm.s32 $0x50;
	v12 =	vld [tilespmem:s14+$0xFFFFFFD0];
	v23 =	vor.u32 s18, v0;
	v24 =	vor.u32 s19, v0;
	v26 =	vor.u32 s20, v0  }
0x8d: {  	s6 =	simm.s32 $0x70;
	s11 =	simm.s32 $0x30;
	v28 =	vor.u32 s22, v0;
	v30 =	vor.u32 s14, v0;
	v3 =	vxor.u32 $0x80000000, v3  }
0x8e: {  	s5 =	simm.s32 $0x0;
	s7 =	simm.s32 $0x20;
	v13 =	vld [tilespmem:s14+$0xFFFFFFC0];
	v10 =	vor.u32 s6, v0;
	v18 =	vor.u32 s11, v0;
	v7 =	vimm.f32 $-Inf;
	(xrf0) =	vmax.scan.msk.u32 $0xffff, v3  }
0x8f: {  	v8 =	vor.u32 s5, v0;
	v11 =	vor.u32 s7, v0;
	v25 =	vmax.f32 v7, v9  }
0x90: {  	s15 =	simm.s32 $0x40;
	v20 =	vld [tilespmem:s14+$0x0];
	vm2 =	vgt.f32 v17, v7;
	vm0 =	vgt.f32 v6, v7;
	v16 =	vmax.f32 v7, v6  }
0x91: {  	s4 =	simm.s32 $0xD0;
	v32 =	vld [tilespmem:s14+$0x90];
	v6 =	vor.u32 s15, v0;
	v8 =	vsel vm0, v8, v15;
	vm0 =	vgt.f32 v12, v16  }
0x92: {  	v17 =	vmax.f32 v7, v17;
	v4 =	vor.u32 s4, v0;
	v22 =	vsel vm0, v6, v8;
	v8 =	vld [tilespmem:s14+$0xFFFFFFF0]  }
0x93: {  	s31 =	simm.s32 $0xE0;
	v27 =	vld [tilespmem:s14+$0xC0];
	vm1 =	vgt.f32 v9, v7;
	v11 =	vsel vm2, v11, v15;
	vm0 =	vgt.f32 v13, v7  }
0x94: {  	s3 =	simm.s32 $0xC0;
	s23 =	simm.s32 $0x1E0;
	v9 =	vor.u32 s31, v0;
	v7 =	vmax.f32 v7, v13;
	v13 =	vsel vm0, v18, v15;
	v18 =	vld [tilespmem:s14+$0xFFFFFFE0];
	v3, _, _ =	vpop (xrf0)  }
0x95: {  	s21 =	simm.s32 $0x1C0;
	v29 =	vld [tilespmem:s14+$0xB0];
	s24 =	sor.u32 $0x70, s23;
	v5 =	vor.u32 s3, v0;
	v12 =	vmax.f32 v16, v12;
	v3 =	vxor.u32 $0x7FFFFFFF, v3  }
0x96: {  	v31 =	vld [tilespmem:s24+$0x0];
	s3 =	sor.u32 $0x60, s21;
	v16 =	vmax.f32 v12, v32;
	vm2 =	vgt.f32 v20, v7;
	v3 =	vadd.s32 $0x1, v3  }
0x97: {  	v6 =	vld [tilespmem:s3+$0x0];
	v7 =	vmax.f32 v7, v20;
	v15 =	vsel vm1, v21, v15;
	vm0 =	vgt.f32 v8, v17  }
0x98: {  	v8 =	vmax.f32 v17, v8;
	v17 =	vsel vm2, v10, v13;
	vm2 =	vgt.f32 v27, v7;
	v13 =	vld [tilespmem:s14+$0xA0]  }
0x99: {  	v7 =	vmax.f32 v7, v27;
	v17 =	vsel vm2, v14, v17;
	v14 =	vld [tilespmem:s14+$0xD0];
	vm1 =	vgt.f32 v18, v25  }
0x9a: {  	v10 =	vsel vm0, v19, v11;
	v15 =	vsel vm1, v28, v15;
	vm1 =	vgt.f32 v32, v12;
	v12 =	vld [tilespmem:s14+$0xE0]  }
0x9b: {  	vm0 =	vgt.f32 v29, v8;
	v11 =	vmax.f32 v8, v29;
	vm2 =	vgt.f32 v31, v7;
	v3 =	vld.idx.msk [tilespmem:v3+s28+$0x0], $0xffff  }
0x9c: {  	v8 =	vmax.f32 v7, v31;
	v7 =	vsel vm2, v30, v17;
	v17 =	vmax.f32 v25, v18  }
0x9d: {  	v10 =	vsel vm0, v24, v10;
	vm0 =	vgt.f32 v6, v11;
	vm2 =	vgt.f32 v13, v17  }
0x9e: {  	s5 =	simm.s32 $0x3C0;
	s4 =	simm.s32 $0x2F0;
	s3 =	simm.s32 $0x0;
	v18 =	vsel vm1, v26, v22;
	v15 =	vsel vm2, v23, v15;
	vm1 =	vgt.f32 v14, v16  }
.LBB2_5:
0x9f: {  	v19 =	vld [tilespmem:s4+$0xFFFFFF90];
	s6 =	sadd.s32 $0x20, s5;
	s3 =	sadd.s32 $0x4, s3;
	v13 =	vmax.f32 v17, v13;
	v17 =	vsel vm1, v5, v18;
	v14 =	vmax.f32 v16, v14;
	s14 =	sadd.s32 $0x100, s14  }
0xa0: {  	v9 =	vsel vm0, v9, v10;
	v18 =	vld [tilespmem:s4+$0x90];
	s6 =	sor.u32 $0x70, s6;
	p1 =	slt.u32 s3, $0x3C;
	vm1 =	vgt.f32 v12, v13;
	v12 =	vmax.f32 v13, v12  }
0xa1: {  	v10 =	vmax.f32 v11, v6;
	s9 =	sadd.s32 $0xFFFFFFD0, s14;
	s11 =	sadd.s32 $0xFFFFFFE0, s14;
	v16 =	vld [tilespmem:s4+$0xFFFFFFD0];
	v15 =	vsel vm1, v4, v15  }
0xa2: {  	s15 =	sadd.s32 $0xFFFFFF10, s14;
	s16 =	sadd.s32 $0xFFFFFF80, s14;
	s23 =	sadd.s32 $0xFFFFFFC0, s14;
	v5 =	vor.u32 s9, v0;
	v4 =	vor.u32 s11, v0;
	v11 =	vld [tilespmem:s4+$0x0]  }
0xa3: {  	v6 =	vor.u32 s15, v0;
	s9 =	sadd.s32 $0xFFFFFF30, s14;
	v20 =	vor.u32 s16, v0;
	v21 =	vor.u32 s23, v0;
	v13 =	vld [tilespmem:s4+$0xFFFFFFA0]  }
0xa4: {  	s11 =	sadd.s32 $0xFFFFFF50, s14;
	s15 =	sadd.s32 $0xFFFFFF70, s14;
	vm0 =	vgt.f32 v19, v14;
	v19 =	vmax.f32 v14, v19;
	v14 =	vor.u32 s9, v0;
	s9 =	sadd.s32 $0xFFFFFF40, s14;
	v22 =	vld [tilespmem:s4+$0xFFFFFFC0]  }
0xa5: {  	s16 =	sadd.s32 $0xFFFFFF20, s14;
	v25 =	vor.u32 s11, v0;
	v26 =	vor.u32 s15, v0;
	v23 =	vld [tilespmem:s4+$0xFFFFFFB0];
	v24 =	vor.u32 s9, v0;
	s9 =	sor.u32 $0x60, s5  }
0xa6: {  	v27 =	vor.u32 s16, v0;
	s11 =	sadd.s32 $0xFFFFFFA0, s14;
	s15 =	sadd.s32 $0xFFFFFFB0, s14;
	v17 =	vsel vm0, v6, v17;
	vm0 =	vgt.f32 v16, v19;
	v6 =	vld [tilespmem:s9+$0x0]  }
0xa7: {  	v28 =	vor.u32 s11, v0;
	v29 =	vor.u32 s15, v0;
	s9 =	sadd.s32 $0xFFFFFF90, s14;
	v25 =	vsel vm0, v25, v17;
	v17 =	vld [tilespmem:s4+$0xFFFFFFF0]  }
0xa8: {  	s11 =	sadd.s32 $0xFFFFFF60, s14;
	v31 =	vor.u32 s9, v0;
	vm1 =	vgt.f32 v13, v12;
	v30 =	vmax.f32 v12, v13;
	v32 =	vld [tilespmem:s4+$0xC0]  }
0xa9: {  	v35 =	vor.u32 s14, v0;
	v33 =	vor.u32 s11, v0;
	vm0 =	vgt.f32 v22, v8;
	v34 =	vld [tilespmem:s4+$0xB0]  }
0xaa: {  	s9 =	sadd.s32 $0xFFFFFFF0, s14;
	v8 =	vmax.f32 v8, v22;
	vm2 =	vgt.f32 v23, v10;
	v10 =	vmax.f32 v10, v23  }
0xab: {  	v13 =	vsel vm2, v14, v9;
	vm2 =	vgt.f32 v11, v8;
	v9 =	vor.u32 s9, v0;
	v22 =	vld [tilespmem:s6+$0x0]  }
0xac: {  	v7 =	vsel vm0, v24, v7;
	v8 =	vmax.f32 v8, v11;
	vm0 =	vgt.f32 v17, v10;
	v12 =	vld [tilespmem:s4+$0xE0]  }
0xad: {  	v11 =	vmax.f32 v10, v17;
	v7 =	vsel vm2, v20, v7;
	v23 =	vld [tilespmem:s4+$0xFFFFFFE0];
	vm2 =	vgt.f32 v32, v8  }
0xae: {  	v10 =	vsel vm0, v26, v13;
	v8 =	vmax.f32 v8, v32;
	v13 =	vld [tilespmem:s4+$0xA0];
	vm0 =	vgt.f32 v34, v11  }
0xaf: {  	v11 =	vmax.f32 v11, v34;
	v7 =	vsel vm2, v21, v7;
	v10 =	vsel vm0, v29, v10;
	v14 =	vld [tilespmem:s4+$0xD0]  }
.Ltmp3:
0xb0: {  	vm0 =	vgt.f32 v6, v11;
	vm2 =	vgt.f32 v22, v8;
	v8 =	vmax.f32 v8, v22;
	(pc) =	sbr.rel @p1 .LBB2_5-.Ltmp3, $4  }
0xb1: {  	v19 =	vmax.f32 v19, v16;
	v15 =	vsel vm1, v27, v15;
	v7 =	vsel vm2, v35, v7  }
0xb2: {  	v16 =	vmax.f32 v19, v18;
	vm1 =	vgt.f32 v23, v30;
	v17 =	vmax.f32 v30, v23  }
0xb3: {  	v15 =	vsel vm1, v33, v15;
	vm1 =	vgt.f32 v18, v19;
	vm2 =	vgt.f32 v13, v17  }
0xb4: {  	s5 =	sadd.s32 $0x200, s5;
	s4 =	sadd.s32 $0x200, s4;
	v18 =	vsel vm1, v31, v25;
	v15 =	vsel vm2, v28, v15;
	vm1 =	vgt.f32 v14, v16  }
0xb5: {  	v13 =	vmax.f32 v17, v13  }
0xb6: {  	v14 =	vmax.f32 v16, v14;
	v6 =	vmax.f32 v11, v6;
	v16 =	vmax.f32 v13, v12  }
0xb7: {  	v17 =	vmax.f32 v6, v8;
	v11 =	vmax.f32 v14, v16  }
0xb8: {  	v11 =	vmax.f32 v11, v17  }
0xb9: {  	(xrf0) =	vmax.scan.msk.f32 $0xffff, v11;
	_ =	sdelay $0x5  }
0xba: {  	v11, _, _ =	vpop (xrf0)  }
0xbb: {  	v11 =	vperm.xlane v11, v1;
	_ =	sdelay $0x1  }
0xbc: {  	(xrf0) =	vmax.scan.msk.f32 $0xffff, v11;
	_ =	sdelay $0x5  }
0xbd: {  	v5 =	vsel vm1, v5, v18;
	v9 =	vsel vm0, v9, v10;
	vm14 =	vgt.f32 v12, v13;
	v11, _, _ =	vpop (xrf0)  }
0xbe: {  	v4 =	vsel vm14, v4, v15;
	vm2 =	veq.f32 v14, v11;
	vm15 =	veq.f32 v16, v11  }
0xbf: {  	vm4 =	veq.f32 v6, v11;
	vm5 =	veq.f32 v8, v11;
	v5 =	vnsel vm2, $0x1000, v5  }
0xc0: {  	v4 =	vnsel vm15, $0x1000, v4;
	v6 =	vnsel vm4, $0x1000, v9;
	v7 =	vnsel vm5, $0x1000, v7  }
0xc1: {  	vm0 =	vlt.s32 v5, v4;
	vm1 =	vlt.s32 v6, v7  }
0xc2: {  	v4 =	vsel vm0, v5, v4;
	v5 =	vsel vm1, v6, v7  }
0xc3: {  	vm0 =	vlt.s32 v4, v5  }
0xc4: {  	v4 =	vsel vm0, v4, v5  }
0xc5: {  	v4 =	vsub.s32 $0x80000000, v4  }
0xc6: {  	(xrf0) =	vmax.scan.msk.u32 $0xffff, v4;
	_ =	sdelay $0x5  }
0xc7: {  	v4, _, _ =	vpop (xrf0)  }
0xc8: {  	v4 =	vxor.u32 $0x80000000, v4  }
0xc9: {  	v4 =	vperm.xlane v4, v1;
	_ =	sdelay $0x1  }
0xca: {  	v4 =	vxor.u32 $0x80000000, v4  }
0xcb: {  	(xrf0) =	vmax.scan.msk.u32 $0xffff, v4;
	_ =	sdelay $0x2  }
0xcc: {  	s3 =	simm.s32 $0x0  }
0xcd: {  	s4 =	sand.u32 $0x40, s3;
	s5 =	sand.u32 $0xF80, s3  }
0xce: {  	s5 =	sor.u32 $0x18000, s5;
	s6 =	sor.u32 $0x30, s4  }
0xcf: {  	s3 =	sand.u32 $0x1F00, s3;
	s11 =	sor.u32 $0x10, s4;
	s9 =	sor.u32 s6, s5;
	v4, _, _ =	vpop (xrf0)  }
0xd0: {  	s1 =	sor.u32 s11, s5;
	s11 =	sor.u32 s3, s11;
	v8 =	vld [tilespmem:s9+$0x0];
	v4 =	vxor.u32 $0x7FFFFFFF, v4  }
0xd1: {  	s14 =	sor.u32 $0x20, s4;
	s6 =	sor.u32 s3, s6;
	v10 =	vld [tilespmem:s11+$0x8000];
	v4 =	vadd.s32 $0x1, v4  }
0xd2: {  	s7 =	sor.u32 s3, s14;
	v6 =	vld [tilespmem:s6+$0x8000]  }
0xd3: {  	s5 =	sor.u32 s14, s5;
	v12 =	vld [tilespmem:s7+$0x8000]  }
0xd4: {  	p1 =	por $0x0, $0x0;
	s15 =	simm.s32 $0x1;
	s17 =	simm.s32 $0x40;
	v11 =	vld [tilespmem:s5+$0x0]  }
0xd5: {  	s24 =	simm.s32 $0x18000;
	s15 =	simm.s32 @!p1 $0x0;
	s16 =	sand.u32 $0x40, s17;
	v9 =	vld [tilespmem:s1+$0x0];
	vm6 =	veq.s32 v8, v3  }
0xd6: {  	s2 =	sshll.u32 s15, $0x6;
	s3 =	sor.u32 s4, s3;
	s4 =	sand.u32 $0xF80, s17;
	v7 =	vsel vm6, $0x147AE, v2;
	v4 =	vld.idx.msk [tilespmem:v4+s24+$0x0], $0xffff  }
0xd7: {  	s21 =	sor.u32 $0x10, s16;
	v13 =	vld [tilespmem:s3+$0x8000];
	s4 =	sor.u32 $0x18000, s4;
	s5 =	sadd.s32 $0x0, s2;
	v6 =	vadd.f32 v7, v6  }
0xd8: {  	s31 =	sor.u32 s21, s4;
	s18 =	sadd.s32 $0x30, s5;
	v5 =	vld [tilespmem:s24+$0x0]  }
0xd9: {  	s20 =	sor.u32 $0x30, s16;
	s14 =	simm.s32 $0x80;
	v16 =	vld [tilespmem:s31+$0x0];
	s23 =	sor.u32 $0x80, s18;
	[tilespmem:s6+$0x10000] =	vst v6  }
0xda: {  	s17 =	sand.u32 $0x1F00, s14;
	vm7 =	veq.s32 v9, v3;
	s24 =	sor.u32 s20, s4;
	v14 =	vld [tilespmem:s23+$0x8000]  }
0xdb: {  	s9 =	sor.u32 s17, s20;
	vm9 =	veq.s32 v11, v3;
	v15 =	vsel vm7, $0x147AE, v2;
	vm8 =	veq.s32 v9, v4;
	v9 =	vld [tilespmem:s24+$0x0]  }
0xdc: {  	s19 =	simm.s32 $0x18040;
	v18 =	vld [tilespmem:s9+$0x8000];
	s18 =	sor.u32 $0x20, s16;
	v15 =	vadd.f32 v15, v10;
	v10 =	vsel vm9, $0x147AE, v2  }
0xdd: {  	p1 =	por !p1, !p1;
	v7 =	vld [tilespmem:s19+$0x0];
	v12 =	vadd.f32 v10, v12;
	vm10 =	veq.s32 v5, v3;
	s20 =	sor.u32 s18, s4  }
0xde: {  	s31 =	sor.u32 s17, s21;
	s22 =	sadd.s32 $0x20, s5;
	vm14 =	veq.s32 v16, v3;
	v17 =	vsel vm10, $0x147AE, v2;
	[tilespmem:s11+$0x10000] =	vst v15;
	s6 =	sor.u32 s17, s18;
	v10 =	vld [tilespmem:s20+$0x0];
	vm11 =	veq.s32 v8, v4  }
0xdf: {  	s15 =	sor.u32 $0x80, s5;
	s19 =	sadd.s32 $0x10, s5;
	s11 =	simm.s32 $0x1;
	[tilespmem:s7+$0x10000] =	vst v12;
	v12 =	vld [tilespmem:s6+$0x8000];
	vm12 =	veq.s32 v11, v4;
	v11 =	vadd.f32 v17, v13;
	v15 =	vsel vm11, $0x147AE, v2  }
0xe0: {  	s5 =	sor.u32 $0x80, s22;
	s11 =	simm.s32 @!p1 $0x0;
	s24 =	sor.u32 s16, s17;
	v13 =	vld [tilespmem:s31+$0x8000];
	vm15 =	veq.s32 v16, v4;
	v15 =	vadd.f32 v14, v15;
	vm13 =	veq.s32 v9, v3  }
0xe1: {  	s4 =	simm.s32 $0x4;
	s11 =	sshll.u32 s11, $0x6;
	v17 =	vsel vm14, $0x147AE, v2;
	v6 =	vsel vm8, $0x147AE, v2;
	[tilespmem:s3+$0x10000] =	vst v11;
	s3 =	sor.u32 $0x80, s19;
	v14 =	vld [tilespmem:s24+$0x8000];
	v16 =	vsel vm13, $0x147AE, v2  }
0xe2: {  	s11 =	sadd.s32 $0x80, s11;
	s16 =	simm.s32 $0x18080;
	v8 =	vsel vm12, $0x147AE, v2;
	v11 =	vsel vm15, $0x147AE, v2;
	[tilespmem:s23+$0x10000] =	vst v15;
	s23 =	simm.s32 $0x80;
	v15 =	vld [tilespmem:s3+$0x8000];
	v16 =	vadd.f32 v16, v18  }
.LBB2_7:
0xe3: {  	s17 =	sand.u32 $0x40, s23;
	s18 =	sadd.s32 $0x10, s11  }
0xe4: {  	vm0 =	veq.s32 v7, v3;
	vm1 =	veq.s32 v10, v3;
	vm2 =	veq.s32 v10, v4;
	s19 =	sadd.s32 $0x30, s11;
	v10 =	vld [tilespmem:s5+$0x8000];
	s20 =	sand.u32 $0xF80, s23;
	s4 =	sadd.s32 $0x4, s4  }
0xe5: {  	s14 =	sadd.s32 $0x80, s14;
	v13 =	vadd.f32 v17, v13;
	v17 =	vsel vm1, $0x147AE, v2;
	v18 =	vsel vm2, $0x147AE, v2;
	[tilespmem:s9+$0x10000] =	vst v16;
	s19 =	sor.u32 $0x80, s19;
	v16 =	vld [tilespmem:s15+$0x8000];
	s9 =	sor.u32 $0x18000, s20  }
0xe6: {  	s20 =	sor.u32 $0x30, s17;
	p2 =	slt.u32 s4, $0xFC;
	v19 =	vsel vm0, $0x147AE, v2;
	s21 =	sor.u32 $0x10, s17;
	v12 =	vadd.f32 v17, v12;
	v17 =	vld [tilespmem:s19+$0x8000]  }
0xe7: {  	s7 =	sand.u32 $0x1F00, s14;
	s1 =	sor.u32 $0x20, s17;
	s22 =	sor.u32 s20, s9;
	v20 =	vld [tilespmem:s16+$0x0];
	v14 =	vadd.f32 v19, v14;
	[tilespmem:s31+$0x10000] =	vst v13  }
0xe8: {  	vm0 =	veq.s32 v5, v4;
	v5 =	vmovc v7;
	s31 =	sor.u32 s21, s9;
	v19 =	vld [tilespmem:s22+$0x0];
	[tilespmem:s6+$0x10000] =	vst v12;
	v12 =	vadd.f32 v15, v6;
	v6 =	vmov v11;
	s6 =	sor.u32 s7, s1  }
0xe9: {  	vm1 =	veq.s32 v9, v4;
	v7 =	vsel vm0, $0x147AE, v2;
	v11 =	vld [tilespmem:s31+$0x0];
	s31 =	sor.u32 s7, s21;
	s21 =	sor.u32 s1, s9;
	s9 =	sor.u32 s7, s20;
	[tilespmem:s24+$0x10000] =	vst v14;
	v9 =	vadd.f32 v10, v8;
	v8 =	vmovc v18  }
0xea: {  	v13 =	vsel vm1, $0x147AE, v2;
	s24 =	sor.u32 s17, s7;
	s1 =	sadd.s32 $0x20, s11;
	s7 =	sor.u32 $0x80, s11;
	v15 =	vld [tilespmem:s9+$0x8000];
	v16 =	vadd.f32 v16, v7;
	[tilespmem:s3+$0x10000] =	vst v12  }
.Ltmp4:
0xeb: {  	s3 =	sor.u32 $0x80, s18;
	v10 =	vld [tilespmem:s21+$0x0];
	v14 =	vadd.f32 v17, v13;
	[tilespmem:s5+$0x10000] =	vst v9;
	s5 =	sor.u32 $0x80, s1;
	(pc) =	sbr.rel @p2 .LBB2_7-.Ltmp4, $4  }
0xec: {  	p1 =	por !p1, !p1;
	s1 =	simm.s32 $0x1;
	v13 =	vld [tilespmem:s31+$0x8000];
	[tilespmem:s15+$0x10000] =	vst v16;
	v7 =	vmov v20;
	s15 =	smov.u32 s7  }
0xed: {  	s1 =	simm.s32 @!p1 $0x0;
	v12 =	vld [tilespmem:s6+$0x8000];
	vm0 =	veq.s32 v19, v3;
	[tilespmem:s19+$0x10000] =	vst v14;
	v9 =	vmov v19  }
0xee: {  	s1 =	sshll.u32 s1, $0x6;
	v14 =	vld [tilespmem:s24+$0x8000];
	vm1 =	veq.s32 v11, v3;
	vm2 =	veq.s32 v11, v4;
	v16 =	vsel vm0, $0x147AE, v2  }
0xef: {  	s23 =	sadd.s32 $0x40, s23;
	s16 =	sadd.s32 $0x40, s16;
	s11 =	sadd.s32 s1, s14;
	v17 =	vsel vm1, $0x147AE, v2;
	v11 =	vsel vm2, $0x147AE, v2;
	v16 =	vadd.f32 v16, v15;
	v15 =	vld [tilespmem:s3+$0x8000]  }
0xf0: {  	vm0 =	veq.s32 v10, v3  }
0xf1: {  	vm1 =	veq.s32 v7, v3;
	s1 =	sadd.s32 $0x30, s11;
	v3 =	vld [tilespmem:s5+$0x8000];
	v13 =	vadd.f32 v17, v13;
	v17 =	vsel vm0, $0x147AE, v2  }
0xf2: {  	s4 =	sadd.s32 $0x10, s11;
	[tilespmem:s9+$0x10000] =	vst v16;
	s1 =	sor.u32 $0x80, s1;
	v16 =	vld [tilespmem:s15+$0x8000];
	v18 =	vsel vm1, $0x147AE, v2;
	v12 =	vadd.f32 v17, v12  }
0xf3: {  	s7 =	sadd.s32 $0x20, s11;
	s4 =	sor.u32 $0x80, s4;
	v17 =	vld [tilespmem:s1+$0x8000];
	v14 =	vadd.f32 v18, v14;
	[tilespmem:s31+$0x10000] =	vst v13  }
0xf4: {  	s22 =	sor.u32 $0x80, s7;
	[tilespmem:s6+$0x10000] =	vst v12;
	v12 =	vld [tilespmem:s4+$0x8000]  }
0xf5: {  	s23 =	sor.u32 $0x80, s11;
	vm0 =	veq.s32 v5, v4;
	v5 =	vadd.f32 v15, v6;
	[tilespmem:s24+$0x10000] =	vst v14;
	v6 =	vld [tilespmem:s22+$0x8000]  }
0xf6: {  	vm1 =	veq.s32 v9, v4;
	v9 =	vsel vm0, $0x147AE, v2;
	v3 =	vadd.f32 v3, v8;
	v8 =	vld [tilespmem:s23+$0x8000]  }
0xf7: {  	v13 =	vsel vm1, $0x147AE, v2;
	v9 =	vadd.f32 v16, v9;
	[tilespmem:s3+$0x10000] =	vst v5  }
0xf8: {  	vm0 =	veq.s32 v10, v4;
	v5 =	vadd.f32 v17, v13;
	[tilespmem:s5+$0x10000] =	vst v3  }
0xf9: {  	v3 =	vsel vm0, $0x147AE, v2;
	vm0 =	veq.s32 v7, v4;
	[tilespmem:s15+$0x10000] =	vst v9;
	v4 =	vadd.f32 v12, v11  }
0xfa: {  	[tilespmem:s1+$0x10000] =	vst v5;
	v5 =	vsel vm0, $0x147AE, v2;
	v3 =	vadd.f32 v6, v3  }
0xfb: {  	v5 =	vadd.f32 v8, v5;
	[tilespmem:s4+$0x10000] =	vst v4  }
0xfc: {  	s2 =	rddreg [dreg:$0x3];
	s24 =	sshll.u32 s13, $0xC;
	[tilespmem:s22+$0x10000] =	vst v3  }
0xfd: {  	p1 =	seq.s32 s29, $0xF;
	s31 =	simm.s32 $0x10000;
	s1 =	sadd.s32 s2, s24;
	[tilespmem:s23+$0x10000] =	vst v5  }
0xfe: {  	[hbm4b:s1+s25] =	stream.strided.scatter [tilespmem:s31], [sflag:$0x5], $0x2000, s26, s25, $0x38;
	[tilespmem:$0x19000] =	vst v63  }
0xff: {  	s6 =	simm.s32 @!p1 $0x0;
	s1 =	rddreg [dreg:$0xf]  }
0x100: {  	s5 =	simm.s32 @!p1 $0x400;
	s2 =	rddreg [dreg:$0x1];
	s1 =	sadd.s32 @!p1 s12, s1  }
0x101: {  	s4 =	simm.s32 @!p1 $0x100;
	s3 =	sadd.s32 @!p1 s2, s1;
	s2 =	rddreg [dreg:$0x0]  }
0x102: {  	[tilespmem:s6], [sflag:$0x1] =	stream.strided.gather @!p1 [hbm4b:s3+s4], $0x2000, s5, s4, $0x38;
	[tilespmem:$0x19000] =	vst v63  }
0x103: {  	s1 =	sadd.s32 @!p1 s2, s1;
	s3 =	simm.s32 @!p1 $0x8000  }
0x104: {  	[tilespmem:s3], [sflag:$0x1] =	stream.strided.gather @!p1 [hbm4b:s1+s4], $0x2000, s5, s4, $0x38;
	[tilespmem:$0x19000] =	vst v63  }
0x105: {  	_ =	swait.ge [sflag:s0], $0x2000  }
0x106: {  	[sflag:s0] =	ssyncset.done $0x0  }
0x107: {  	[sflag:s0] =	ssyncadd.s32 $0xFFFFE000  }
0x108: {  	_ =	swait.ge [sflag:s0], $0x2000  }
0x109: {  	[sflag:s0] =	ssyncset.done $0x0  }
0x10a: {  	s1 =	simm.s32 @!p0 $0x6;
	[sflag:s0] =	ssyncadd.s32 $0xFFFFE000  }
0x10b: {  	_ =	swait.ge @!p0 [sflag:s1], $0x2000  }
0x10c: {  	[sflag:s1] =	ssyncset.done @!p0 $0x0  }
0x10d: {  	s2 =	simm.s32 $0x2170;
	[sflag:s1] =	ssyncadd.s32 @!p0 $0xFFFFE000  }
0x10e: {  	v6 =	vld [tilespmem:s2+$0xFFFFFE90]  }
0x10f: {  	s16 =	simm.s32 $0x60;
	v10 =	vld [tilespmem:s2+$0xFFFFFED0]  }
0x110: {  	s17 =	simm.s32 $0x90;
	s18 =	simm.s32 $0x10;
	s19 =	simm.s32 $0x50;
	v19 =	vor.u32 s16, v0;
	v11 =	vld [tilespmem:s2+$0xFFFFFEA0]  }
0x111: {  	s20 =	simm.s32 $0xA0;
	v20 =	vor.u32 s17, v0;
	v21 =	vor.u32 s18, v0;
	v23 =	vor.u32 s19, v0;
	s13 =	simm.s32 $0x20;
	v16 =	vld [tilespmem:s2+$0xFFFFFEC0]  }
0x112: {  	s11 =	simm.s32 $0x70;
	s9 =	simm.s32 $0x30;
	v24 =	vor.u32 s20, v0;
	v15 =	vor.u32 s13, v0;
	v7 =	vimm.f32 $-Inf  }
0x113: {  	s14 =	simm.s32 $0xF0;
	v13 =	vor.u32 s11, v0;
	v9 =	vimm.s32 $0x0;
	s15 =	simm.s32 $0x0;
	v12 =	vor.u32 s9, v0;
	v8 =	vld [tilespmem:s2+$0xFFFFFF90]  }
0x114: {  	v17 =	vor.u32 s15, v0;
	v4 =	vor.u32 s14, v0;
	v18 =	vld [tilespmem:s2+$0xFFFFFEB0];
	vm0 =	vgt.f32 v6, v7  }
0x115: {  	s22 =	simm.s32 $0x40;
	v26 =	vld [tilespmem:s2+$0xFFFFFEF0];
	v14 =	vmax.f32 v7, v6;
	vm2 =	vgt.f32 v11, v7;
	v25 =	vmax.f32 v7, v11  }
0x116: {  	s21 =	simm.s32 $0x80;
	v27 =	vld [tilespmem:s2+$0xFFFFFF00];
	v11 =	vor.u32 s22, v0;
	vm3 =	vgt.f32 v16, v7;
	vm1 =	vgt.f32 v10, v14  }
0x117: {  	v6 =	vld [tilespmem:s2+$0xFFFFFFD0];
	v10 =	vmax.f32 v14, v10;
	v14 =	vor.u32 s21, v0;
	v21 =	vsel vm2, v21, v9  }
0x118: {  	v22 =	vld [tilespmem:s2+$0xFFFFFEE0];
	v12 =	vsel vm3, v12, v9;
	vm2 =	vgt.f32 v8, v10;
	v8 =	vmax.f32 v10, v8  }
0x119: {  	v10 =	vsel vm0, v17, v9;
	vm0 =	vgt.f32 v18, v7;
	v17 =	vld [tilespmem:s2+$0xFFFFFFC0];
	v18 =	vmax.f32 v7, v18  }
0x11a: {  	v7 =	vmax.f32 v7, v16;
	v16 =	vld [tilespmem:s2+$0xFFFFFFA0];
	v11 =	vsel vm1, v11, v10;
	v9 =	vsel vm0, v15, v9  }
0x11b: {  	s24 =	simm.s32 $0xC0;
	vm0 =	vgt.f32 v26, v18;
	v15 =	vmax.f32 v7, v27;
	v14 =	vsel vm2, v14, v11  }
0x11c: {  	s7 =	simm.s32 $0xD0;
	v28 =	vld [tilespmem:s2+$0xFFFFFFB0];
	vm2 =	vgt.f32 v27, v7;
	v7 =	vor.u32 s24, v0;
	vm3 =	vgt.f32 v6, v8  }
0x11d: {  	v5 =	vor.u32 s7, v0;
	v29 =	vld [tilespmem:s2+$0xFFFFFFF0];
	v9 =	vsel vm0, v19, v9;
	v7 =	vsel vm3, v7, v14  }
0x11e: {  	v11 =	vld [tilespmem:s2+$0xFFFFFFE0];
	vm0 =	vgt.f32 v17, v15;
	v14 =	vmax.f32 v15, v17;
	v15 =	vmax.f32 v25, v22  }
0x11f: {  	s6 =	simm.s32 $0xE0;
	v13 =	vsel vm2, v13, v12;
	vm2 =	vgt.f32 v16, v15;
	v16 =	vmax.f32 v15, v16;
	v15 =	vld [tilespmem:s2+$0x0]  }
0x120: {  	s23 =	simm.s32 $0xB0;
	v3 =	vor.u32 s6, v0;
	vm1 =	vgt.f32 v22, v25;
	v18 =	vmax.f32 v18, v26  }
0x121: {  	v10 =	vor.u32 s23, v0;
	vm4 =	vgt.f32 v28, v18;
	v18 =	vmax.f32 v18, v28  }
0x122: {  	s31 =	rddreg [dreg:$0x5];
	v19 =	vsel vm1, v23, v21;
	v12 =	vsel vm4, v24, v9;
	vm1 =	vgt.f32 v29, v18  }
0x123: {  	s3 =	simm.s32 $0x0;
	s4 =	simm.s32 $0x2370;
	s13 =	sor.u32 s31, s12;
	v9 =	vmax.f32 v18, v29;
	v17 =	vsel vm2, v20, v19;
	vm2 =	vgt.f32 v11, v16  }
.LBB2_9:
0x124: {  	v18 =	vld [tilespmem:s4+$0xFFFFFE90];
	s3 =	sadd.s32 $0x4, s3;
	v17 =	vsel vm2, v5, v17;
	vm2 =	vgt.f32 v15, v14;
	v14 =	vmax.f32 v14, v15;
	s14 =	sadd.s32 $0x100, s14  }
0x125: {  	v5 =	vsel vm0, v10, v13;
	v10 =	vmax.f32 v16, v11;
	v11 =	vsel vm1, v3, v12;
	v15 =	vld [tilespmem:s4+$0xFFFFFFD0];
	s1 =	sadd.s32 $0xFFFFFFF0, s14;
	p2 =	slt.u32 s3, $0x3C  }
0x126: {  	v6 =	vmax.f32 v8, v6;
	s5 =	sadd.s32 $0xFFFFFFE0, s14;
	v13 =	vsel vm2, v4, v5;
	v12 =	vld [tilespmem:s4+$0xFFFFFF90];
	v3 =	vor.u32 s1, v0  }
0x127: {  	s6 =	sadd.s32 $0xFFFFFF80, s14;
	s1 =	sadd.s32 $0xFFFFFF40, s14;
	v5 =	vor.u32 s5, v0;
	v8 =	vld [tilespmem:s4+$0xFFFFFED0]  }
0x128: {  	v4 =	vor.u32 s14, v0;
	s5 =	sadd.s32 $0xFFFFFF30, s14;
	v20 =	vor.u32 s6, v0;
	v19 =	vor.u32 s1, v0;
	v16 =	vld [tilespmem:s4+$0xFFFFFEA0]  }
0x129: {  	s6 =	sadd.s32 $0xFFFFFFA0, s14;
	s1 =	sadd.s32 $0xFFFFFF10, s14;
	v21 =	vor.u32 s5, v0;
	s5 =	sadd.s32 $0xFFFFFF70, s14;
	vm0 =	vgt.f32 v18, v6;
	v18 =	vmax.f32 v6, v18;
	v22 =	vld [tilespmem:s4+$0xFFFFFEC0]  }
0x12a: {  	s7 =	sadd.s32 $0xFFFFFF60, s14;
	v26 =	vor.u32 s6, v0;
	v23 =	vor.u32 s1, v0;
	s1 =	sadd.s32 $0xFFFFFF20, s14;
	v25 =	vor.u32 s5, v0;
	s5 =	sadd.s32 $0xFFFFFFB0, s14;
	v24 =	vld [tilespmem:s4+$0xFFFFFEB0];
	v6 =	vmovc v15  }
0x12b: {  	v28 =	vor.u32 s7, v0;
	v29 =	vor.u32 s5, v0;
	v15 =	vor.u32 s1, v0;
	s1 =	sadd.s32 $0xFFFFFF90, s14;
	v27 =	vld [tilespmem:s4+$0xFFFFFEE0]  }
0x12c: {  	s5 =	sadd.s32 $0xFFFFFF50, s14;
	vm1 =	vgt.f32 v8, v18;
	v8 =	vmax.f32 v18, v8;
	v18 =	vor.u32 s1, v0  }
0x12d: {  	vm2 =	vgt.f32 v16, v10;
	v16 =	vmax.f32 v10, v16;
	v10 =	vor.u32 s5, v0;
	v30 =	vld [tilespmem:s4+$0xFFFFFEF0]  }
0x12e: {  	v17 =	vsel vm2, v15, v17;
	v15 =	vld [tilespmem:s4+$0xFFFFFF00];
	vm2 =	vgt.f32 v12, v8;
	v8 =	vmax.f32 v8, v12  }
0x12f: {  	v7 =	vsel vm0, v23, v7;
	s1 =	sadd.s32 $0xFFFFFFC0, s14;
	vm3 =	vgt.f32 v22, v14;
	vm0 =	vgt.f32 v24, v9;
	v12 =	vld [tilespmem:s4+$0xFFFFFFC0]  }
0x130: {  	v7 =	vsel vm1, v10, v7;
	v10 =	vor.u32 s1, v0;
	vm1 =	vgt.f32 v27, v16;
	v23 =	vld [tilespmem:s4+$0xFFFFFFB0]  }
0x131: {  	v14 =	vmax.f32 v14, v22;
	v9 =	vmax.f32 v9, v24;
	v13 =	vsel vm3, v19, v13  }
0x132: {  	v7 =	vsel vm2, v18, v7;
	v11 =	vsel vm0, v21, v11;
	vm0 =	vgt.f32 v30, v9;
	v18 =	vld [tilespmem:s4+$0xFFFFFFF0]  }
0x133: {  	s1 =	sadd.s32 $0xFFFFFFD0, s14;
	v19 =	vsel vm0, v25, v11;
	vm2 =	vgt.f32 v15, v14;
	v14 =	vmax.f32 v14, v15;
	v21 =	vld [tilespmem:s4+$0xFFFFFFA0]  }
0x134: {  	vm3 =	vgt.f32 v6, v8;
	v9 =	vmax.f32 v9, v30;
	v15 =	vor.u32 s1, v0;
	v11 =	vld [tilespmem:s4+$0xFFFFFFE0]  }
.Ltmp5:
0x135: {  	vm0 =	vgt.f32 v12, v14;
	v7 =	vsel vm3, v15, v7;
	vm4 =	vgt.f32 v23, v9;
	v15 =	vld [tilespmem:s4+$0x0];
	(pc) =	sbr.rel @p2 .LBB2_9-.Ltmp5, $4  }
0x136: {  	v17 =	vsel vm1, v28, v17;
	v14 =	vmax.f32 v14, v12;
	v9 =	vmax.f32 v9, v23  }
0x137: {  	v16 =	vmax.f32 v16, v27;
	v13 =	vsel vm2, v20, v13;
	v12 =	vsel vm4, v29, v19  }
0x138: {  	vm1 =	vgt.f32 v18, v9;
	vm2 =	vgt.f32 v21, v16;
	v16 =	vmax.f32 v16, v21  }
0x139: {  	s4 =	sadd.s32 $0x200, s4;
	v9 =	vmax.f32 v9, v18;
	v17 =	vsel vm2, v26, v17;
	vm2 =	vgt.f32 v11, v16  }
0x13a: {  	v18 =	vmax.f32 v14, v15;
	v11 =	vmax.f32 v16, v11;
	v6 =	vmax.f32 v8, v6  }
0x13b: {  	v8 =	vmax.f32 v6, v11;
	v16 =	vmax.f32 v9, v18  }
0x13c: {  	v8 =	vmax.f32 v8, v16  }
0x13d: {  	(xrf0) =	vmax.scan.msk.f32 $0xffff, v8;
	_ =	sdelay $0x5  }
0x13e: {  	v8, _, _ =	vpop (xrf0)  }
0x13f: {  	v8 =	vperm.xlane v8, v1;
	_ =	sdelay $0x1  }
0x140: {  	(xrf0) =	vmax.scan.msk.f32 $0xffff, v8;
	_ =	sdelay $0x4  }
0x141: {  	v5 =	vsel vm2, v5, v17  }
0x142: {  	vm2 =	vgt.f32 v15, v14;
	v10 =	vsel vm0, v10, v13;
	v3 =	vsel vm1, v3, v12;
	v8, _, _ =	vpop (xrf0)  }
0x143: {  	v4 =	vsel vm2, v4, v10;
	vm0 =	veq.f32 v6, v8;
	vm1 =	veq.f32 v9, v8  }
0x144: {  	vm2 =	veq.f32 v18, v8;
	v6 =	vnsel vm0, $0x1000, v7;
	vm0 =	veq.f32 v11, v8  }
0x145: {  	v3 =	vnsel vm1, $0x1000, v3;
	v4 =	vnsel vm2, $0x1000, v4;
	v5 =	vnsel vm0, $0x1000, v5  }
0x146: {  	vm1 =	vlt.s32 v3, v4;
	vm0 =	vlt.s32 v6, v5  }
0x147: {  	v3 =	vsel vm1, v3, v4;
	v5 =	vsel vm0, v6, v5  }
0x148: {  	vm0 =	vlt.s32 v5, v3  }
0x149: {  	v3 =	vsel vm0, v5, v3  }
0x14a: {  	v3 =	vsub.s32 $0x80000000, v3  }
0x14b: {  	(xrf0) =	vmax.scan.msk.u32 $0xffff, v3;
	_ =	sdelay $0x4  }
0x14c: {  	s4 =	simm.s32 $0x21F0  }
0x14d: {  	s15 =	simm.s32 $0x30;
	v12 =	vld [tilespmem:s4+$0xFFFFFEA0];
	v3, _, _ =	vpop (xrf0)  }
0x14e: {  	s5 =	simm.s32 $0x70;
	s18 =	simm.s32 $0x60;
	v10 =	vimm.s32 $0x0;
	v13 =	vor.u32 s15, v0;
	v17 =	vld [tilespmem:s4+$0xFFFFFEC0];
	v3 =	vxor.u32 $0x80000000, v3  }
0x14f: {  	s19 =	simm.s32 $0x90;
	s20 =	simm.s32 $0x10;
	s6 =	simm.s32 $0x50;
	v14 =	vor.u32 s5, v0;
	v20 =	vor.u32 s18, v0;
	v7 =	vld [tilespmem:s4+$0xFFFFFE90];
	v3 =	vperm.xlane v3, v1  }
0x150: {  	s21 =	simm.s32 $0xA0;
	v21 =	vor.u32 s19, v0;
	v22 =	vor.u32 s20, v0;
	v24 =	vor.u32 s6, v0;
	v11 =	vld [tilespmem:s4+$0xFFFFFED0]  }
0x151: {  	s16 =	simm.s32 $0x20;
	s17 =	simm.s32 $0x0;
	v25 =	vor.u32 s21, v0;
	v9 =	vld [tilespmem:s4+$0xFFFFFF90];
	v8 =	vimm.f32 $-Inf;
	v3 =	vxor.u32 $0x80000000, v3  }
0x152: {  	s23 =	simm.s32 $0x40;
	v19 =	vld [tilespmem:s4+$0xFFFFFEB0];
	v16 =	vor.u32 s16, v0;
	v18 =	vor.u32 s17, v0;
	vm2 =	vgt.f32 v12, v8;
	(xrf0) =	vmax.scan.msk.u32 $0xffff, v3  }
0x153: {  	s1 =	simm.s32 $0xE0;
	v26 =	vmax.f32 v8, v12;
	v12 =	vor.u32 s23, v0;
	vm3 =	vgt.f32 v17, v8  }
0x154: {  	v27 =	vld [tilespmem:s4+$0xFFFFFEF0];
	v4 =	vor.u32 s1, v0;
	v22 =	vsel vm2, v22, v10;
	v15 =	vmax.f32 v8, v7  }
0x155: {  	s22 =	simm.s32 $0x80;
	v28 =	vld [tilespmem:s4+$0xFFFFFF00];
	v13 =	vsel vm3, v13, v10;
	vm1 =	vgt.f32 v11, v15;
	v11 =	vmax.f32 v15, v11  }
0x156: {  	vm0 =	vgt.f32 v7, v8;
	v7 =	vld [tilespmem:s4+$0xFFFFFFD0];
	v15 =	vor.u32 s22, v0;
	vm2 =	vgt.f32 v9, v11  }
0x157: {  	v23 =	vld [tilespmem:s4+$0xFFFFFEE0];
	v9 =	vmax.f32 v11, v9;
	v11 =	vsel vm0, v18, v10;
	vm0 =	vgt.f32 v19, v8  }
0x158: {  	v18 =	vld [tilespmem:s4+$0xFFFFFFC0];
	v19 =	vmax.f32 v8, v19;
	v8 =	vmax.f32 v8, v17;
	v12 =	vsel vm1, v12, v11;
	v3, _, _ =	vpop (xrf0)  }
0x159: {  	v17 =	vld [tilespmem:s4+$0xFFFFFFA0];
	v10 =	vsel vm0, v16, v10;
	vm0 =	vgt.f32 v27, v19;
	v3 =	vxor.u32 $0x7FFFFFFF, v3  }
0x15a: {  	s31 =	simm.s32 $0xC0;
	v16 =	vmax.f32 v8, v28;
	v15 =	vsel vm2, v15, v12;
	v3 =	vadd.s32 $0x1, v3  }
0x15b: {  	s3 =	simm.s32 $0xD0;
	v29 =	vld [tilespmem:s4+$0xFFFFFFB0];
	vm2 =	vgt.f32 v28, v8;
	v8 =	vor.u32 s31, v0;
	vm3 =	vgt.f32 v7, v9  }
0x15c: {  	v30 =	vld [tilespmem:s4+$0xFFFFFFF0];
	v6 =	vor.u32 s3, v0;
	v10 =	vsel vm0, v20, v10;
	v8 =	vsel vm3, v8, v15  }
0x15d: {  	v12 =	vld [tilespmem:s4+$0xFFFFFFE0];
	vm0 =	vgt.f32 v18, v16;
	v15 =	vmax.f32 v16, v18;
	v16 =	vmax.f32 v26, v23  }
0x15e: {  	s14 =	simm.s32 $0xF0;
	v14 =	vsel vm2, v14, v13;
	vm2 =	vgt.f32 v17, v16;
	v17 =	vmax.f32 v16, v17;
	v16 =	vld [tilespmem:s4+$0x0]  }
0x15f: {  	s24 =	simm.s32 $0xB0;
	v5 =	vor.u32 s14, v0;
	vm1 =	vgt.f32 v23, v26;
	v19 =	vmax.f32 v19, v27;
	v3 =	vld.idx.msk [tilespmem:v3+s28+$0x0], $0xffff  }
0x160: {  	v11 =	vor.u32 s24, v0;
	vm4 =	vgt.f32 v29, v19;
	v19 =	vmax.f32 v19, v29  }
0x161: {  	v20 =	vsel vm1, v24, v22;
	v13 =	vsel vm4, v25, v10;
	vm1 =	vgt.f32 v30, v19  }
0x162: {  	s3 =	simm.s32 $0x0;
	v10 =	vmax.f32 v19, v30;
	s4 =	simm.s32 $0x23F0;
	v18 =	vsel vm2, v21, v20;
	vm2 =	vgt.f32 v12, v17  }
.LBB2_11:
0x163: {  	v19 =	vld [tilespmem:s4+$0xFFFFFE90];
	s3 =	sadd.s32 $0x4, s3;
	v18 =	vsel vm2, v6, v18;
	vm2 =	vgt.f32 v16, v15;
	v15 =	vmax.f32 v15, v16;
	s14 =	sadd.s32 $0x100, s14  }
0x164: {  	v6 =	vsel vm0, v11, v14;
	v11 =	vmax.f32 v17, v12;
	v12 =	vsel vm1, v4, v13;
	v16 =	vld [tilespmem:s4+$0xFFFFFFD0];
	s1 =	sadd.s32 $0xFFFFFFF0, s14;
	p2 =	slt.u32 s3, $0x3C  }
0x165: {  	v7 =	vmax.f32 v9, v7;
	s5 =	sadd.s32 $0xFFFFFFE0, s14;
	v14 =	vsel vm2, v5, v6;
	v13 =	vld [tilespmem:s4+$0xFFFFFF90];
	v4 =	vor.u32 s1, v0  }
0x166: {  	s6 =	sadd.s32 $0xFFFFFF80, s14;
	s1 =	sadd.s32 $0xFFFFFF40, s14;
	v6 =	vor.u32 s5, v0;
	v9 =	vld [tilespmem:s4+$0xFFFFFED0]  }
0x167: {  	v5 =	vor.u32 s14, v0;
	s5 =	sadd.s32 $0xFFFFFF30, s14;
	v21 =	vor.u32 s6, v0;
	v20 =	vor.u32 s1, v0;
	v17 =	vld [tilespmem:s4+$0xFFFFFEA0]  }
0x168: {  	s6 =	sadd.s32 $0xFFFFFFA0, s14;
	s1 =	sadd.s32 $0xFFFFFF10, s14;
	v22 =	vor.u32 s5, v0;
	s5 =	sadd.s32 $0xFFFFFF70, s14;
	vm0 =	vgt.f32 v19, v7;
	v19 =	vmax.f32 v7, v19;
	v23 =	vld [tilespmem:s4+$0xFFFFFEC0]  }
0x169: {  	s7 =	sadd.s32 $0xFFFFFF60, s14;
	v27 =	vor.u32 s6, v0;
	v24 =	vor.u32 s1, v0;
	s1 =	sadd.s32 $0xFFFFFF20, s14;
	v26 =	vor.u32 s5, v0;
	s5 =	sadd.s32 $0xFFFFFFB0, s14;
	v25 =	vld [tilespmem:s4+$0xFFFFFEB0];
	v7 =	vmovc v16  }
0x16a: {  	v29 =	vor.u32 s7, v0;
	v30 =	vor.u32 s5, v0;
	v16 =	vor.u32 s1, v0;
	s1 =	sadd.s32 $0xFFFFFF90, s14;
	v28 =	vld [tilespmem:s4+$0xFFFFFEE0]  }
0x16b: {  	s5 =	sadd.s32 $0xFFFFFF50, s14;
	vm1 =	vgt.f32 v9, v19;
	v9 =	vmax.f32 v19, v9;
	v19 =	vor.u32 s1, v0  }
0x16c: {  	vm2 =	vgt.f32 v17, v11;
	v17 =	vmax.f32 v11, v17;
	v11 =	vor.u32 s5, v0;
	v31 =	vld [tilespmem:s4+$0xFFFFFEF0]  }
0x16d: {  	v18 =	vsel vm2, v16, v18;
	v16 =	vld [tilespmem:s4+$0xFFFFFF00];
	vm2 =	vgt.f32 v13, v9;
	v9 =	vmax.f32 v9, v13  }
0x16e: {  	v8 =	vsel vm0, v24, v8;
	s1 =	sadd.s32 $0xFFFFFFC0, s14;
	vm3 =	vgt.f32 v23, v15;
	vm0 =	vgt.f32 v25, v10;
	v13 =	vld [tilespmem:s4+$0xFFFFFFC0]  }
0x16f: {  	v8 =	vsel vm1, v11, v8;
	v11 =	vor.u32 s1, v0;
	vm1 =	vgt.f32 v28, v17;
	v24 =	vld [tilespmem:s4+$0xFFFFFFB0]  }
0x170: {  	v15 =	vmax.f32 v15, v23;
	v10 =	vmax.f32 v10, v25;
	v14 =	vsel vm3, v20, v14  }
0x171: {  	v8 =	vsel vm2, v19, v8;
	v12 =	vsel vm0, v22, v12;
	vm0 =	vgt.f32 v31, v10;
	v19 =	vld [tilespmem:s4+$0xFFFFFFF0]  }
0x172: {  	s1 =	sadd.s32 $0xFFFFFFD0, s14;
	v20 =	vsel vm0, v26, v12;
	vm2 =	vgt.f32 v16, v15;
	v15 =	vmax.f32 v15, v16;
	v22 =	vld [tilespmem:s4+$0xFFFFFFA0]  }
0x173: {  	vm3 =	vgt.f32 v7, v9;
	v10 =	vmax.f32 v10, v31;
	v16 =	vor.u32 s1, v0;
	v12 =	vld [tilespmem:s4+$0xFFFFFFE0]  }
.Ltmp6:
0x174: {  	vm0 =	vgt.f32 v13, v15;
	v8 =	vsel vm3, v16, v8;
	vm4 =	vgt.f32 v24, v10;
	v16 =	vld [tilespmem:s4+$0x0];
	(pc) =	sbr.rel @p2 .LBB2_11-.Ltmp6, $4  }
0x175: {  	v18 =	vsel vm1, v29, v18;
	v15 =	vmax.f32 v15, v13;
	v10 =	vmax.f32 v10, v24  }
0x176: {  	v17 =	vmax.f32 v17, v28;
	v14 =	vsel vm2, v21, v14;
	v13 =	vsel vm4, v30, v20  }
0x177: {  	vm1 =	vgt.f32 v19, v10;
	vm2 =	vgt.f32 v22, v17;
	v17 =	vmax.f32 v17, v22  }
0x178: {  	s4 =	sadd.s32 $0x200, s4;
	v10 =	vmax.f32 v10, v19;
	v18 =	vsel vm2, v27, v18;
	vm2 =	vgt.f32 v12, v17  }
0x179: {  	v19 =	vmax.f32 v15, v16;
	v12 =	vmax.f32 v17, v12;
	v7 =	vmax.f32 v9, v7  }
0x17a: {  	v9 =	vmax.f32 v7, v12;
	v17 =	vmax.f32 v10, v19  }
0x17b: {  	v9 =	vmax.f32 v9, v17  }
0x17c: {  	(xrf0) =	vmax.scan.msk.f32 $0xffff, v9;
	_ =	sdelay $0x5  }
0x17d: {  	v9, _, _ =	vpop (xrf0)  }
0x17e: {  	v9 =	vperm.xlane v9, v1;
	_ =	sdelay $0x1  }
0x17f: {  	(xrf0) =	vmax.scan.msk.f32 $0xffff, v9;
	_ =	sdelay $0x4  }
0x180: {  	v6 =	vsel vm2, v6, v18  }
0x181: {  	vm13 =	vgt.f32 v16, v15;
	v11 =	vsel vm0, v11, v14;
	v4 =	vsel vm1, v4, v13;
	v9, _, _ =	vpop (xrf0)  }
0x182: {  	v5 =	vsel vm13, v5, v11;
	vm14 =	veq.f32 v7, v9;
	vm15 =	veq.f32 v12, v9  }
0x183: {  	vm4 =	veq.f32 v10, v9;
	vm5 =	veq.f32 v19, v9;
	v7 =	vnsel vm14, $0x1000, v8  }
0x184: {  	v6 =	vnsel vm15, $0x1000, v6;
	v4 =	vnsel vm4, $0x1000, v4;
	v5 =	vnsel vm5, $0x1000, v5  }
0x185: {  	vm0 =	vlt.s32 v7, v6;
	vm1 =	vlt.s32 v4, v5  }
0x186: {  	v6 =	vsel vm0, v7, v6;
	v4 =	vsel vm1, v4, v5  }
0x187: {  	vm0 =	vlt.s32 v6, v4  }
0x188: {  	v4 =	vsel vm0, v6, v4  }
0x189: {  	v4 =	vsub.s32 $0x80000000, v4  }
0x18a: {  	(xrf0) =	vmax.scan.msk.u32 $0xffff, v4;
	_ =	sdelay $0x5  }
0x18b: {  	v4, _, _ =	vpop (xrf0)  }
0x18c: {  	v4 =	vxor.u32 $0x80000000, v4  }
0x18d: {  	v4 =	vperm.xlane v4, v1;
	_ =	sdelay $0x1  }
0x18e: {  	v4 =	vxor.u32 $0x80000000, v4  }
0x18f: {  	(xrf0) =	vmax.scan.msk.u32 $0xffff, v4;
	_ =	sdelay $0x2  }
0x190: {  	s1 =	simm.s32 $0x0  }
0x191: {  	s3 =	sand.u32 $0x40, s1;
	s4 =	sand.u32 $0xF80, s1  }
0x192: {  	s4 =	sor.u32 $0x18000, s4;
	s5 =	sor.u32 $0x30, s3  }
0x193: {  	s7 =	sor.u32 $0x10, s3;
	s9 =	sor.u32 $0x20, s3;
	s6 =	sor.u32 s5, s4;
	v4, _, _ =	vpop (xrf0)  }
0x194: {  	s1 =	sand.u32 $0x1F00, s1;
	s2 =	sor.u32 s7, s4;
	s4 =	sor.u32 s9, s4;
	v8 =	vld [tilespmem:s6+$0x0];
	v4 =	vxor.u32 $0x7FFFFFFF, v4  }
0x195: {  	s5 =	sor.u32 s5, s1;
	v11 =	vld [tilespmem:s4+$0x0];
	v4 =	vadd.s32 $0x1, v4  }
0x196: {  	s7 =	sor.u32 s7, s1;
	s22 =	sor.u32 s9, s1;
	s1 =	sor.u32 s3, s1;
	v6 =	vld [tilespmem:s5+$0xA000]  }
0x197: {  	v13 =	vld [tilespmem:s1+$0xA000]  }
0x198: {  	p2 =	por $0x0, $0x0;
	s11 =	simm.s32 $0x1;
	v9 =	vld [tilespmem:s2+$0x0]  }
0x199: {  	s24 =	simm.s32 $0x18000;
	s23 =	simm.s32 $0x40;
	s11 =	simm.s32 @!p2 $0x0;
	v10 =	vld [tilespmem:s7+$0xA000];
	vm6 =	veq.s32 v8, v3  }
0x19a: {  	s15 =	sand.u32 $0x40, s23;
	s21 =	sshll.u32 s11, $0x6;
	s3 =	sand.u32 $0xF80, s23;
	v7 =	vsel vm6, $0x147AE, v2;
	v4 =	vld.idx.msk [tilespmem:v4+s24+$0x0], $0xffff  }
0x19b: {  	s17 =	sor.u32 $0x10, s15;
	s11 =	sadd.s32 $0x0, s21;
	s3 =	sor.u32 $0x18000, s3;
	v5 =	vld [tilespmem:s24+$0x0];
	v6 =	vadd.f32 v7, v6  }
0x19c: {  	s4 =	sadd.s32 $0x30, s11;
	s20 =	sor.u32 s17, s3;
	v12 =	vld [tilespmem:s22+$0xA000]  }
0x19d: {  	s14 =	simm.s32 $0x80;
	s16 =	sor.u32 $0x2080, s4;
	v16 =	vld [tilespmem:s20+$0x0];
	s2 =	sor.u32 $0x30, s15;
	[tilespmem:s5+$0x12000] =	vst v6  }
0x19e: {  	s18 =	sand.u32 $0x1F00, s14;
	s19 =	sor.u32 s2, s3;
	vm7 =	veq.s32 v9, v3;
	v14 =	vld [tilespmem:s16+$0x8000]  }
0x19f: {  	vm9 =	veq.s32 v11, v3;
	s9 =	sor.u32 s2, s18;
	v15 =	vsel vm7, $0x147AE, v2;
	vm8 =	veq.s32 v9, v4;
	v9 =	vld [tilespmem:s19+$0x0]  }
0x1a0: {  	v18 =	vld [tilespmem:s9+$0xA000];
	v15 =	vadd.f32 v15, v10;
	v10 =	vsel vm9, $0x147AE, v2;
	vm10 =	veq.s32 v5, v3;
	s24 =	simm.s32 $0x18040  }
0x1a1: {  	p2 =	por !p2, !p2;
	s31 =	sor.u32 s17, s18;
	v12 =	vadd.f32 v10, v12;
	v17 =	vsel vm10, $0x147AE, v2;
	v7 =	vld [tilespmem:s24+$0x0];
	s19 =	sor.u32 $0x20, s15  }
0x1a2: {  	s21 =	sadd.s32 $0x10, s11;
	s17 =	simm.s32 $0x1;
	vm11 =	veq.s32 v8, v4;
	vm12 =	veq.s32 v11, v4;
	v11 =	vadd.f32 v17, v13;
	v13 =	vld [tilespmem:s31+$0xA000];
	s3 =	sor.u32 s19, s3  }
0x1a3: {  	s4 =	simm.s32 $0x4;
	s17 =	simm.s32 @!p2 $0x0;
	vm14 =	veq.s32 v16, v3;
	[tilespmem:s7+$0x12000] =	vst v15;
	s6 =	sor.u32 s19, s18;
	v15 =	vsel vm11, $0x147AE, v2;
	v10 =	vld [tilespmem:s3+$0x0]  }
0x1a4: {  	s23 =	sshll.u32 s17, $0x6;
	[tilespmem:s22+$0x12000] =	vst v12;
	s22 =	sadd.s32 $0x20, s11;
	s24 =	sor.u32 s15, s18;
	vm15 =	veq.s32 v16, v4;
	v15 =	vadd.f32 v14, v15;
	v12 =	vld [tilespmem:s6+$0xA000];
	vm13 =	veq.s32 v9, v3  }
0x1a5: {  	s5 =	sor.u32 $0x2080, s22;
	s15 =	sor.u32 $0x2080, s11;
	v17 =	vsel vm14, $0x147AE, v2;
	v6 =	vsel vm8, $0x147AE, v2;
	[tilespmem:s1+$0x12000] =	vst v11;
	s3 =	sor.u32 $0x2080, s21;
	v14 =	vld [tilespmem:s24+$0xA000];
	v16 =	vsel vm13, $0x147AE, v2  }
0x1a6: {  	s11 =	sadd.s32 $0x80, s23;
	s23 =	simm.s32 $0x80;
	v8 =	vsel vm12, $0x147AE, v2;
	v11 =	vsel vm15, $0x147AE, v2;
	[tilespmem:s16+$0x10000] =	vst v15;
	s16 =	simm.s32 $0x18080;
	v15 =	vld [tilespmem:s3+$0x8000];
	v16 =	vadd.f32 v16, v18  }
.LBB2_13:
0x1a7: {  	s1 =	sand.u32 $0x40, s23  }
0x1a8: {  	vm0 =	veq.s32 v7, v3;
	s7 =	sadd.s32 $0x10, s11;
	vm1 =	veq.s32 v10, v3;
	vm2 =	veq.s32 v10, v4;
	s17 =	sadd.s32 $0x30, s11;
	v10 =	vld [tilespmem:s5+$0x8000];
	s18 =	sand.u32 $0xF80, s23  }
0x1a9: {  	s4 =	sadd.s32 $0x4, s4;
	s14 =	sadd.s32 $0x80, s14;
	v13 =	vadd.f32 v17, v13;
	v17 =	vsel vm1, $0x147AE, v2;
	v18 =	vsel vm2, $0x147AE, v2;
	[tilespmem:s9+$0x12000] =	vst v16;
	s17 =	sor.u32 $0x2080, s17;
	v16 =	vld [tilespmem:s15+$0x8000]  }
0x1aa: {  	s9 =	sor.u32 $0x18000, s18;
	s18 =	sor.u32 $0x30, s1;
	p3 =	slt.u32 s4, $0xFC;
	v19 =	vsel vm0, $0x147AE, v2;
	v12 =	vadd.f32 v17, v12;
	v17 =	vld [tilespmem:s17+$0x8000]  }
0x1ab: {  	s19 =	sor.u32 $0x10, s1;
	s21 =	sand.u32 $0x1F00, s14;
	s20 =	sor.u32 s18, s9;
	v20 =	vld [tilespmem:s16+$0x0];
	v14 =	vadd.f32 v19, v14;
	[tilespmem:s31+$0x12000] =	vst v13  }
0x1ac: {  	s2 =	sor.u32 $0x20, s1;
	vm0 =	veq.s32 v5, v4;
	v5 =	vmovc v7;
	s22 =	sor.u32 s19, s9;
	s31 =	sor.u32 s19, s21;
	v19 =	vld [tilespmem:s20+$0x0];
	[tilespmem:s6+$0x12000] =	vst v12;
	v12 =	vadd.f32 v15, v6;
	v6 =	vmov v11  }
0x1ad: {  	vm1 =	veq.s32 v9, v4;
	v7 =	vsel vm0, $0x147AE, v2;
	s19 =	sor.u32 s2, s9;
	s9 =	sor.u32 s18, s21;
	s6 =	sor.u32 s2, s21;
	v11 =	vld [tilespmem:s22+$0x0];
	[tilespmem:s24+$0x12000] =	vst v14;
	v9 =	vadd.f32 v10, v8;
	v8 =	vmovc v18  }
0x1ae: {  	v13 =	vsel vm1, $0x147AE, v2;
	s2 =	sor.u32 $0x2080, s11;
	s24 =	sor.u32 s1, s21;
	s1 =	sadd.s32 $0x20, s11;
	v15 =	vld [tilespmem:s9+$0xA000];
	v16 =	vadd.f32 v16, v7;
	[tilespmem:s3+$0x10000] =	vst v12  }
.Ltmp7:
0x1af: {  	s3 =	sor.u32 $0x2080, s7;
	v10 =	vld [tilespmem:s19+$0x0];
	v14 =	vadd.f32 v17, v13;
	[tilespmem:s5+$0x10000] =	vst v9;
	s5 =	sor.u32 $0x2080, s1;
	(pc) =	sbr.rel @p3 .LBB2_13-.Ltmp7, $4  }
0x1b0: {  	p2 =	por !p2, !p2;
	s1 =	simm.s32 $0x1;
	v13 =	vld [tilespmem:s31+$0xA000];
	[tilespmem:s15+$0x10000] =	vst v16;
	v7 =	vmov v20;
	s15 =	smov.u32 s2  }
0x1b1: {  	s1 =	simm.s32 @!p2 $0x0;
	v12 =	vld [tilespmem:s6+$0xA000];
	vm0 =	veq.s32 v19, v3;
	[tilespmem:s17+$0x10000] =	vst v14;
	v9 =	vmov v19  }
0x1b2: {  	s1 =	sshll.u32 s1, $0x6;
	v14 =	vld [tilespmem:s24+$0xA000];
	vm1 =	veq.s32 v11, v3;
	vm2 =	veq.s32 v11, v4;
	v16 =	vsel vm0, $0x147AE, v2  }
0x1b3: {  	s23 =	sadd.s32 $0x40, s23;
	s16 =	sadd.s32 $0x40, s16;
	s11 =	sadd.s32 s1, s14;
	v17 =	vsel vm1, $0x147AE, v2;
	v11 =	vsel vm2, $0x147AE, v2;
	v16 =	vadd.f32 v16, v15;
	v15 =	vld [tilespmem:s3+$0x8000]  }
0x1b4: {  	vm0 =	veq.s32 v10, v3  }
0x1b5: {  	vm1 =	veq.s32 v7, v3;
	s1 =	sadd.s32 $0x30, s11;
	v3 =	vld [tilespmem:s5+$0x8000];
	v13 =	vadd.f32 v17, v13;
	v17 =	vsel vm0, $0x147AE, v2  }
0x1b6: {  	s2 =	sadd.s32 $0x10, s11;
	[tilespmem:s9+$0x12000] =	vst v16;
	s1 =	sor.u32 $0x2080, s1;
	v16 =	vld [tilespmem:s15+$0x8000];
	v18 =	vsel vm1, $0x147AE, v2;
	v12 =	vadd.f32 v17, v12  }
0x1b7: {  	s4 =	sadd.s32 $0x20, s11;
	s2 =	sor.u32 $0x2080, s2;
	v17 =	vld [tilespmem:s1+$0x8000];
	v14 =	vadd.f32 v18, v14;
	[tilespmem:s31+$0x12000] =	vst v13  }
0x1b8: {  	s4 =	sor.u32 $0x2080, s4;
	[tilespmem:s6+$0x12000] =	vst v12;
	v12 =	vld [tilespmem:s2+$0x8000]  }
0x1b9: {  	vm0 =	veq.s32 v5, v4;
	s31 =	sor.u32 $0x2080, s11;
	v5 =	vadd.f32 v15, v6;
	[tilespmem:s24+$0x12000] =	vst v14;
	v6 =	vld [tilespmem:s4+$0x8000]  }
0x1ba: {  	vm1 =	veq.s32 v9, v4;
	v9 =	vsel vm0, $0x147AE, v2;
	v3 =	vadd.f32 v3, v8;
	v8 =	vld [tilespmem:s31+$0x8000]  }
0x1bb: {  	v13 =	vsel vm1, $0x147AE, v2;
	v9 =	vadd.f32 v16, v9;
	[tilespmem:s3+$0x10000] =	vst v5  }
0x1bc: {  	vm0 =	veq.s32 v10, v4;
	v5 =	vadd.f32 v17, v13;
	[tilespmem:s5+$0x10000] =	vst v3  }
0x1bd: {  	v3 =	vsel vm0, $0x147AE, v2;
	vm0 =	veq.s32 v7, v4;
	[tilespmem:s15+$0x10000] =	vst v9;
	v4 =	vadd.f32 v12, v11  }
0x1be: {  	[tilespmem:s1+$0x10000] =	vst v5;
	v5 =	vsel vm0, $0x147AE, v2;
	v3 =	vadd.f32 v6, v3  }
0x1bf: {  	v5 =	vadd.f32 v8, v5;
	[tilespmem:s2+$0x10000] =	vst v4  }
0x1c0: {  	[tilespmem:s4+$0x10000] =	vst v3  }
0x1c1: {  	[tilespmem:s31+$0x10000] =	vst v5  }
0x1c2: {  	s1 =	rddreg [dreg:$0x10]  }
0x1c3: {  	s5 =	simm.s32 $0x12000;
	s1 =	sadd.s32 s13, s1  }
0x1c4: {  	[hbm4b:s1+s25] =	stream.strided.scatter [tilespmem:s5], [sflag:$0x6], $0x2000, s26, s25, $0x38;
	[tilespmem:$0x19000] =	vst v63  }
0x1c5: {  	s1 =	rddreg [dreg:$0x11]  }
0x1c6: {  	s3 =	simm.s32 @!p1 $0x100;
	s2 =	rddreg [dreg:$0x1];
	s1 =	sadd.s32 @!p1 s12, s1  }
0x1c7: {  	s4 =	simm.s32 @!p1 $0x400;
	s5 =	simm.s32 @!p1 $0x2000;
	s2 =	sadd.s32 @!p1 s2, s1  }
0x1c8: {  	[tilespmem:s5], [sflag:$0x2] =	stream.strided.gather @!p1 [hbm4b:s2+s3], $0x2000, s4, s3, $0x38;
	[tilespmem:$0x19000] =	vst v63  }
0x1c9: {  	s2 =	rddreg [dreg:$0x0]  }
0x1ca: {  	s1 =	sadd.s32 @!p1 s2, s1;
	s2 =	simm.s32 @!p1 $0xA000  }
0x1cb: {  	[tilespmem:s2], [sflag:$0x2] =	stream.strided.gather @!p1 [hbm4b:s1+s3], $0x2000, s4, s3, $0x38;
	[tilespmem:$0x19000] =	vst v63  }
0x1cc: {  	_ =	swait.ge [sflag:s8], $0x2000  }
0x1cd: {  	[sflag:s8] =	ssyncset.done $0x0  }
0x1ce: {  	[sflag:s8] =	ssyncadd.s32 $0xFFFFE000  }
0x1cf: {  	_ =	swait.ge [sflag:s8], $0x2000  }
0x1d0: {  	[sflag:s8] =	ssyncset.done $0x0  }
0x1d1: {  	s1 =	simm.s32 @!p0 $0x7;
	[sflag:s8] =	ssyncadd.s32 $0xFFFFE000  }
0x1d2: {  	_ =	swait.ge @!p0 [sflag:s1], $0x2000  }
0x1d3: {  	[sflag:s1] =	ssyncset.done @!p0 $0x0  }
0x1d4: {  	s4 =	simm.s32 $0x4000;
	[sflag:s1] =	ssyncadd.s32 @!p0 $0xFFFFE000  }
0x1d5: {  	v6 =	vld [tilespmem:s4+$0x0]  }
0x1d6: {  	s17 =	simm.s32 $0x60;
	v10 =	vld [tilespmem:s4+$0x40]  }
0x1d7: {  	s18 =	simm.s32 $0x90;
	s19 =	simm.s32 $0x10;
	s20 =	simm.s32 $0x50;
	v19 =	vor.u32 s17, v0;
	v11 =	vld [tilespmem:s4+$0x10]  }
0x1d8: {  	s21 =	simm.s32 $0xA0;
	v20 =	vor.u32 s18, v0;
	v21 =	vor.u32 s19, v0;
	v23 =	vor.u32 s20, v0;
	s11 =	simm.s32 $0x70;
	v16 =	vld [tilespmem:s4+$0x30]  }
0x1d9: {  	s16 =	simm.s32 $0x0;
	s9 =	simm.s32 $0x30;
	v24 =	vor.u32 s21, v0;
	v7 =	vimm.f32 $-Inf;
	v13 =	vor.u32 s11, v0  }
0x1da: {  	s14 =	simm.s32 $0xF0;
	v17 =	vor.u32 s16, v0;
	v9 =	vimm.s32 $0x0;
	s15 =	simm.s32 $0x20;
	v12 =	vor.u32 s9, v0;
	v8 =	vld [tilespmem:s4+$0x100]  }
0x1db: {  	v15 =	vor.u32 s15, v0;
	v4 =	vor.u32 s14, v0;
	v18 =	vld [tilespmem:s4+$0x20];
	vm0 =	vgt.f32 v6, v7  }
0x1dc: {  	s23 =	simm.s32 $0x40;
	v26 =	vld [tilespmem:s4+$0x60];
	v14 =	vmax.f32 v7, v6;
	vm2 =	vgt.f32 v11, v7;
	v25 =	vmax.f32 v7, v11  }
0x1dd: {  	s22 =	simm.s32 $0x80;
	v27 =	vld [tilespmem:s4+$0x70];
	v11 =	vor.u32 s23, v0;
	vm3 =	vgt.f32 v16, v7;
	vm1 =	vgt.f32 v10, v14  }
0x1de: {  	v6 =	vld [tilespmem:s4+$0x140];
	v10 =	vmax.f32 v14, v10;
	v14 =	vor.u32 s22, v0;
	v21 =	vsel vm2, v21, v9  }
0x1df: {  	v22 =	vld [tilespmem:s4+$0x50];
	v12 =	vsel vm3, v12, v9;
	vm2 =	vgt.f32 v8, v10;
	v8 =	vmax.f32 v10, v8  }
0x1e0: {  	v10 =	vsel vm0, v17, v9;
	vm0 =	vgt.f32 v18, v7;
	v17 =	vld [tilespmem:s4+$0x130];
	v18 =	vmax.f32 v7, v18  }
0x1e1: {  	v7 =	vmax.f32 v7, v16;
	v16 =	vld [tilespmem:s4+$0x110];
	v11 =	vsel vm1, v11, v10;
	v9 =	vsel vm0, v15, v9  }
0x1e2: {  	s31 =	simm.s32 $0xC0;
	vm0 =	vgt.f32 v26, v18;
	v15 =	vmax.f32 v7, v27;
	v14 =	vsel vm2, v14, v11  }
0x1e3: {  	s6 =	simm.s32 $0xE0;
	v28 =	vld [tilespmem:s4+$0x120];
	vm2 =	vgt.f32 v27, v7;
	v7 =	vor.u32 s31, v0;
	vm3 =	vgt.f32 v6, v8  }
0x1e4: {  	v3 =	vor.u32 s6, v0;
	v29 =	vld [tilespmem:s4+$0x160];
	v9 =	vsel vm0, v19, v9;
	v7 =	vsel vm3, v7, v14  }
0x1e5: {  	v11 =	vld [tilespmem:s4+$0x150];
	vm0 =	vgt.f32 v17, v15;
	v14 =	vmax.f32 v15, v17;
	v15 =	vmax.f32 v25, v22  }
0x1e6: {  	s7 =	simm.s32 $0xD0;
	v13 =	vsel vm2, v13, v12;
	vm2 =	vgt.f32 v16, v15;
	v16 =	vmax.f32 v15, v16;
	v15 =	vld [tilespmem:s4+$0x170]  }
0x1e7: {  	s24 =	simm.s32 $0xB0;
	v5 =	vor.u32 s7, v0;
	vm1 =	vgt.f32 v22, v25;
	v18 =	vmax.f32 v18, v26  }
0x1e8: {  	v10 =	vor.u32 s24, v0;
	vm4 =	vgt.f32 v28, v18;
	v18 =	vmax.f32 v18, v28  }
0x1e9: {  	v19 =	vsel vm1, v23, v21;
	v12 =	vsel vm4, v24, v9;
	vm1 =	vgt.f32 v29, v18  }
0x1ea: {  	s3 =	simm.s32 $0x0;
	v9 =	vmax.f32 v18, v29;
	s4 =	simm.s32 $0x4200;
	v17 =	vsel vm2, v20, v19;
	vm2 =	vgt.f32 v11, v16  }
.LBB2_15:
0x1eb: {  	v18 =	vld [tilespmem:s4+$0x0];
	s3 =	sadd.s32 $0x4, s3;
	v17 =	vsel vm2, v5, v17;
	vm2 =	vgt.f32 v15, v14;
	v14 =	vmax.f32 v14, v15;
	s14 =	sadd.s32 $0x100, s14  }
0x1ec: {  	v5 =	vsel vm0, v10, v13;
	v10 =	vmax.f32 v16, v11;
	v11 =	vsel vm1, v3, v12;
	v15 =	vld [tilespmem:s4+$0x140];
	s1 =	sadd.s32 $0xFFFFFFF0, s14;
	p2 =	slt.u32 s3, $0x3C  }
0x1ed: {  	v6 =	vmax.f32 v8, v6;
	s2 =	sadd.s32 $0xFFFFFFE0, s14;
	v13 =	vsel vm2, v4, v5;
	v12 =	vld [tilespmem:s4+$0x100];
	v3 =	vor.u32 s1, v0  }
0x1ee: {  	s5 =	sadd.s32 $0xFFFFFF80, s14;
	s1 =	sadd.s32 $0xFFFFFF40, s14;
	v5 =	vor.u32 s2, v0;
	v8 =	vld [tilespmem:s4+$0x40]  }
0x1ef: {  	v4 =	vor.u32 s14, v0;
	s2 =	sadd.s32 $0xFFFFFF30, s14;
	v20 =	vor.u32 s5, v0;
	v19 =	vor.u32 s1, v0;
	v16 =	vld [tilespmem:s4+$0x10]  }
0x1f0: {  	s5 =	sadd.s32 $0xFFFFFFA0, s14;
	s1 =	sadd.s32 $0xFFFFFF10, s14;
	v21 =	vor.u32 s2, v0;
	s2 =	sadd.s32 $0xFFFFFF70, s14;
	vm0 =	vgt.f32 v18, v6;
	v18 =	vmax.f32 v6, v18;
	v22 =	vld [tilespmem:s4+$0x30]  }
0x1f1: {  	s6 =	sadd.s32 $0xFFFFFF60, s14;
	v26 =	vor.u32 s5, v0;
	v23 =	vor.u32 s1, v0;
	s1 =	sadd.s32 $0xFFFFFF20, s14;
	v25 =	vor.u32 s2, v0;
	s2 =	sadd.s32 $0xFFFFFFB0, s14;
	v24 =	vld [tilespmem:s4+$0x20];
	v6 =	vmovc v15  }
0x1f2: {  	v28 =	vor.u32 s6, v0;
	v29 =	vor.u32 s2, v0;
	v15 =	vor.u32 s1, v0;
	s1 =	sadd.s32 $0xFFFFFF90, s14;
	v27 =	vld [tilespmem:s4+$0x50]  }
0x1f3: {  	s2 =	sadd.s32 $0xFFFFFF50, s14;
	vm1 =	vgt.f32 v8, v18;
	v8 =	vmax.f32 v18, v8;
	v18 =	vor.u32 s1, v0  }
0x1f4: {  	vm2 =	vgt.f32 v16, v10;
	v16 =	vmax.f32 v10, v16;
	v10 =	vor.u32 s2, v0;
	v30 =	vld [tilespmem:s4+$0x60]  }
0x1f5: {  	v17 =	vsel vm2, v15, v17;
	v15 =	vld [tilespmem:s4+$0x70];
	vm2 =	vgt.f32 v12, v8;
	v8 =	vmax.f32 v8, v12  }
0x1f6: {  	v7 =	vsel vm0, v23, v7;
	s1 =	sadd.s32 $0xFFFFFFC0, s14;
	vm3 =	vgt.f32 v22, v14;
	vm0 =	vgt.f32 v24, v9;
	v12 =	vld [tilespmem:s4+$0x130]  }
0x1f7: {  	v7 =	vsel vm1, v10, v7;
	v10 =	vor.u32 s1, v0;
	vm1 =	vgt.f32 v27, v16;
	v23 =	vld [tilespmem:s4+$0x120]  }
0x1f8: {  	v14 =	vmax.f32 v14, v22;
	v9 =	vmax.f32 v9, v24;
	v13 =	vsel vm3, v19, v13  }
0x1f9: {  	v7 =	vsel vm2, v18, v7;
	v11 =	vsel vm0, v21, v11;
	vm0 =	vgt.f32 v30, v9;
	v18 =	vld [tilespmem:s4+$0x160]  }
0x1fa: {  	s1 =	sadd.s32 $0xFFFFFFD0, s14;
	v19 =	vsel vm0, v25, v11;
	vm2 =	vgt.f32 v15, v14;
	v14 =	vmax.f32 v14, v15;
	v21 =	vld [tilespmem:s4+$0x110]  }
0x1fb: {  	vm3 =	vgt.f32 v6, v8;
	v9 =	vmax.f32 v9, v30;
	v15 =	vor.u32 s1, v0;
	v11 =	vld [tilespmem:s4+$0x150]  }
.Ltmp8:
0x1fc: {  	vm0 =	vgt.f32 v12, v14;
	v7 =	vsel vm3, v15, v7;
	vm4 =	vgt.f32 v23, v9;
	v15 =	vld [tilespmem:s4+$0x170];
	(pc) =	sbr.rel @p2 .LBB2_15-.Ltmp8, $4  }
0x1fd: {  	v17 =	vsel vm1, v28, v17;
	v14 =	vmax.f32 v14, v12;
	v9 =	vmax.f32 v9, v23  }
0x1fe: {  	v16 =	vmax.f32 v16, v27;
	v13 =	vsel vm2, v20, v13;
	v12 =	vsel vm4, v29, v19  }
0x1ff: {  	vm1 =	vgt.f32 v18, v9;
	vm2 =	vgt.f32 v21, v16;
	v16 =	vmax.f32 v16, v21  }
0x200: {  	s4 =	sadd.s32 $0x200, s4;
	v9 =	vmax.f32 v9, v18;
	v17 =	vsel vm2, v26, v17;
	vm2 =	vgt.f32 v11, v16  }
0x201: {  	v18 =	vmax.f32 v14, v15;
	v11 =	vmax.f32 v16, v11;
	v6 =	vmax.f32 v8, v6  }
0x202: {  	v8 =	vmax.f32 v6, v11;
	v16 =	vmax.f32 v9, v18  }
0x203: {  	v8 =	vmax.f32 v8, v16  }
0x204: {  	(xrf0) =	vmax.scan.msk.f32 $0xffff, v8;
	_ =	sdelay $0x5  }
0x205: {  	v8, _, _ =	vpop (xrf0)  }
0x206: {  	v8 =	vperm.xlane v8, v1;
	_ =	sdelay $0x1  }
0x207: {  	(xrf0) =	vmax.scan.msk.f32 $0xffff, v8;
	_ =	sdelay $0x4  }
0x208: {  	v5 =	vsel vm2, v5, v17  }
0x209: {  	vm2 =	vgt.f32 v15, v14;
	v10 =	vsel vm0, v10, v13;
	v3 =	vsel vm1, v3, v12;
	v8, _, _ =	vpop (xrf0)  }
0x20a: {  	v4 =	vsel vm2, v4, v10;
	vm0 =	veq.f32 v6, v8;
	vm1 =	veq.f32 v9, v8  }
0x20b: {  	vm2 =	veq.f32 v18, v8;
	v6 =	vnsel vm0, $0x1000, v7;
	vm0 =	veq.f32 v11, v8  }
0x20c: {  	v3 =	vnsel vm1, $0x1000, v3;
	v4 =	vnsel vm2, $0x1000, v4;
	v5 =	vnsel vm0, $0x1000, v5  }
0x20d: {  	vm1 =	vlt.s32 v3, v4;
	vm0 =	vlt.s32 v6, v5  }
0x20e: {  	v3 =	vsel vm1, v3, v4;
	v5 =	vsel vm0, v6, v5  }
0x20f: {  	vm0 =	vlt.s32 v5, v3  }
0x210: {  	v3 =	vsel vm0, v5, v3  }
0x211: {  	v3 =	vsub.s32 $0x80000000, v3  }
0x212: {  	(xrf0) =	vmax.scan.msk.u32 $0xffff, v3;
	_ =	sdelay $0x4  }
0x213: {  	s4 =	simm.s32 $0x4080  }
0x214: {  	s15 =	simm.s32 $0x30;
	v12 =	vld [tilespmem:s4+$0x10];
	v3, _, _ =	vpop (xrf0)  }
0x215: {  	s3 =	simm.s32 $0x70;
	s18 =	simm.s32 $0x60;
	v10 =	vimm.s32 $0x0;
	v13 =	vor.u32 s15, v0;
	v17 =	vld [tilespmem:s4+$0x30];
	v3 =	vxor.u32 $0x80000000, v3  }
0x216: {  	s19 =	simm.s32 $0x90;
	s20 =	simm.s32 $0x10;
	s5 =	simm.s32 $0x50;
	v14 =	vor.u32 s3, v0;
	v20 =	vor.u32 s18, v0;
	v7 =	vld [tilespmem:s4+$0x0];
	v3 =	vperm.xlane v3, v1  }
0x217: {  	s21 =	simm.s32 $0xA0;
	v21 =	vor.u32 s19, v0;
	v22 =	vor.u32 s20, v0;
	v24 =	vor.u32 s5, v0;
	v11 =	vld [tilespmem:s4+$0x40]  }
0x218: {  	s16 =	simm.s32 $0x20;
	s17 =	simm.s32 $0x0;
	v25 =	vor.u32 s21, v0;
	v9 =	vld [tilespmem:s4+$0x100];
	v8 =	vimm.f32 $-Inf;
	v3 =	vxor.u32 $0x80000000, v3  }
0x219: {  	s23 =	simm.s32 $0x40;
	v19 =	vld [tilespmem:s4+$0x20];
	v16 =	vor.u32 s16, v0;
	v18 =	vor.u32 s17, v0;
	vm2 =	vgt.f32 v12, v8;
	(xrf0) =	vmax.scan.msk.u32 $0xffff, v3  }
0x21a: {  	s1 =	simm.s32 $0xE0;
	v26 =	vmax.f32 v8, v12;
	v12 =	vor.u32 s23, v0;
	vm3 =	vgt.f32 v17, v8  }
0x21b: {  	v27 =	vld [tilespmem:s4+$0x60];
	v4 =	vor.u32 s1, v0;
	v22 =	vsel vm2, v22, v10;
	v15 =	vmax.f32 v8, v7  }
0x21c: {  	s22 =	simm.s32 $0x80;
	v28 =	vld [tilespmem:s4+$0x70];
	v13 =	vsel vm3, v13, v10;
	vm1 =	vgt.f32 v11, v15;
	v11 =	vmax.f32 v15, v11  }
0x21d: {  	vm0 =	vgt.f32 v7, v8;
	v7 =	vld [tilespmem:s4+$0x140];
	v15 =	vor.u32 s22, v0;
	vm2 =	vgt.f32 v9, v11  }
0x21e: {  	v23 =	vld [tilespmem:s4+$0x50];
	v9 =	vmax.f32 v11, v9;
	v11 =	vsel vm0, v18, v10;
	vm0 =	vgt.f32 v19, v8  }
0x21f: {  	v18 =	vld [tilespmem:s4+$0x130];
	v19 =	vmax.f32 v8, v19;
	v8 =	vmax.f32 v8, v17;
	v12 =	vsel vm1, v12, v11;
	v3, _, _ =	vpop (xrf0)  }
0x220: {  	v17 =	vld [tilespmem:s4+$0x110];
	v10 =	vsel vm0, v16, v10;
	vm0 =	vgt.f32 v27, v19;
	v3 =	vxor.u32 $0x7FFFFFFF, v3  }
0x221: {  	s31 =	simm.s32 $0xC0;
	v16 =	vmax.f32 v8, v28;
	v15 =	vsel vm2, v15, v12;
	v3 =	vadd.s32 $0x1, v3  }
0x222: {  	s2 =	simm.s32 $0xD0;
	v29 =	vld [tilespmem:s4+$0x120];
	vm2 =	vgt.f32 v28, v8;
	v8 =	vor.u32 s31, v0;
	vm3 =	vgt.f32 v7, v9  }
0x223: {  	v30 =	vld [tilespmem:s4+$0x160];
	v6 =	vor.u32 s2, v0;
	v10 =	vsel vm0, v20, v10;
	v8 =	vsel vm3, v8, v15  }
0x224: {  	v12 =	vld [tilespmem:s4+$0x150];
	vm0 =	vgt.f32 v18, v16;
	v15 =	vmax.f32 v16, v18;
	v16 =	vmax.f32 v26, v23  }
0x225: {  	s14 =	simm.s32 $0xF0;
	v14 =	vsel vm2, v14, v13;
	vm2 =	vgt.f32 v17, v16;
	v17 =	vmax.f32 v16, v17;
	v16 =	vld [tilespmem:s4+$0x170]  }
0x226: {  	s24 =	simm.s32 $0xB0;
	v5 =	vor.u32 s14, v0;
	vm1 =	vgt.f32 v23, v26;
	v19 =	vmax.f32 v19, v27;
	v3 =	vld.idx.msk [tilespmem:v3+s28+$0x0], $0xffff  }
0x227: {  	v11 =	vor.u32 s24, v0;
	vm4 =	vgt.f32 v29, v19;
	v19 =	vmax.f32 v19, v29  }
0x228: {  	v20 =	vsel vm1, v24, v22;
	v13 =	vsel vm4, v25, v10;
	vm1 =	vgt.f32 v30, v19  }
0x229: {  	s3 =	simm.s32 $0x0;
	v10 =	vmax.f32 v19, v30;
	s4 =	simm.s32 $0x4280;
	v18 =	vsel vm2, v21, v20;
	vm2 =	vgt.f32 v12, v17  }
.LBB2_17:
0x22a: {  	v19 =	vld [tilespmem:s4+$0x0];
	s3 =	sadd.s32 $0x4, s3;
	v18 =	vsel vm2, v6, v18;
	vm2 =	vgt.f32 v16, v15;
	v15 =	vmax.f32 v15, v16;
	s14 =	sadd.s32 $0x100, s14  }
0x22b: {  	v6 =	vsel vm0, v11, v14;
	v11 =	vmax.f32 v17, v12;
	v12 =	vsel vm1, v4, v13;
	v16 =	vld [tilespmem:s4+$0x140];
	s1 =	sadd.s32 $0xFFFFFFF0, s14;
	p2 =	slt.u32 s3, $0x3C  }
0x22c: {  	v7 =	vmax.f32 v9, v7;
	s2 =	sadd.s32 $0xFFFFFFE0, s14;
	v14 =	vsel vm2, v5, v6;
	v13 =	vld [tilespmem:s4+$0x100];
	v4 =	vor.u32 s1, v0  }
0x22d: {  	s5 =	sadd.s32 $0xFFFFFF80, s14;
	s1 =	sadd.s32 $0xFFFFFF40, s14;
	v6 =	vor.u32 s2, v0;
	v9 =	vld [tilespmem:s4+$0x40]  }
0x22e: {  	v5 =	vor.u32 s14, v0;
	s2 =	sadd.s32 $0xFFFFFF30, s14;
	v21 =	vor.u32 s5, v0;
	v20 =	vor.u32 s1, v0;
	v17 =	vld [tilespmem:s4+$0x10]  }
0x22f: {  	s5 =	sadd.s32 $0xFFFFFFA0, s14;
	s1 =	sadd.s32 $0xFFFFFF10, s14;
	v22 =	vor.u32 s2, v0;
	s2 =	sadd.s32 $0xFFFFFF70, s14;
	vm0 =	vgt.f32 v19, v7;
	v19 =	vmax.f32 v7, v19;
	v23 =	vld [tilespmem:s4+$0x30]  }
0x230: {  	s6 =	sadd.s32 $0xFFFFFF60, s14;
	v27 =	vor.u32 s5, v0;
	v24 =	vor.u32 s1, v0;
	s1 =	sadd.s32 $0xFFFFFF20, s14;
	v26 =	vor.u32 s2, v0;
	s2 =	sadd.s32 $0xFFFFFFB0, s14;
	v25 =	vld [tilespmem:s4+$0x20];
	v7 =	vmovc v16  }
0x231: {  	v29 =	vor.u32 s6, v0;
	v30 =	vor.u32 s2, v0;
	v16 =	vor.u32 s1, v0;
	s1 =	sadd.s32 $0xFFFFFF90, s14;
	v28 =	vld [tilespmem:s4+$0x50]  }
0x232: {  	s2 =	sadd.s32 $0xFFFFFF50, s14;
	vm1 =	vgt.f32 v9, v19;
	v9 =	vmax.f32 v19, v9;
	v19 =	vor.u32 s1, v0  }
0x233: {  	vm2 =	vgt.f32 v17, v11;
	v17 =	vmax.f32 v11, v17;
	v11 =	vor.u32 s2, v0;
	v31 =	vld [tilespmem:s4+$0x60]  }
0x234: {  	v18 =	vsel vm2, v16, v18;
	v16 =	vld [tilespmem:s4+$0x70];
	vm2 =	vgt.f32 v13, v9;
	v9 =	vmax.f32 v9, v13  }
0x235: {  	v8 =	vsel vm0, v24, v8;
	s1 =	sadd.s32 $0xFFFFFFC0, s14;
	vm3 =	vgt.f32 v23, v15;
	vm0 =	vgt.f32 v25, v10;
	v13 =	vld [tilespmem:s4+$0x130]  }
0x236: {  	v8 =	vsel vm1, v11, v8;
	v11 =	vor.u32 s1, v0;
	vm1 =	vgt.f32 v28, v17;
	v24 =	vld [tilespmem:s4+$0x120]  }
0x237: {  	v15 =	vmax.f32 v15, v23;
	v10 =	vmax.f32 v10, v25;
	v14 =	vsel vm3, v20, v14  }
0x238: {  	v8 =	vsel vm2, v19, v8;
	v12 =	vsel vm0, v22, v12;
	vm0 =	vgt.f32 v31, v10;
	v19 =	vld [tilespmem:s4+$0x160]  }
0x239: {  	s1 =	sadd.s32 $0xFFFFFFD0, s14;
	v20 =	vsel vm0, v26, v12;
	vm2 =	vgt.f32 v16, v15;
	v15 =	vmax.f32 v15, v16;
	v22 =	vld [tilespmem:s4+$0x110]  }
0x23a: {  	vm3 =	vgt.f32 v7, v9;
	v10 =	vmax.f32 v10, v31;
	v16 =	vor.u32 s1, v0;
	v12 =	vld [tilespmem:s4+$0x150]  }
.Ltmp9:
0x23b: {  	vm0 =	vgt.f32 v13, v15;
	v8 =	vsel vm3, v16, v8;
	vm4 =	vgt.f32 v24, v10;
	v16 =	vld [tilespmem:s4+$0x170];
	(pc) =	sbr.rel @p2 .LBB2_17-.Ltmp9, $4  }
0x23c: {  	v18 =	vsel vm1, v29, v18;
	v15 =	vmax.f32 v15, v13;
	v10 =	vmax.f32 v10, v24  }
0x23d: {  	v17 =	vmax.f32 v17, v28;
	v14 =	vsel vm2, v21, v14;
	v13 =	vsel vm4, v30, v20  }
0x23e: {  	vm1 =	vgt.f32 v19, v10;
	vm2 =	vgt.f32 v22, v17;
	v17 =	vmax.f32 v17, v22  }
0x23f: {  	s4 =	sadd.s32 $0x200, s4;
	v10 =	vmax.f32 v10, v19;
	v18 =	vsel vm2, v27, v18;
	vm2 =	vgt.f32 v12, v17  }
0x240: {  	v19 =	vmax.f32 v15, v16;
	v12 =	vmax.f32 v17, v12;
	v7 =	vmax.f32 v9, v7  }
0x241: {  	v9 =	vmax.f32 v7, v12;
	v17 =	vmax.f32 v10, v19  }
0x242: {  	v9 =	vmax.f32 v9, v17  }
0x243: {  	(xrf0) =	vmax.scan.msk.f32 $0xffff, v9;
	_ =	sdelay $0x5  }
0x244: {  	v9, _, _ =	vpop (xrf0)  }
0x245: {  	v9 =	vperm.xlane v9, v1;
	_ =	sdelay $0x1  }
0x246: {  	(xrf0) =	vmax.scan.msk.f32 $0xffff, v9;
	_ =	sdelay $0x4  }
0x247: {  	v6 =	vsel vm2, v6, v18  }
0x248: {  	vm13 =	vgt.f32 v16, v15;
	v11 =	vsel vm0, v11, v14;
	v4 =	vsel vm1, v4, v13;
	v9, _, _ =	vpop (xrf0)  }
0x249: {  	v5 =	vsel vm13, v5, v11;
	vm14 =	veq.f32 v7, v9;
	vm15 =	veq.f32 v12, v9  }
0x24a: {  	vm4 =	veq.f32 v10, v9;
	vm5 =	veq.f32 v19, v9;
	v7 =	vnsel vm14, $0x1000, v8  }
0x24b: {  	v6 =	vnsel vm15, $0x1000, v6;
	v4 =	vnsel vm4, $0x1000, v4;
	v5 =	vnsel vm5, $0x1000, v5  }
0x24c: {  	vm0 =	vlt.s32 v7, v6;
	vm1 =	vlt.s32 v4, v5  }
0x24d: {  	v6 =	vsel vm0, v7, v6;
	v4 =	vsel vm1, v4, v5  }
0x24e: {  	vm0 =	vlt.s32 v6, v4  }
0x24f: {  	v4 =	vsel vm0, v6, v4  }
0x250: {  	v4 =	vsub.s32 $0x80000000, v4  }
0x251: {  	(xrf0) =	vmax.scan.msk.u32 $0xffff, v4;
	_ =	sdelay $0x5  }
0x252: {  	v4, _, _ =	vpop (xrf0)  }
0x253: {  	v4 =	vxor.u32 $0x80000000, v4  }
0x254: {  	v4 =	vperm.xlane v4, v1;
	_ =	sdelay $0x1  }
0x255: {  	v4 =	vxor.u32 $0x80000000, v4  }
0x256: {  	(xrf0) =	vmax.scan.msk.u32 $0xffff, v4;
	_ =	sdelay $0x2  }
0x257: {  	s1 =	simm.s32 $0x0  }
0x258: {  	s2 =	sand.u32 $0x40, s1;
	s3 =	sand.u32 $0xF80, s1  }
0x259: {  	s3 =	sor.u32 $0x18000, s3;
	s4 =	sor.u32 $0x30, s2  }
0x25a: {  	s6 =	sor.u32 $0x10, s2;
	s7 =	sor.u32 $0x20, s2;
	s5 =	sor.u32 s4, s3;
	v4, _, _ =	vpop (xrf0)  }
0x25b: {  	s1 =	sand.u32 $0x1F00, s1;
	s22 =	sor.u32 s6, s3;
	s3 =	sor.u32 s7, s3;
	v8 =	vld [tilespmem:s5+$0x0];
	v4 =	vxor.u32 $0x7FFFFFFF, v4  }
0x25c: {  	s4 =	sor.u32 s4, s1;
	v11 =	vld [tilespmem:s3+$0x0];
	v4 =	vadd.s32 $0x1, v4  }
0x25d: {  	s23 =	sor.u32 s6, s1;
	s7 =	sor.u32 s7, s1;
	s1 =	sor.u32 s2, s1;
	v6 =	vld [tilespmem:s4+$0xC000]  }
0x25e: {  	v13 =	vld [tilespmem:s1+$0xC000]  }
0x25f: {  	p2 =	por $0x0, $0x0;
	s9 =	simm.s32 $0x1;
	v9 =	vld [tilespmem:s22+$0x0]  }
0x260: {  	s21 =	simm.s32 $0x18000;
	s9 =	simm.s32 @!p2 $0x0;
	v10 =	vld [tilespmem:s23+$0xC000];
	vm6 =	veq.s32 v8, v3  }
0x261: {  	s15 =	sshll.u32 s9, $0x6;
	v7 =	vsel vm6, $0x147AE, v2;
	v4 =	vld.idx.msk [tilespmem:v4+s21+$0x0], $0xffff  }
0x262: {  	s16 =	simm.s32 $0x40;
	s18 =	simm.s32 $0x18040;
	s3 =	sadd.s32 $0x0, s15;
	v12 =	vld [tilespmem:s7+$0xC000];
	v6 =	vadd.f32 v7, v6  }
0x263: {  	s11 =	sand.u32 $0x40, s16;
	s2 =	sand.u32 $0xF80, s16;
	s17 =	sadd.s32 $0x30, s3;
	v5 =	vld [tilespmem:s21+$0x0]  }
0x264: {  	s19 =	sor.u32 $0x30, s11;
	s2 =	sor.u32 $0x18000, s2;
	s16 =	sor.u32 $0x4080, s17;
	vm7 =	veq.s32 v9, v3;
	v7 =	vld [tilespmem:s18+$0x0];
	[tilespmem:s4+$0x14000] =	vst v6  }
0x265: {  	s14 =	simm.s32 $0x80;
	s15 =	sor.u32 $0x10, s11;
	s20 =	sor.u32 s19, s2;
	vm9 =	veq.s32 v11, v3;
	v15 =	vsel vm7, $0x147AE, v2;
	v14 =	vld [tilespmem:s16+$0x8000]  }
0x266: {  	s17 =	sand.u32 $0x1F00, s14;
	v15 =	vadd.f32 v15, v10;
	v10 =	vsel vm9, $0x147AE, v2;
	s21 =	sor.u32 s15, s2;
	vm8 =	veq.s32 v9, v4;
	v9 =	vld [tilespmem:s20+$0x0]  }
0x267: {  	s9 =	sor.u32 s19, s17;
	v12 =	vadd.f32 v10, v12;
	s18 =	sor.u32 $0x20, s11;
	v16 =	vld [tilespmem:s21+$0x0]  }
0x268: {  	p2 =	por !p2, !p2;
	v18 =	vld [tilespmem:s9+$0xC000];
	vm10 =	veq.s32 v5, v3;
	s6 =	sor.u32 s18, s17  }
0x269: {  	s19 =	sadd.s32 $0x10, s3;
	s31 =	sor.u32 s15, s17;
	v17 =	vsel vm10, $0x147AE, v2;
	s2 =	sor.u32 s18, s2;
	[tilespmem:s7+$0x14000] =	vst v12;
	v12 =	vld [tilespmem:s6+$0xC000];
	vm11 =	veq.s32 v8, v4;
	vm12 =	veq.s32 v11, v4  }
0x26a: {  	s24 =	sor.u32 s11, s17;
	s22 =	sadd.s32 $0x20, s3;
	[tilespmem:s23+$0x14000] =	vst v15;
	v10 =	vld [tilespmem:s2+$0x0];
	s2 =	simm.s32 $0x1;
	v11 =	vadd.f32 v17, v13;
	v6 =	vsel vm8, $0x147AE, v2;
	v15 =	vsel vm11, $0x147AE, v2  }
0x26b: {  	s5 =	sor.u32 $0x4080, s22;
	s4 =	simm.s32 $0x4;
	s2 =	simm.s32 @!p2 $0x0;
	v13 =	vld [tilespmem:s31+$0xC000];
	v8 =	vsel vm12, $0x147AE, v2;
	v15 =	vadd.f32 v14, v15;
	vm13 =	veq.s32 v9, v3  }
0x26c: {  	s15 =	sor.u32 $0x4080, s3;
	s3 =	sor.u32 $0x4080, s19;
	s23 =	sshll.u32 s2, $0x6;
	vm14 =	veq.s32 v16, v3;
	vm15 =	veq.s32 v16, v4;
	[tilespmem:s1+$0x14000] =	vst v11;
	v14 =	vld [tilespmem:s24+$0xC000];
	v16 =	vsel vm13, $0x147AE, v2  }
0x26d: {  	s11 =	sadd.s32 $0x80, s23;
	s23 =	simm.s32 $0x80;
	v17 =	vsel vm14, $0x147AE, v2;
	v11 =	vsel vm15, $0x147AE, v2;
	[tilespmem:s16+$0x10000] =	vst v15;
	s16 =	simm.s32 $0x18080;
	v15 =	vld [tilespmem:s3+$0x8000];
	v16 =	vadd.f32 v16, v18  }
.LBB2_19:
0x26e: {  	s1 =	sand.u32 $0x40, s23  }
0x26f: {  	vm0 =	veq.s32 v7, v3;
	s2 =	sadd.s32 $0x10, s11;
	vm1 =	veq.s32 v10, v3;
	vm2 =	veq.s32 v10, v4;
	s7 =	sadd.s32 $0x30, s11;
	v10 =	vld [tilespmem:s5+$0x8000];
	s17 =	sand.u32 $0xF80, s23  }
0x270: {  	s4 =	sadd.s32 $0x4, s4;
	s14 =	sadd.s32 $0x80, s14;
	v13 =	vadd.f32 v17, v13;
	v17 =	vsel vm1, $0x147AE, v2;
	v18 =	vsel vm2, $0x147AE, v2;
	[tilespmem:s9+$0x14000] =	vst v16;
	s7 =	sor.u32 $0x4080, s7;
	v16 =	vld [tilespmem:s15+$0x8000]  }
0x271: {  	s9 =	sor.u32 $0x18000, s17;
	s17 =	sor.u32 $0x30, s1;
	p3 =	slt.u32 s4, $0xFC;
	v19 =	vsel vm0, $0x147AE, v2;
	v12 =	vadd.f32 v17, v12;
	v17 =	vld [tilespmem:s7+$0x8000]  }
0x272: {  	s18 =	sor.u32 $0x10, s1;
	s20 =	sand.u32 $0x1F00, s14;
	s19 =	sor.u32 s17, s9;
	v20 =	vld [tilespmem:s16+$0x0];
	v14 =	vadd.f32 v19, v14;
	[tilespmem:s31+$0x14000] =	vst v13  }
0x273: {  	s22 =	sor.u32 $0x20, s1;
	vm0 =	veq.s32 v5, v4;
	v5 =	vmovc v7;
	s21 =	sor.u32 s18, s9;
	s31 =	sor.u32 s18, s20;
	v19 =	vld [tilespmem:s19+$0x0];
	[tilespmem:s6+$0x14000] =	vst v12;
	v12 =	vadd.f32 v15, v6;
	v6 =	vmov v11  }
0x274: {  	vm1 =	veq.s32 v9, v4;
	v7 =	vsel vm0, $0x147AE, v2;
	s18 =	sor.u32 s22, s9;
	s9 =	sor.u32 s17, s20;
	s6 =	sor.u32 s22, s20;
	v11 =	vld [tilespmem:s21+$0x0];
	[tilespmem:s24+$0x14000] =	vst v14;
	v9 =	vadd.f32 v10, v8;
	v8 =	vmovc v18  }
0x275: {  	v13 =	vsel vm1, $0x147AE, v2;
	s24 =	sor.u32 s1, s20;
	s1 =	sadd.s32 $0x20, s11;
	s11 =	sor.u32 $0x4080, s11;
	v15 =	vld [tilespmem:s9+$0xC000];
	v16 =	vadd.f32 v16, v7;
	[tilespmem:s3+$0x10000] =	vst v12  }
.Ltmp10:
0x276: {  	s3 =	sor.u32 $0x4080, s2;
	v10 =	vld [tilespmem:s18+$0x0];
	v14 =	vadd.f32 v17, v13;
	[tilespmem:s5+$0x10000] =	vst v9;
	s5 =	sor.u32 $0x4080, s1;
	(pc) =	sbr.rel @p3 .LBB2_19-.Ltmp10, $4  }
0x277: {  	p2 =	por !p2, !p2;
	s1 =	simm.s32 $0x1;
	v13 =	vld [tilespmem:s31+$0xC000];
	[tilespmem:s15+$0x10000] =	vst v16;
	v7 =	vmov v20;
	s15 =	smov.u32 s11  }
0x278: {  	s1 =	simm.s32 @!p2 $0x0;
	v12 =	vld [tilespmem:s6+$0xC000];
	vm0 =	veq.s32 v19, v3;
	[tilespmem:s7+$0x10000] =	vst v14;
	v9 =	vmov v19  }
0x279: {  	s1 =	sshll.u32 s1, $0x6;
	v14 =	vld [tilespmem:s24+$0xC000];
	vm1 =	veq.s32 v11, v3;
	vm2 =	veq.s32 v11, v4;
	v16 =	vsel vm0, $0x147AE, v2  }
0x27a: {  	s23 =	sadd.s32 $0x40, s23;
	s16 =	sadd.s32 $0x40, s16;
	s11 =	sadd.s32 s1, s14;
	v17 =	vsel vm1, $0x147AE, v2;
	v11 =	vsel vm2, $0x147AE, v2;
	v16 =	vadd.f32 v16, v15;
	v15 =	vld [tilespmem:s3+$0x8000]  }
0x27b: {  	vm0 =	veq.s32 v10, v3  }
0x27c: {  	vm1 =	veq.s32 v7, v3;
	s1 =	sadd.s32 $0x30, s11;
	v3 =	vld [tilespmem:s5+$0x8000];
	v13 =	vadd.f32 v17, v13;
	v17 =	vsel vm0, $0x147AE, v2  }
0x27d: {  	s2 =	sadd.s32 $0x10, s11;
	[tilespmem:s9+$0x14000] =	vst v16;
	s1 =	sor.u32 $0x4080, s1;
	v16 =	vld [tilespmem:s15+$0x8000];
	v18 =	vsel vm1, $0x147AE, v2;
	v12 =	vadd.f32 v17, v12  }
0x27e: {  	s4 =	sadd.s32 $0x20, s11;
	s2 =	sor.u32 $0x4080, s2;
	v17 =	vld [tilespmem:s1+$0x8000];
	v14 =	vadd.f32 v18, v14;
	[tilespmem:s31+$0x14000] =	vst v13  }
0x27f: {  	s4 =	sor.u32 $0x4080, s4;
	[tilespmem:s6+$0x14000] =	vst v12;
	v12 =	vld [tilespmem:s2+$0x8000]  }
0x280: {  	vm0 =	veq.s32 v5, v4;
	s31 =	sor.u32 $0x4080, s11;
	v5 =	vadd.f32 v15, v6;
	[tilespmem:s24+$0x14000] =	vst v14;
	v6 =	vld [tilespmem:s4+$0x8000]  }
0x281: {  	vm1 =	veq.s32 v9, v4;
	v9 =	vsel vm0, $0x147AE, v2;
	v3 =	vadd.f32 v3, v8;
	v8 =	vld [tilespmem:s31+$0x8000]  }
0x282: {  	v13 =	vsel vm1, $0x147AE, v2;
	v9 =	vadd.f32 v16, v9;
	[tilespmem:s3+$0x10000] =	vst v5  }
0x283: {  	vm0 =	veq.s32 v10, v4;
	v5 =	vadd.f32 v17, v13;
	[tilespmem:s5+$0x10000] =	vst v3  }
0x284: {  	v3 =	vsel vm0, $0x147AE, v2;
	vm0 =	veq.s32 v7, v4;
	[tilespmem:s15+$0x10000] =	vst v9;
	v4 =	vadd.f32 v12, v11  }
0x285: {  	[tilespmem:s1+$0x10000] =	vst v5;
	v5 =	vsel vm0, $0x147AE, v2;
	v3 =	vadd.f32 v6, v3  }
0x286: {  	v5 =	vadd.f32 v8, v5;
	[tilespmem:s2+$0x10000] =	vst v4  }
0x287: {  	[tilespmem:s4+$0x10000] =	vst v3  }
0x288: {  	[tilespmem:s31+$0x10000] =	vst v5  }
0x289: {  	s1 =	rddreg [dreg:$0x12]  }
0x28a: {  	s5 =	simm.s32 $0x14000;
	s1 =	sadd.s32 s13, s1  }
0x28b: {  	[hbm4b:s1+s25] =	stream.strided.scatter [tilespmem:s5], [sflag:$0x7], $0x2000, s26, s25, $0x38;
	[tilespmem:$0x19000] =	vst v63  }
0x28c: {  	s1 =	rddreg [dreg:$0x13]  }
0x28d: {  	s3 =	simm.s32 @!p1 $0x100;
	s2 =	rddreg [dreg:$0x1];
	s1 =	sadd.s32 @!p1 s12, s1  }
0x28e: {  	s4 =	simm.s32 @!p1 $0x400;
	s5 =	simm.s32 @!p1 $0x4000;
	s2 =	sadd.s32 @!p1 s2, s1  }
0x28f: {  	[tilespmem:s5], [sflag:$0x3] =	stream.strided.gather @!p1 [hbm4b:s2+s3], $0x2000, s4, s3, $0x38;
	[tilespmem:$0x19000] =	vst v63  }
0x290: {  	s2 =	rddreg [dreg:$0x0]  }
0x291: {  	s1 =	sadd.s32 @!p1 s2, s1;
	s2 =	simm.s32 @!p1 $0xC000  }
0x292: {  	[tilespmem:s2], [sflag:$0x3] =	stream.strided.gather @!p1 [hbm4b:s1+s3], $0x2000, s4, s3, $0x38;
	[tilespmem:$0x19000] =	vst v63  }
0x293: {  	_ =	swait.ge [sflag:s10], $0x2000  }
0x294: {  	[sflag:s10] =	ssyncset.done $0x0  }
0x295: {  	[sflag:s10] =	ssyncadd.s32 $0xFFFFE000  }
0x296: {  	_ =	swait.ge [sflag:s10], $0x2000  }
0x297: {  	[sflag:s10] =	ssyncset.done $0x0  }
0x298: {  	s1 =	simm.s32 @!p0 $0x8;
	[sflag:s10] =	ssyncadd.s32 $0xFFFFE000  }
0x299: {  	_ =	swait.ge @!p0 [sflag:s1], $0x2000  }
0x29a: {  	[sflag:s1] =	ssyncset.done @!p0 $0x0  }
0x29b: {  	s4 =	simm.s32 $0x6000;
	[sflag:s1] =	ssyncadd.s32 @!p0 $0xFFFFE000  }
0x29c: {  	v6 =	vld [tilespmem:s4+$0x0]  }
0x29d: {  	s17 =	simm.s32 $0x60;
	v10 =	vld [tilespmem:s4+$0x40]  }
0x29e: {  	s18 =	simm.s32 $0x90;
	s19 =	simm.s32 $0x10;
	s20 =	simm.s32 $0x50;
	v19 =	vor.u32 s17, v0;
	v11 =	vld [tilespmem:s4+$0x10]  }
0x29f: {  	s21 =	simm.s32 $0xA0;
	v20 =	vor.u32 s18, v0;
	v21 =	vor.u32 s19, v0;
	v23 =	vor.u32 s20, v0;
	s11 =	simm.s32 $0x70;
	v16 =	vld [tilespmem:s4+$0x30]  }
0x2a0: {  	s16 =	simm.s32 $0x0;
	s9 =	simm.s32 $0x30;
	v24 =	vor.u32 s21, v0;
	v7 =	vimm.f32 $-Inf;
	v13 =	vor.u32 s11, v0  }
0x2a1: {  	s14 =	simm.s32 $0xF0;
	v17 =	vor.u32 s16, v0;
	v9 =	vimm.s32 $0x0;
	s15 =	simm.s32 $0x20;
	v12 =	vor.u32 s9, v0;
	v8 =	vld [tilespmem:s4+$0x100]  }
0x2a2: {  	v15 =	vor.u32 s15, v0;
	v4 =	vor.u32 s14, v0;
	v18 =	vld [tilespmem:s4+$0x20];
	vm0 =	vgt.f32 v6, v7  }
0x2a3: {  	s23 =	simm.s32 $0x40;
	v26 =	vld [tilespmem:s4+$0x60];
	v14 =	vmax.f32 v7, v6;
	vm2 =	vgt.f32 v11, v7;
	v25 =	vmax.f32 v7, v11  }
0x2a4: {  	s22 =	simm.s32 $0x80;
	v27 =	vld [tilespmem:s4+$0x70];
	v11 =	vor.u32 s23, v0;
	vm3 =	vgt.f32 v16, v7;
	vm1 =	vgt.f32 v10, v14  }
0x2a5: {  	v6 =	vld [tilespmem:s4+$0x140];
	v10 =	vmax.f32 v14, v10;
	v14 =	vor.u32 s22, v0;
	v21 =	vsel vm2, v21, v9  }
0x2a6: {  	v22 =	vld [tilespmem:s4+$0x50];
	v12 =	vsel vm3, v12, v9;
	vm2 =	vgt.f32 v8, v10;
	v8 =	vmax.f32 v10, v8  }
0x2a7: {  	v10 =	vsel vm0, v17, v9;
	vm0 =	vgt.f32 v18, v7;
	v17 =	vld [tilespmem:s4+$0x130];
	v18 =	vmax.f32 v7, v18  }
0x2a8: {  	v7 =	vmax.f32 v7, v16;
	v16 =	vld [tilespmem:s4+$0x110];
	v11 =	vsel vm1, v11, v10;
	v9 =	vsel vm0, v15, v9  }
0x2a9: {  	s31 =	simm.s32 $0xC0;
	vm0 =	vgt.f32 v26, v18;
	v15 =	vmax.f32 v7, v27;
	v14 =	vsel vm2, v14, v11  }
0x2aa: {  	s6 =	simm.s32 $0xE0;
	v28 =	vld [tilespmem:s4+$0x120];
	vm2 =	vgt.f32 v27, v7;
	v7 =	vor.u32 s31, v0;
	vm3 =	vgt.f32 v6, v8  }
0x2ab: {  	v3 =	vor.u32 s6, v0;
	v29 =	vld [tilespmem:s4+$0x160];
	v9 =	vsel vm0, v19, v9;
	v7 =	vsel vm3, v7, v14  }
0x2ac: {  	v11 =	vld [tilespmem:s4+$0x150];
	vm0 =	vgt.f32 v17, v15;
	v14 =	vmax.f32 v15, v17;
	v15 =	vmax.f32 v25, v22  }
0x2ad: {  	s7 =	simm.s32 $0xD0;
	v13 =	vsel vm2, v13, v12;
	vm2 =	vgt.f32 v16, v15;
	v16 =	vmax.f32 v15, v16;
	v15 =	vld [tilespmem:s4+$0x170]  }
0x2ae: {  	s24 =	simm.s32 $0xB0;
	v5 =	vor.u32 s7, v0;
	vm1 =	vgt.f32 v22, v25;
	v18 =	vmax.f32 v18, v26  }
0x2af: {  	v10 =	vor.u32 s24, v0;
	vm4 =	vgt.f32 v28, v18;
	v18 =	vmax.f32 v18, v28  }
0x2b0: {  	v19 =	vsel vm1, v23, v21;
	v12 =	vsel vm4, v24, v9;
	vm1 =	vgt.f32 v29, v18  }
0x2b1: {  	s3 =	simm.s32 $0x0;
	v9 =	vmax.f32 v18, v29;
	s4 =	simm.s32 $0x6200;
	v17 =	vsel vm2, v20, v19;
	vm2 =	vgt.f32 v11, v16  }
.LBB2_21:
0x2b2: {  	v18 =	vld [tilespmem:s4+$0x0];
	s3 =	sadd.s32 $0x4, s3;
	v17 =	vsel vm2, v5, v17;
	vm2 =	vgt.f32 v15, v14;
	v14 =	vmax.f32 v14, v15;
	s14 =	sadd.s32 $0x100, s14  }
0x2b3: {  	v5 =	vsel vm0, v10, v13;
	v10 =	vmax.f32 v16, v11;
	v11 =	vsel vm1, v3, v12;
	v15 =	vld [tilespmem:s4+$0x140];
	s1 =	sadd.s32 $0xFFFFFFF0, s14;
	p0 =	slt.u32 s3, $0x3C  }
0x2b4: {  	v6 =	vmax.f32 v8, v6;
	s2 =	sadd.s32 $0xFFFFFFE0, s14;
	v13 =	vsel vm2, v4, v5;
	v12 =	vld [tilespmem:s4+$0x100];
	v3 =	vor.u32 s1, v0  }
0x2b5: {  	s5 =	sadd.s32 $0xFFFFFF80, s14;
	s1 =	sadd.s32 $0xFFFFFF40, s14;
	v5 =	vor.u32 s2, v0;
	v8 =	vld [tilespmem:s4+$0x40]  }
0x2b6: {  	v4 =	vor.u32 s14, v0;
	s2 =	sadd.s32 $0xFFFFFF30, s14;
	v20 =	vor.u32 s5, v0;
	v19 =	vor.u32 s1, v0;
	v16 =	vld [tilespmem:s4+$0x10]  }
0x2b7: {  	s5 =	sadd.s32 $0xFFFFFFA0, s14;
	s1 =	sadd.s32 $0xFFFFFF10, s14;
	v21 =	vor.u32 s2, v0;
	s2 =	sadd.s32 $0xFFFFFF70, s14;
	vm0 =	vgt.f32 v18, v6;
	v18 =	vmax.f32 v6, v18;
	v22 =	vld [tilespmem:s4+$0x30]  }
0x2b8: {  	s6 =	sadd.s32 $0xFFFFFF60, s14;
	v26 =	vor.u32 s5, v0;
	v23 =	vor.u32 s1, v0;
	s1 =	sadd.s32 $0xFFFFFF20, s14;
	v25 =	vor.u32 s2, v0;
	s2 =	sadd.s32 $0xFFFFFFB0, s14;
	v24 =	vld [tilespmem:s4+$0x20];
	v6 =	vmovc v15  }
0x2b9: {  	v28 =	vor.u32 s6, v0;
	v29 =	vor.u32 s2, v0;
	v15 =	vor.u32 s1, v0;
	s1 =	sadd.s32 $0xFFFFFF90, s14;
	v27 =	vld [tilespmem:s4+$0x50]  }
0x2ba: {  	s2 =	sadd.s32 $0xFFFFFF50, s14;
	vm1 =	vgt.f32 v8, v18;
	v8 =	vmax.f32 v18, v8;
	v18 =	vor.u32 s1, v0  }
0x2bb: {  	vm2 =	vgt.f32 v16, v10;
	v16 =	vmax.f32 v10, v16;
	v10 =	vor.u32 s2, v0;
	v30 =	vld [tilespmem:s4+$0x60]  }
0x2bc: {  	v17 =	vsel vm2, v15, v17;
	v15 =	vld [tilespmem:s4+$0x70];
	vm2 =	vgt.f32 v12, v8;
	v8 =	vmax.f32 v8, v12  }
0x2bd: {  	v7 =	vsel vm0, v23, v7;
	s1 =	sadd.s32 $0xFFFFFFC0, s14;
	vm3 =	vgt.f32 v22, v14;
	vm0 =	vgt.f32 v24, v9;
	v12 =	vld [tilespmem:s4+$0x130]  }
0x2be: {  	v7 =	vsel vm1, v10, v7;
	v10 =	vor.u32 s1, v0;
	vm1 =	vgt.f32 v27, v16;
	v23 =	vld [tilespmem:s4+$0x120]  }
0x2bf: {  	v14 =	vmax.f32 v14, v22;
	v9 =	vmax.f32 v9, v24;
	v13 =	vsel vm3, v19, v13  }
0x2c0: {  	v7 =	vsel vm2, v18, v7;
	v11 =	vsel vm0, v21, v11;
	vm0 =	vgt.f32 v30, v9;
	v18 =	vld [tilespmem:s4+$0x160]  }
0x2c1: {  	s1 =	sadd.s32 $0xFFFFFFD0, s14;
	v19 =	vsel vm0, v25, v11;
	vm2 =	vgt.f32 v15, v14;
	v14 =	vmax.f32 v14, v15;
	v21 =	vld [tilespmem:s4+$0x110]  }
0x2c2: {  	vm3 =	vgt.f32 v6, v8;
	v9 =	vmax.f32 v9, v30;
	v15 =	vor.u32 s1, v0;
	v11 =	vld [tilespmem:s4+$0x150]  }
.Ltmp11:
0x2c3: {  	vm0 =	vgt.f32 v12, v14;
	v7 =	vsel vm3, v15, v7;
	vm4 =	vgt.f32 v23, v9;
	v15 =	vld [tilespmem:s4+$0x170];
	(pc) =	sbr.rel @p0 .LBB2_21-.Ltmp11, $4  }
0x2c4: {  	v17 =	vsel vm1, v28, v17;
	v14 =	vmax.f32 v14, v12;
	v9 =	vmax.f32 v9, v23  }
0x2c5: {  	v16 =	vmax.f32 v16, v27;
	v13 =	vsel vm2, v20, v13;
	v12 =	vsel vm4, v29, v19  }
0x2c6: {  	vm1 =	vgt.f32 v18, v9;
	vm2 =	vgt.f32 v21, v16;
	v16 =	vmax.f32 v16, v21  }
0x2c7: {  	s4 =	sadd.s32 $0x200, s4;
	v9 =	vmax.f32 v9, v18;
	v17 =	vsel vm2, v26, v17;
	vm2 =	vgt.f32 v11, v16  }
0x2c8: {  	v18 =	vmax.f32 v14, v15;
	v11 =	vmax.f32 v16, v11;
	v6 =	vmax.f32 v8, v6  }
0x2c9: {  	v8 =	vmax.f32 v6, v11;
	v16 =	vmax.f32 v9, v18  }
0x2ca: {  	v8 =	vmax.f32 v8, v16  }
0x2cb: {  	(xrf0) =	vmax.scan.msk.f32 $0xffff, v8;
	_ =	sdelay $0x5  }
0x2cc: {  	v8, _, _ =	vpop (xrf0)  }
0x2cd: {  	v8 =	vperm.xlane v8, v1;
	_ =	sdelay $0x1  }
0x2ce: {  	(xrf0) =	vmax.scan.msk.f32 $0xffff, v8;
	_ =	sdelay $0x4  }
0x2cf: {  	v5 =	vsel vm2, v5, v17  }
0x2d0: {  	vm2 =	vgt.f32 v15, v14;
	v10 =	vsel vm0, v10, v13;
	v3 =	vsel vm1, v3, v12;
	v8, _, _ =	vpop (xrf0)  }
0x2d1: {  	v4 =	vsel vm2, v4, v10;
	vm0 =	veq.f32 v6, v8;
	vm1 =	veq.f32 v9, v8  }
0x2d2: {  	vm2 =	veq.f32 v18, v8;
	v6 =	vnsel vm0, $0x1000, v7;
	vm0 =	veq.f32 v11, v8  }
0x2d3: {  	v3 =	vnsel vm1, $0x1000, v3;
	v4 =	vnsel vm2, $0x1000, v4;
	v5 =	vnsel vm0, $0x1000, v5  }
0x2d4: {  	vm1 =	vlt.s32 v3, v4;
	vm0 =	vlt.s32 v6, v5  }
0x2d5: {  	v3 =	vsel vm1, v3, v4;
	v5 =	vsel vm0, v6, v5  }
0x2d6: {  	vm0 =	vlt.s32 v5, v3  }
0x2d7: {  	v3 =	vsel vm0, v5, v3  }
0x2d8: {  	v3 =	vsub.s32 $0x80000000, v3  }
0x2d9: {  	(xrf0) =	vmax.scan.msk.u32 $0xffff, v3;
	_ =	sdelay $0x4  }
0x2da: {  	s4 =	simm.s32 $0x6080  }
0x2db: {  	s15 =	simm.s32 $0x30;
	v12 =	vld [tilespmem:s4+$0x10];
	v3, _, _ =	vpop (xrf0)  }
0x2dc: {  	s3 =	simm.s32 $0x70;
	s18 =	simm.s32 $0x60;
	v10 =	vimm.s32 $0x0;
	v13 =	vor.u32 s15, v0;
	v17 =	vld [tilespmem:s4+$0x30];
	v3 =	vxor.u32 $0x80000000, v3  }
0x2dd: {  	s19 =	simm.s32 $0x90;
	s20 =	simm.s32 $0x10;
	s5 =	simm.s32 $0x50;
	v14 =	vor.u32 s3, v0;
	v20 =	vor.u32 s18, v0;
	v7 =	vld [tilespmem:s4+$0x0];
	v3 =	vperm.xlane v3, v1  }
0x2de: {  	s21 =	simm.s32 $0xA0;
	v21 =	vor.u32 s19, v0;
	v22 =	vor.u32 s20, v0;
	v24 =	vor.u32 s5, v0;
	v11 =	vld [tilespmem:s4+$0x40]  }
0x2df: {  	s16 =	simm.s32 $0x20;
	s17 =	simm.s32 $0x0;
	v25 =	vor.u32 s21, v0;
	v9 =	vld [tilespmem:s4+$0x100];
	v8 =	vimm.f32 $-Inf;
	v3 =	vxor.u32 $0x80000000, v3  }
0x2e0: {  	s23 =	simm.s32 $0x40;
	v19 =	vld [tilespmem:s4+$0x20];
	v16 =	vor.u32 s16, v0;
	v18 =	vor.u32 s17, v0;
	vm2 =	vgt.f32 v12, v8;
	(xrf0) =	vmax.scan.msk.u32 $0xffff, v3  }
0x2e1: {  	s1 =	simm.s32 $0xE0;
	v26 =	vmax.f32 v8, v12;
	v12 =	vor.u32 s23, v0;
	vm3 =	vgt.f32 v17, v8  }
0x2e2: {  	v27 =	vld [tilespmem:s4+$0x60];
	v4 =	vor.u32 s1, v0;
	v22 =	vsel vm2, v22, v10;
	v15 =	vmax.f32 v8, v7  }
0x2e3: {  	s22 =	simm.s32 $0x80;
	v28 =	vld [tilespmem:s4+$0x70];
	v13 =	vsel vm3, v13, v10;
	vm1 =	vgt.f32 v11, v15;
	v11 =	vmax.f32 v15, v11  }
0x2e4: {  	vm0 =	vgt.f32 v7, v8;
	v7 =	vld [tilespmem:s4+$0x140];
	v15 =	vor.u32 s22, v0;
	vm2 =	vgt.f32 v9, v11  }
0x2e5: {  	v23 =	vld [tilespmem:s4+$0x50];
	v9 =	vmax.f32 v11, v9;
	v11 =	vsel vm0, v18, v10;
	vm0 =	vgt.f32 v19, v8  }
0x2e6: {  	v18 =	vld [tilespmem:s4+$0x130];
	v19 =	vmax.f32 v8, v19;
	v8 =	vmax.f32 v8, v17;
	v12 =	vsel vm1, v12, v11;
	v3, _, _ =	vpop (xrf0)  }
0x2e7: {  	v17 =	vld [tilespmem:s4+$0x110];
	v10 =	vsel vm0, v16, v10;
	vm0 =	vgt.f32 v27, v19;
	v3 =	vxor.u32 $0x7FFFFFFF, v3  }
0x2e8: {  	s31 =	simm.s32 $0xC0;
	v16 =	vmax.f32 v8, v28;
	v15 =	vsel vm2, v15, v12;
	v3 =	vadd.s32 $0x1, v3  }
0x2e9: {  	s2 =	simm.s32 $0xD0;
	v29 =	vld [tilespmem:s4+$0x120];
	vm2 =	vgt.f32 v28, v8;
	v8 =	vor.u32 s31, v0;
	vm3 =	vgt.f32 v7, v9  }
0x2ea: {  	v30 =	vld [tilespmem:s4+$0x160];
	v6 =	vor.u32 s2, v0;
	v10 =	vsel vm0, v20, v10;
	v8 =	vsel vm3, v8, v15  }
0x2eb: {  	v12 =	vld [tilespmem:s4+$0x150];
	vm0 =	vgt.f32 v18, v16;
	v15 =	vmax.f32 v16, v18;
	v16 =	vmax.f32 v26, v23  }
0x2ec: {  	s14 =	simm.s32 $0xF0;
	v14 =	vsel vm2, v14, v13;
	vm2 =	vgt.f32 v17, v16;
	v17 =	vmax.f32 v16, v17;
	v16 =	vld [tilespmem:s4+$0x170]  }
0x2ed: {  	s24 =	simm.s32 $0xB0;
	v5 =	vor.u32 s14, v0;
	vm1 =	vgt.f32 v23, v26;
	v19 =	vmax.f32 v19, v27;
	v3 =	vld.idx.msk [tilespmem:v3+s28+$0x0], $0xffff  }
0x2ee: {  	v11 =	vor.u32 s24, v0;
	vm4 =	vgt.f32 v29, v19;
	v19 =	vmax.f32 v19, v29  }
0x2ef: {  	v20 =	vsel vm1, v24, v22;
	v13 =	vsel vm4, v25, v10;
	vm1 =	vgt.f32 v30, v19  }
0x2f0: {  	s3 =	simm.s32 $0x0;
	v10 =	vmax.f32 v19, v30;
	s4 =	simm.s32 $0x6280;
	v18 =	vsel vm2, v21, v20;
	vm2 =	vgt.f32 v12, v17  }
.LBB2_23:
0x2f1: {  	v19 =	vld [tilespmem:s4+$0x0];
	s3 =	sadd.s32 $0x4, s3;
	v18 =	vsel vm2, v6, v18;
	vm2 =	vgt.f32 v16, v15;
	v15 =	vmax.f32 v15, v16;
	s14 =	sadd.s32 $0x100, s14  }
0x2f2: {  	v6 =	vsel vm0, v11, v14;
	v11 =	vmax.f32 v17, v12;
	v12 =	vsel vm1, v4, v13;
	v16 =	vld [tilespmem:s4+$0x140];
	s1 =	sadd.s32 $0xFFFFFFF0, s14;
	p0 =	slt.u32 s3, $0x3C  }
0x2f3: {  	v7 =	vmax.f32 v9, v7;
	s2 =	sadd.s32 $0xFFFFFFE0, s14;
	v14 =	vsel vm2, v5, v6;
	v13 =	vld [tilespmem:s4+$0x100];
	v4 =	vor.u32 s1, v0  }
0x2f4: {  	s5 =	sadd.s32 $0xFFFFFF80, s14;
	s1 =	sadd.s32 $0xFFFFFF40, s14;
	v6 =	vor.u32 s2, v0;
	v9 =	vld [tilespmem:s4+$0x40]  }
0x2f5: {  	v5 =	vor.u32 s14, v0;
	s2 =	sadd.s32 $0xFFFFFF30, s14;
	v21 =	vor.u32 s5, v0;
	v20 =	vor.u32 s1, v0;
	v17 =	vld [tilespmem:s4+$0x10]  }
0x2f6: {  	s5 =	sadd.s32 $0xFFFFFFA0, s14;
	s1 =	sadd.s32 $0xFFFFFF10, s14;
	v22 =	vor.u32 s2, v0;
	s2 =	sadd.s32 $0xFFFFFF70, s14;
	vm0 =	vgt.f32 v19, v7;
	v19 =	vmax.f32 v7, v19;
	v23 =	vld [tilespmem:s4+$0x30]  }
0x2f7: {  	s6 =	sadd.s32 $0xFFFFFF60, s14;
	v27 =	vor.u32 s5, v0;
	v24 =	vor.u32 s1, v0;
	s1 =	sadd.s32 $0xFFFFFF20, s14;
	v26 =	vor.u32 s2, v0;
	s2 =	sadd.s32 $0xFFFFFFB0, s14;
	v25 =	vld [tilespmem:s4+$0x20];
	v7 =	vmovc v16  }
0x2f8: {  	v29 =	vor.u32 s6, v0;
	v30 =	vor.u32 s2, v0;
	v16 =	vor.u32 s1, v0;
	s1 =	sadd.s32 $0xFFFFFF90, s14;
	v28 =	vld [tilespmem:s4+$0x50]  }
0x2f9: {  	s2 =	sadd.s32 $0xFFFFFF50, s14;
	vm1 =	vgt.f32 v9, v19;
	v9 =	vmax.f32 v19, v9;
	v19 =	vor.u32 s1, v0  }
0x2fa: {  	vm2 =	vgt.f32 v17, v11;
	v17 =	vmax.f32 v11, v17;
	v11 =	vor.u32 s2, v0;
	v31 =	vld [tilespmem:s4+$0x60]  }
0x2fb: {  	v18 =	vsel vm2, v16, v18;
	v16 =	vld [tilespmem:s4+$0x70];
	vm2 =	vgt.f32 v13, v9;
	v9 =	vmax.f32 v9, v13  }
0x2fc: {  	v8 =	vsel vm0, v24, v8;
	s1 =	sadd.s32 $0xFFFFFFC0, s14;
	vm3 =	vgt.f32 v23, v15;
	vm0 =	vgt.f32 v25, v10;
	v13 =	vld [tilespmem:s4+$0x130]  }
0x2fd: {  	v8 =	vsel vm1, v11, v8;
	v11 =	vor.u32 s1, v0;
	vm1 =	vgt.f32 v28, v17;
	v24 =	vld [tilespmem:s4+$0x120]  }
0x2fe: {  	v15 =	vmax.f32 v15, v23;
	v10 =	vmax.f32 v10, v25;
	v14 =	vsel vm3, v20, v14  }
0x2ff: {  	v8 =	vsel vm2, v19, v8;
	v12 =	vsel vm0, v22, v12;
	vm0 =	vgt.f32 v31, v10;
	v19 =	vld [tilespmem:s4+$0x160]  }
0x300: {  	s1 =	sadd.s32 $0xFFFFFFD0, s14;
	v20 =	vsel vm0, v26, v12;
	vm2 =	vgt.f32 v16, v15;
	v15 =	vmax.f32 v15, v16;
	v22 =	vld [tilespmem:s4+$0x110]  }
0x301: {  	vm3 =	vgt.f32 v7, v9;
	v10 =	vmax.f32 v10, v31;
	v16 =	vor.u32 s1, v0;
	v12 =	vld [tilespmem:s4+$0x150]  }
.Ltmp12:
0x302: {  	vm0 =	vgt.f32 v13, v15;
	v8 =	vsel vm3, v16, v8;
	vm4 =	vgt.f32 v24, v10;
	v16 =	vld [tilespmem:s4+$0x170];
	(pc) =	sbr.rel @p0 .LBB2_23-.Ltmp12, $4  }
0x303: {  	v18 =	vsel vm1, v29, v18;
	v15 =	vmax.f32 v15, v13;
	v10 =	vmax.f32 v10, v24  }
0x304: {  	v17 =	vmax.f32 v17, v28;
	v14 =	vsel vm2, v21, v14;
	v13 =	vsel vm4, v30, v20  }
0x305: {  	vm1 =	vgt.f32 v19, v10;
	vm2 =	vgt.f32 v22, v17;
	v17 =	vmax.f32 v17, v22  }
0x306: {  	s4 =	sadd.s32 $0x200, s4;
	v10 =	vmax.f32 v10, v19;
	v18 =	vsel vm2, v27, v18;
	vm2 =	vgt.f32 v12, v17  }
0x307: {  	v19 =	vmax.f32 v15, v16;
	v12 =	vmax.f32 v17, v12;
	v7 =	vmax.f32 v9, v7  }
0x308: {  	v9 =	vmax.f32 v7, v12;
	v17 =	vmax.f32 v10, v19  }
0x309: {  	v9 =	vmax.f32 v9, v17  }
0x30a: {  	(xrf0) =	vmax.scan.msk.f32 $0xffff, v9;
	_ =	sdelay $0x5  }
0x30b: {  	v9, _, _ =	vpop (xrf0)  }
0x30c: {  	v9 =	vperm.xlane v9, v1;
	_ =	sdelay $0x1  }
0x30d: {  	(xrf0) =	vmax.scan.msk.f32 $0xffff, v9;
	_ =	sdelay $0x4  }
0x30e: {  	v6 =	vsel vm2, v6, v18  }
0x30f: {  	vm13 =	vgt.f32 v16, v15;
	v11 =	vsel vm0, v11, v14;
	v4 =	vsel vm1, v4, v13;
	v9, _, _ =	vpop (xrf0)  }
0x310: {  	v5 =	vsel vm13, v5, v11;
	vm14 =	veq.f32 v7, v9;
	vm15 =	veq.f32 v12, v9  }
0x311: {  	vm4 =	veq.f32 v10, v9;
	vm5 =	veq.f32 v19, v9;
	v7 =	vnsel vm14, $0x1000, v8  }
0x312: {  	v6 =	vnsel vm15, $0x1000, v6;
	v4 =	vnsel vm4, $0x1000, v4;
	v5 =	vnsel vm5, $0x1000, v5  }
0x313: {  	vm0 =	vlt.s32 v7, v6;
	vm1 =	vlt.s32 v4, v5  }
0x314: {  	v6 =	vsel vm0, v7, v6;
	v4 =	vsel vm1, v4, v5  }
0x315: {  	vm0 =	vlt.s32 v6, v4  }
0x316: {  	v4 =	vsel vm0, v6, v4  }
0x317: {  	v4 =	vsub.s32 $0x80000000, v4  }
0x318: {  	(xrf0) =	vmax.scan.msk.u32 $0xffff, v4;
	_ =	sdelay $0x5  }
0x319: {  	v4, _, _ =	vpop (xrf0)  }
0x31a: {  	v4 =	vxor.u32 $0x80000000, v4  }
0x31b: {  	v4 =	vperm.xlane v4, v1;
	_ =	sdelay $0x1  }
0x31c: {  	v4 =	vxor.u32 $0x80000000, v4  }
0x31d: {  	(xrf0) =	vmax.scan.msk.u32 $0xffff, v4;
	_ =	sdelay $0x2  }
0x31e: {  	s1 =	simm.s32 $0x0  }
0x31f: {  	s2 =	sand.u32 $0x40, s1;
	s3 =	sand.u32 $0xF80, s1  }
0x320: {  	s3 =	sor.u32 $0x18000, s3;
	s4 =	sor.u32 $0x30, s2  }
0x321: {  	s6 =	sor.u32 $0x10, s2;
	s7 =	sor.u32 $0x20, s2;
	s5 =	sor.u32 s4, s3;
	v4, _, _ =	vpop (xrf0)  }
0x322: {  	s1 =	sand.u32 $0x1F00, s1;
	s22 =	sor.u32 s6, s3;
	s3 =	sor.u32 s7, s3;
	v8 =	vld [tilespmem:s5+$0x0];
	v4 =	vxor.u32 $0x7FFFFFFF, v4  }
0x323: {  	s4 =	sor.u32 s4, s1;
	v11 =	vld [tilespmem:s3+$0x0];
	v4 =	vadd.s32 $0x1, v4  }
0x324: {  	s23 =	sor.u32 s6, s1;
	s7 =	sor.u32 s7, s1;
	s1 =	sor.u32 s2, s1;
	v6 =	vld [tilespmem:s4+$0xE000]  }
0x325: {  	v13 =	vld [tilespmem:s1+$0xE000]  }
0x326: {  	p0 =	por $0x0, $0x0;
	s9 =	simm.s32 $0x1;
	v9 =	vld [tilespmem:s22+$0x0]  }
0x327: {  	s21 =	simm.s32 $0x18000;
	s9 =	simm.s32 @!p0 $0x0;
	v10 =	vld [tilespmem:s23+$0xE000];
	vm6 =	veq.s32 v8, v3  }
0x328: {  	s15 =	sshll.u32 s9, $0x6;
	v7 =	vsel vm6, $0x147AE, v2;
	v4 =	vld.idx.msk [tilespmem:v4+s21+$0x0], $0xffff  }
0x329: {  	s16 =	simm.s32 $0x40;
	s18 =	simm.s32 $0x18040;
	s3 =	sadd.s32 $0x0, s15;
	v12 =	vld [tilespmem:s7+$0xE000];
	v6 =	vadd.f32 v7, v6  }
0x32a: {  	s11 =	sand.u32 $0x40, s16;
	s2 =	sand.u32 $0xF80, s16;
	s17 =	sadd.s32 $0x30, s3;
	v5 =	vld [tilespmem:s21+$0x0]  }
0x32b: {  	s19 =	sor.u32 $0x30, s11;
	s2 =	sor.u32 $0x18000, s2;
	s16 =	sor.u32 $0x6080, s17;
	vm7 =	veq.s32 v9, v3;
	v7 =	vld [tilespmem:s18+$0x0];
	[tilespmem:s4+$0x16000] =	vst v6  }
0x32c: {  	s14 =	simm.s32 $0x80;
	s15 =	sor.u32 $0x10, s11;
	s20 =	sor.u32 s19, s2;
	vm9 =	veq.s32 v11, v3;
	v15 =	vsel vm7, $0x147AE, v2;
	v14 =	vld [tilespmem:s16+$0x8000]  }
0x32d: {  	s17 =	sand.u32 $0x1F00, s14;
	v15 =	vadd.f32 v15, v10;
	v10 =	vsel vm9, $0x147AE, v2;
	s21 =	sor.u32 s15, s2;
	vm8 =	veq.s32 v9, v4;
	v9 =	vld [tilespmem:s20+$0x0]  }
0x32e: {  	s9 =	sor.u32 s19, s17;
	v12 =	vadd.f32 v10, v12;
	s18 =	sor.u32 $0x20, s11;
	v16 =	vld [tilespmem:s21+$0x0]  }
0x32f: {  	p0 =	por !p0, !p0;
	v18 =	vld [tilespmem:s9+$0xE000];
	vm10 =	veq.s32 v5, v3;
	s6 =	sor.u32 s18, s17  }
0x330: {  	s19 =	sadd.s32 $0x10, s3;
	s31 =	sor.u32 s15, s17;
	v17 =	vsel vm10, $0x147AE, v2;
	s2 =	sor.u32 s18, s2;
	[tilespmem:s7+$0x16000] =	vst v12;
	v12 =	vld [tilespmem:s6+$0xE000];
	vm11 =	veq.s32 v8, v4;
	vm12 =	veq.s32 v11, v4  }
0x331: {  	s24 =	sor.u32 s11, s17;
	s22 =	sadd.s32 $0x20, s3;
	[tilespmem:s23+$0x16000] =	vst v15;
	v10 =	vld [tilespmem:s2+$0x0];
	s2 =	simm.s32 $0x1;
	v11 =	vadd.f32 v17, v13;
	v6 =	vsel vm8, $0x147AE, v2;
	v15 =	vsel vm11, $0x147AE, v2  }
0x332: {  	s5 =	sor.u32 $0x6080, s22;
	s4 =	simm.s32 $0x4;
	s2 =	simm.s32 @!p0 $0x0;
	v13 =	vld [tilespmem:s31+$0xE000];
	v8 =	vsel vm12, $0x147AE, v2;
	v15 =	vadd.f32 v14, v15;
	vm13 =	veq.s32 v9, v3  }
0x333: {  	s15 =	sor.u32 $0x6080, s3;
	s3 =	sor.u32 $0x6080, s19;
	s23 =	sshll.u32 s2, $0x6;
	vm14 =	veq.s32 v16, v3;
	vm15 =	veq.s32 v16, v4;
	[tilespmem:s1+$0x16000] =	vst v11;
	v14 =	vld [tilespmem:s24+$0xE000];
	v16 =	vsel vm13, $0x147AE, v2  }
0x334: {  	s11 =	sadd.s32 $0x80, s23;
	s23 =	simm.s32 $0x80;
	v17 =	vsel vm14, $0x147AE, v2;
	v11 =	vsel vm15, $0x147AE, v2;
	[tilespmem:s16+$0x10000] =	vst v15;
	s16 =	simm.s32 $0x18080;
	v15 =	vld [tilespmem:s3+$0x8000];
	v16 =	vadd.f32 v16, v18  }
.LBB2_25:
0x335: {  	s1 =	sand.u32 $0x40, s23  }
0x336: {  	vm0 =	veq.s32 v7, v3;
	s2 =	sadd.s32 $0x10, s11;
	vm1 =	veq.s32 v10, v3;
	vm2 =	veq.s32 v10, v4;
	s7 =	sadd.s32 $0x30, s11;
	v10 =	vld [tilespmem:s5+$0x8000];
	s17 =	sand.u32 $0xF80, s23  }
0x337: {  	s4 =	sadd.s32 $0x4, s4;
	s14 =	sadd.s32 $0x80, s14;
	v13 =	vadd.f32 v17, v13;
	v17 =	vsel vm1, $0x147AE, v2;
	v18 =	vsel vm2, $0x147AE, v2;
	[tilespmem:s9+$0x16000] =	vst v16;
	s7 =	sor.u32 $0x6080, s7;
	v16 =	vld [tilespmem:s15+$0x8000]  }
0x338: {  	s9 =	sor.u32 $0x18000, s17;
	s17 =	sor.u32 $0x30, s1;
	p2 =	slt.u32 s4, $0xFC;
	v19 =	vsel vm0, $0x147AE, v2;
	v12 =	vadd.f32 v17, v12;
	v17 =	vld [tilespmem:s7+$0x8000]  }
0x339: {  	s18 =	sor.u32 $0x10, s1;
	s20 =	sand.u32 $0x1F00, s14;
	s19 =	sor.u32 s17, s9;
	v20 =	vld [tilespmem:s16+$0x0];
	v14 =	vadd.f32 v19, v14;
	[tilespmem:s31+$0x16000] =	vst v13  }
0x33a: {  	s22 =	sor.u32 $0x20, s1;
	vm0 =	veq.s32 v5, v4;
	v5 =	vmovc v7;
	s21 =	sor.u32 s18, s9;
	s31 =	sor.u32 s18, s20;
	v19 =	vld [tilespmem:s19+$0x0];
	[tilespmem:s6+$0x16000] =	vst v12;
	v12 =	vadd.f32 v15, v6;
	v6 =	vmov v11  }
0x33b: {  	vm1 =	veq.s32 v9, v4;
	v7 =	vsel vm0, $0x147AE, v2;
	s18 =	sor.u32 s22, s9;
	s9 =	sor.u32 s17, s20;
	s6 =	sor.u32 s22, s20;
	v11 =	vld [tilespmem:s21+$0x0];
	[tilespmem:s24+$0x16000] =	vst v14;
	v9 =	vadd.f32 v10, v8;
	v8 =	vmovc v18  }
0x33c: {  	v13 =	vsel vm1, $0x147AE, v2;
	s24 =	sor.u32 s1, s20;
	s1 =	sadd.s32 $0x20, s11;
	s11 =	sor.u32 $0x6080, s11;
	v15 =	vld [tilespmem:s9+$0xE000];
	v16 =	vadd.f32 v16, v7;
	[tilespmem:s3+$0x10000] =	vst v12  }
.Ltmp13:
0x33d: {  	s3 =	sor.u32 $0x6080, s2;
	v10 =	vld [tilespmem:s18+$0x0];
	v14 =	vadd.f32 v17, v13;
	[tilespmem:s5+$0x10000] =	vst v9;
	s5 =	sor.u32 $0x6080, s1;
	(pc) =	sbr.rel @p2 .LBB2_25-.Ltmp13, $4  }
0x33e: {  	p0 =	por !p0, !p0;
	s1 =	simm.s32 $0x1;
	v13 =	vld [tilespmem:s31+$0xE000];
	[tilespmem:s15+$0x10000] =	vst v16;
	v7 =	vmov v20;
	s15 =	smov.u32 s11  }
0x33f: {  	s1 =	simm.s32 @!p0 $0x0;
	v12 =	vld [tilespmem:s6+$0xE000];
	vm0 =	veq.s32 v19, v3;
	[tilespmem:s7+$0x10000] =	vst v14;
	v9 =	vmov v19  }
0x340: {  	s1 =	sshll.u32 s1, $0x6;
	v14 =	vld [tilespmem:s24+$0xE000];
	vm1 =	veq.s32 v11, v3;
	vm2 =	veq.s32 v11, v4;
	v16 =	vsel vm0, $0x147AE, v2  }
0x341: {  	s23 =	sadd.s32 $0x40, s23;
	s16 =	sadd.s32 $0x40, s16;
	s11 =	sadd.s32 s1, s14;
	v17 =	vsel vm1, $0x147AE, v2;
	v11 =	vsel vm2, $0x147AE, v2;
	v16 =	vadd.f32 v16, v15;
	v15 =	vld [tilespmem:s3+$0x8000]  }
0x342: {  	vm0 =	veq.s32 v10, v3  }
0x343: {  	vm1 =	veq.s32 v7, v3;
	s1 =	sadd.s32 $0x30, s11;
	v3 =	vld [tilespmem:s5+$0x8000];
	v13 =	vadd.f32 v17, v13;
	v52 =	vsel vm0, $0x147AE, v2  }
0x344: {  	s2 =	sadd.s32 $0x10, s11;
	v53 =	vld [tilespmem:s15+$0x8000];
	[tilespmem:s9+$0x16000] =	vst v16;
	s1 =	sor.u32 $0x6080, s1;
	v18 =	vsel vm1, $0x147AE, v2;
	v12 =	vadd.f32 v52, v12  }
0x345: {  	s4 =	sadd.s32 $0x20, s11;
	s2 =	sor.u32 $0x6080, s2;
	v54 =	vld [tilespmem:s1+$0x8000];
	v14 =	vadd.f32 v18, v14;
	[tilespmem:s31+$0x16000] =	vst v13  }
0x346: {  	s4 =	sor.u32 $0x6080, s4;
	[tilespmem:s6+$0x16000] =	vst v12;
	v55 =	vld [tilespmem:s2+$0x8000]  }
0x347: {  	vm12 =	veq.s32 v5, v4;
	v56 =	vadd.f32 v15, v6;
	[tilespmem:s24+$0x16000] =	vst v14;
	s24 =	sor.u32 $0x6080, s11;
	v57 =	vld [tilespmem:s4+$0x8000]  }
0x348: {  	vm13 =	veq.s32 v9, v4;
	v58 =	vsel vm12, $0x147AE, v2;
	v3 =	vadd.f32 v3, v8;
	v59 =	vld [tilespmem:s24+$0x8000]  }
0x349: {  	v60 =	vsel vm13, $0x147AE, v2;
	v9 =	vadd.f32 v53, v58;
	[tilespmem:s3+$0x10000] =	vst v56  }
0x34a: {  	vm14 =	veq.s32 v10, v4;
	v61 =	vadd.f32 v54, v60;
	[tilespmem:s5+$0x10000] =	vst v3  }
0x34b: {  	vm15 =	veq.s32 v7, v4;
	v3 =	vsel vm14, $0x147AE, v2;
	[tilespmem:s15+$0x10000] =	vst v9;
	v62 =	vadd.f32 v55, v11  }
0x34c: {  	v63 =	vsel vm15, $0x147AE, v2;
	[tilespmem:s1+$0x10000] =	vst v61;
	v3 =	vadd.f32 v57, v3  }
0x34d: {  	v5 =	vadd.f32 v59, v63;
	[tilespmem:s2+$0x10000] =	vst v62  }
.Ltmp14:
0x34e: {  	[tilespmem:s4+$0x10000] =	vst v3;
	(pc) =	sbr.rel @p1 .LBB2_28-.Ltmp14, $4  }
0x34f: {  	[tilespmem:s24+$0x10000] =	vst v5  }
0x350: {  	s1 =	rddreg [dreg:$0x14]  }
0x351: {  	s31 =	simm.s32 $0x16000;
	s1 =	sadd.s32 s13, s1  }
0x352: {  	[hbm4b:s1+s25] =	stream.strided.scatter [tilespmem:s31], [sflag:$0x8], $0x2000, s26, s25, $0x38;
	[tilespmem:$0x19000] =	vst v63  }
0x353: {  	s1 =	rddreg [dreg:$0x15]  }
.Ltmp15:
0x354: {  	s2 =	rddreg [dreg:$0x1];
	s1 =	sadd.s32 s12, s1;
	(pc) =	sbr.rel .LBB2_2-.Ltmp15, $4  }
0x355: {  	s3 =	simm.s32 $0x6000;
	s24 =	rddreg [dreg:$0x0];
	s2 =	sadd.s32 s2, s1  }
0x356: {  	[tilespmem:s3], [sflag:$0x4] =	stream.strided.gather [hbm4b:s2+s25], $0x2000, s26, s25, $0x38;
	[tilespmem:$0x19000] =	vst v63  }
0x357: {  	s31 =	simm.s32 $0xE000;
	s29 =	sadd.s32 $0x1, s29;
	s1 =	sadd.s32 s24, s1  }
0x358: {  	[tilespmem:s31], [sflag:$0x4] =	stream.strided.gather [hbm4b:s1+s25], $0x2000, s26, s25, $0x38;
	[tilespmem:$0x19000] =	vst v63  }
.LBB2_29:
0x359: {  	_ =	sfence.sel $0x180000  }
0x35a: {  	[bflag:$0x0] =	sbarrier.arrive $0xFFFF  }
0x35b: {  	_ =	strace $0x90000047  }
0x35c: {  	s0 =	stileid.u32;
	[bflag:$0x2] =	sbarrier.arrive $0xFFFF  }
0x35d: {  	p0 =	sne.s32 s0, $0x0;
	s0 =	rddreg [dreg:$0x4]  }
0x35e: {  	s0 =	sadd.s32 @!p0 $0x100000, s0  }
0x35f: {  	[sflag:s0] =	ssyncadd.tile.s32 @!p0 $0x1;
	_ =	shalt  }
.Lfunc_end2:
_tile_overlayer_lowered:
.L_overlay_start_2:
0x360: {  	(tag) =	ssettag $0x2  }
0x361: {  	s0 =	rddreg [dreg:$0x0];
	s2 =	stileid.u32  }
0x362: {  	s1 =	rddreg [dreg:$0x1];
	p0 =	sne.s32 s2, $0x0  }
0x363: {  	s3 =	rddreg [dreg:$0x2];
	[bflag:$0x3] =	sbarrier.arrive $0xFFFF;
	s2 =	simm.s32 @!p0 $0x1C09  }
0x364: {  	[timem:s3], [sflag:s2] =	dma.local @!p0 [hbm:s0], s1  }
0x365: {  	s0 =	simm.s32 @!p0 $0x9  }
0x366: {  	_ =	swait.ge @!p0 [sflag:s0], s1  }
0x367: {  	s1 =	ssub.s32 @!p0 $0x0, s1;
	[sflag:s0] =	ssyncset.done @!p0 $0x0  }
0x368: {  	[sflag:s0] =	ssyncadd.s32 @!p0 s1  }
0x369: {  	[bflag:$0x3] =	sbarrier.arrive $0xFFFF  }
0x36a: {  	_ =	shalt  }

</sc_bundles>
